<compile_context>
chip_gen: v7x
topology: tpu7x:2x2x1
jax: 0.10.2.dev20260603
libtpu: 0.0.44.dev20260713+nightly
codegen_flags: <defaults>
</compile_context>

<pallas_src>
import functools

import jax
import jax.numpy as jnp
from jax import lax
from jax.experimental import pallas as pl
from jax.experimental.pallas import tpu as pltpu
from jax.experimental.pallas import tpu_sc as plsc

N = 10000
E = 320000
F = 128
H = 128
C = 10
G = 64
EPS = 1e-5

NC = 2
NS = 16
NW = NC * NS
CH = 128
NP = 10240
STRIPE = NP // NS
NSLAB = 8
SS = 10
RPW = NSLAB * SS
EP = NW * RPW * CH

_DOT = functools.partial(
    lax.dot_general,
    preferred_element_type=jnp.float32,
)


def _mm(a, b):
    return _DOT(a, b, dimension_numbers=(((1,), (0,)), ((), ())))



@functools.cache
def _make_seg_sum_kernel():
    mesh = plsc.VectorSubcoreMesh(core_axis_name="c", subcore_axis_name="s")

    @functools.partial(
        pl.kernel,
        out_type=jax.ShapeDtypeStruct((NC, NP, H), jnp.float32),
        mesh=mesh,
        scratch_types=[
            pltpu.VMEM((SS, CH), jnp.int32),
            pltpu.VMEM((SS, CH), jnp.int32),
            pltpu.VMEM((CH, H), jnp.float32),
            pltpu.VMEM((CH, H), jnp.float32),
            pltpu.VMEM_SHARED((NP, H), jnp.float32),
            pltpu.SemaphoreType.DMA,
            pltpu.SemaphoreType.DMA,
            pltpu.SemaphoreType.DMA,
            pltpu.SemaphoreType.DMA,
        ],
    )
    def seg_sum(h_hbm, src_hbm, dst_hbm, zero_hbm, out_hbm,
                src_v, dst_v, rows_a, rows_b, acc,
                gsem_a, gsem_b, ssem_a, ssem_b):
        cid = lax.axis_index("c")
        sid = lax.axis_index("s")
        wid = sid * NC + cid
        pltpu.sync_copy(zero_hbm, acc.at[pl.ds(sid * STRIPE, STRIPE)])
        plsc.subcore_barrier()

        def start_g(buf, sem, i):
            pltpu.async_copy(h_hbm.at[src_v.at[i]], buf, sem)

        def wait_g(buf, sem):
            pltpu.make_async_copy(h_hbm.at[src_v.at[0]], buf, sem).wait()

        @pl.loop(0, NSLAB)
        def _(s):
            pltpu.sync_copy(src_hbm.at[wid, s], src_v)
            pltpu.sync_copy(dst_hbm.at[wid, s], dst_v)
            start_g(rows_a, gsem_a, 0)

            @pl.loop(0, SS // 2)
            def _(k):
                i = 2 * k
                start_g(rows_b, gsem_b, i + 1)
                wait_g(rows_a, gsem_a)
                pltpu.sync_copy(rows_a, acc.at[dst_v.at[i]], add=True)

                @pl.when(i + 2 < SS)
                def _():
                    start_g(rows_a, gsem_a, i + 2)

                wait_g(rows_b, gsem_b)
                pltpu.sync_copy(rows_b, acc.at[dst_v.at[i + 1]], add=True)

        plsc.subcore_barrier()
        pltpu.sync_copy(acc.at[pl.ds(sid * STRIPE, STRIPE)],
                        out_hbm.at[cid, pl.ds(sid * STRIPE, STRIPE)])

    return seg_sum


def _seg_sum_kernel(h, src2d, dst2d, zero_rows):
    return _make_seg_sum_kernel()(h, src2d, dst2d, zero_rows)



def _bn_apply(x, g, b):
    def body(x_ref, g_ref, b_ref, o_ref):
        xv = x_ref[...]
        m = jnp.mean(xv, axis=0, keepdims=True)
        v = jnp.mean(xv * xv, axis=0, keepdims=True) - m * m
        o_ref[...] = (xv - m) * lax.rsqrt(v + EPS) * g_ref[...] + b_ref[...]

    return pl.pallas_call(
        body, out_shape=jax.ShapeDtypeStruct((N, F), jnp.float32)
    )(x, g.reshape(1, F), b.reshape(1, F))


def _conv_bn(parts, h, wrel, wroot, bias, g2, b2):
    def body(p_ref, h_ref, wr_ref, wt_ref, b_ref, g_ref, bb_ref, o_ref):
        agg = p_ref[0, :N, :] + p_ref[1, :N, :]
        z = _mm(agg, wr_ref[...]) + _mm(h_ref[...], wt_ref[...]) + b_ref[...]
        z = jnp.maximum(z, 0.0)
        m = jnp.mean(z, axis=0, keepdims=True)
        v = jnp.mean(z * z, axis=0, keepdims=True) - m * m
        o_ref[...] = (z - m) * lax.rsqrt(v + EPS) * g_ref[...] + bb_ref[...]

    return pl.pallas_call(
        body, out_shape=jax.ShapeDtypeStruct((N, H), jnp.float32)
    )(parts, h, wrel, wroot, bias.reshape(1, H),
      g2.reshape(1, H), b2.reshape(1, H))


def _conv_pool_head(parts, h, wrel, wroot, bias, batch_row, linw, linb):
    def body(p_ref, h_ref, wr_ref, wt_ref, b_ref, bt_ref, lw_ref, lb_ref,
             o_ref):
        agg = p_ref[0, :N, :] + p_ref[1, :N, :]
        z = _mm(agg, wr_ref[...]) + _mm(h_ref[...], wt_ref[...]) + b_ref[...]
        oh = (lax.broadcasted_iota(jnp.int32, (G, N), 0)
              == bt_ref[...]).astype(jnp.float32)
        sums = _mm(oh, z)
        counts = jnp.sum(oh, axis=1, keepdims=True)
        pooled = sums / jnp.maximum(counts, 1.0)
        o_ref[...] = _mm(pooled, lw_ref[...]) + lb_ref[...]

    return pl.pallas_call(
        body, out_shape=jax.ShapeDtypeStruct((G, C), jnp.float32)
    )(parts, h, wrel, wroot, bias.reshape(1, H), batch_row,
      linw, linb.reshape(1, C))



def kernel(x, edge_index, batch, params):
    p = params
    pad = EP - E
    pad_idx = jnp.arange(pad, dtype=jnp.int32)
    src2d = jnp.concatenate(
        [edge_index[0], (pad_idx * 131) % N]).reshape(NW, NSLAB, SS, CH)
    dst2d = jnp.concatenate(
        [edge_index[1], N + pad_idx % (NP - N)]).reshape(NW, NSLAB, SS, CH)
    zero_rows = jnp.zeros((STRIPE, H), jnp.float32)
    batch_row = batch.reshape(1, N)

    h = _bn_apply(x, p["bn1_g"], p["bn1_b"])
    for i in (1, 2, 3):
        parts = _seg_sum_kernel(h, src2d, dst2d, zero_rows)
        h = _conv_bn(parts, h, p[f"conv{i}_Wrel"], p[f"conv{i}_Wroot"],
                     p[f"conv{i}_b"], p[f"bn{i+1}_g"], p[f"bn{i+1}_b"])
    parts = _seg_sum_kernel(h, src2d, dst2d, zero_rows)
    return _conv_pool_head(parts, h, p["conv4_Wrel"], p["conv4_Wroot"],
                           p["conv4_b"], batch_row, p["lin_W"], p["lin_b"])

# --- scband reference (transcript-rebuilt; emitter-appended) ---
"""Pipeline reference for scband-gcn-26190710571250 (READ-ONLY COPY).

The authoritative reference and input builder live on the scoring server;
editing this copy changes nothing except your own understanding.
"""

import jax, jax.numpy as jnp
import numpy as np

N = 10000
E = 320000
F = 128
H = 128
C = 10
G = 64
EPS = 1e-5

def _bn(x, g, b):
    m = jnp.mean(x, axis=0)
    v = jnp.var(x, axis=0)
    return (x - m) / jnp.sqrt(v + EPS) * g + b

def _graph_conv(x, edge_index, Wrel, Wroot, b):
    src = edge_index[0]
    dst = edge_index[1]
    agg = jax.ops.segment_sum(x[src], dst, num_segments=x.shape[0])
    return agg @ Wrel + x @ Wroot + b

def setup_inputs(seed: int = 0):
    key = jax.random.key(seed)
    ks = jax.random.split(key, 16)
    x = jax.random.normal(ks[0], (N, F), dtype=jnp.float32)
    edge_index = jax.random.randint(ks[1], (2, E), 0, N, dtype=jnp.int32)
    batch = jnp.sort(jax.random.randint(ks[2], (N,), 0, G, dtype=jnp.int32))
    def w(k, shape):
        return jax.random.normal(k, shape, dtype=jnp.float32) * 0.05
    params = {
        'bn1_g': jnp.ones((F,), jnp.float32), 'bn1_b': jnp.zeros((F,), jnp.float32),
        'conv1_Wrel': w(ks[3], (F, H)), 'conv1_Wroot': w(ks[4], (F, H)), 'conv1_b': jnp.zeros((H,), jnp.float32),
        'bn2_g': jnp.ones((H,), jnp.float32), 'bn2_b': jnp.zeros((H,), jnp.float32),
        'conv2_Wrel': w(ks[5], (H, H)), 'conv2_Wroot': w(ks[6], (H, H)), 'conv2_b': jnp.zeros((H,), jnp.float32),
        'bn3_g': jnp.ones((H,), jnp.float32), 'bn3_b': jnp.zeros((H,), jnp.float32),
        'conv3_Wrel': w(ks[7], (H, H)), 'conv3_Wroot': w(ks[8], (H, H)), 'conv3_b': jnp.zeros((H,), jnp.float32),
        'bn4_g': jnp.ones((H,), jnp.float32), 'bn4_b': jnp.zeros((H,), jnp.float32),
        'conv4_Wrel': w(ks[9], (H, H)), 'conv4_Wroot': w(ks[10], (H, H)), 'conv4_b': jnp.zeros((H,), jnp.float32),
        'lin_W': w(ks[11], (H, C)), 'lin_b': jnp.zeros((C,), jnp.float32),
    }
    return {'x': x, 'edge_index': edge_index, 'batch': batch, 'params': params}

def reference(x, edge_index, batch, params):
    h = _bn(x, params['bn1_g'], params['bn1_b'])
    h = jax.nn.relu(_graph_conv(h, edge_index, params['conv1_Wrel'], params['conv1_Wroot'], params['conv1_b']))
    h = _bn(h, params['bn2_g'], params['bn2_b'])
    h = jax.nn.relu(_graph_conv(h, edge_index, params['conv2_Wrel'], params['conv2_Wroot'], params['conv2_b']))
    h = _bn(h, params['bn3_g'], params['bn3_b'])
    h = jax.nn.relu(_graph_conv(h, edge_index, params['conv3_Wrel'], params['conv3_Wroot'], params['conv3_b']))
    h = _bn(h, params['bn4_g'], params['bn4_b'])
    h = _graph_conv(h, edge_index, params['conv4_Wrel'], params['conv4_Wroot'], params['conv4_b'])
    sums = jax.ops.segment_sum(h, batch, num_segments=G)
    counts = jax.ops.segment_sum(jnp.ones((h.shape[0], 1), jnp.float32), batch, num_segments=G)
    pooled = sums / jnp.clip(counts, 1.0)
    return pooled @ params['lin_W'] + params['lin_b']

if __name__ == "__main__":
    import jax
    _d = setup_inputs()
    print(jax.jit(kernel)(*tuple(_d.values())))

</pallas_src>

<mosaic_0001>
#map = affine_map<(d0, d1) -> (0, 0)>
#map1 = affine_map<(d0, d1) -> (0, 0, 0, 0)>
#map2 = affine_map<(d0, d1) -> (0, 0, 0)>
module attributes {stable_mosaic.version = 14 : i64} {
  func.func @seg_sum(%arg0: i32, %arg1: i32, %arg2: memref<10000x128xf32, #tpu.memory_space<hbm>>, %arg3: memref<32x8x10x128xi32, #tpu.memory_space<hbm>>, %arg4: memref<32x8x10x128xi32, #tpu.memory_space<hbm>>, %arg5: memref<640x128xf32, #tpu.memory_space<hbm>>, %arg6: memref<2x10240x128xf32, #tpu.memory_space<hbm>>, %arg7: memref<10x128xi32, #tpu.memory_space<vmem>>, %arg8: memref<10x128xi32, #tpu.memory_space<vmem>>, %arg9: memref<128x128xf32, #tpu.memory_space<vmem>>, %arg10: memref<128x128xf32, #tpu.memory_space<vmem>>, %arg11: memref<10240x128xf32, #tpu.memory_space<vmem_shared>>, %arg12: memref<!tpu.dma_semaphore, #tpu.memory_space<semaphore_mem>>, %arg13: memref<!tpu.dma_semaphore, #tpu.memory_space<semaphore_mem>>, %arg14: memref<!tpu.dma_semaphore, #tpu.memory_space<semaphore_mem>>, %arg15: memref<!tpu.dma_semaphore, #tpu.memory_space<semaphore_mem>>) attributes {dimension_semantics = [#tpu.dimension_semantics<core_parallel>, #tpu.dimension_semantics<subcore_parallel>], iteration_bounds = array<i64: 2, 16>, scalar_prefetch = 0 : i64, scratch_operands = 9 : i64, tpu.core_type = #tpu.core_type<sc_vector_subcore>, window_params = [{transform_indices = #map}, {transform_indices = #map1}, {transform_indices = #map1}, {transform_indices = #map}, {transform_indices = #map2}]} {
    %mul3A = arith.constant 2 : i32
    %mul3A_0 = arith.muli %arg1, %mul3A : i32
    %add3A = arith.addi %mul3A_0, %arg0 : i32
    %mul3A_1 = arith.constant 640 : i32
    %mul3A_2 = arith.muli %arg1, %mul3A_1 : i32
    "tpu.region"() ({
      %run_scoped3A = tpu.sem_alloc : memref<!tpu.dma_semaphore, #tpu.memory_space<semaphore_mem>>
      %dma_start3A = arith.constant 0 : i32
      %dma_start3A_12 = tpu.memref_slice %arg11[%mul3A_2, %dma_start3A] : memref<10240x128xf32, #tpu.memory_space<vmem_shared>> -> memref<640x128xf32, #tpu.memory_space<vmem_shared>>
      tpu.enqueue_dma source(%arg5 : memref<640x128xf32, #tpu.memory_space<hbm>>) target(%dma_start3A_12 : memref<640x128xf32, #tpu.memory_space<vmem_shared>>) target_semaphore(%run_scoped3A : memref<!tpu.dma_semaphore, #tpu.memory_space<semaphore_mem>>)
      %dma_wait3A = arith.constant 0 : i32
      %dma_wait3A_13 = tpu.memref_slice %arg11[%mul3A_2, %dma_wait3A] : memref<10240x128xf32, #tpu.memory_space<vmem_shared>> -> memref<640x128xf32, #tpu.memory_space<vmem_shared>>
      tpu.wait_dma2 semaphore(%run_scoped3A : memref<!tpu.dma_semaphore, #tpu.memory_space<semaphore_mem>>) src(%arg5 : memref<640x128xf32, #tpu.memory_space<hbm>>) dst(%dma_wait3A_13 : memref<640x128xf32, #tpu.memory_space<vmem_shared>>)
      tpu.yield
    }) : () -> ()
    %barrier3A = arith.constant 0 : index
    tpu.barrier barrier_id(%barrier3A)
    %scan3A = arith.constant 0 : i32
    %scan3A_3 = arith.constant 8 : i32
    %scan3A_4 = arith.addi %scan3A, %scan3A_3 : i32
    %scan3A_5 = arith.constant 1 : i32
    scf.for %scan3A_12 = %scan3A to %scan3A_4 step %scan3A_5  : i32 {
      %mul3A_13 = arith.constant 1 : i32
      %mul3A_14 = arith.muli %scan3A_12, %mul3A_13 : i32
      %add3A_15 = arith.constant 0 : i32
      %add3A_16 = arith.addi %add3A_15, %mul3A_14 : i32
      "tpu.region"() ({
        %run_scoped3A = tpu.sem_alloc : memref<!tpu.dma_semaphore, #tpu.memory_space<semaphore_mem>>
        %dma_start3A_28 = arith.constant 0 : i32
        %dma_start3A_29 = arith.constant 0 : i32
        %dma_start3A_30 = tpu.memref_slice %arg3[%add3A, %add3A_16, %dma_start3A_28, %dma_start3A_29] : memref<32x8x10x128xi32, #tpu.memory_space<hbm>> -> memref<1x1x10x128xi32, #tpu.memory_space<hbm>>
        %dma_start3A_31 = tpu.memref_squeeze %dma_start3A_30 : memref<1x1x10x128xi32, #tpu.memory_space<hbm>> -> memref<10x128xi32, #tpu.memory_space<hbm>>
        %dma_start3A_32 = arith.constant 0 : i32
        %dma_start3A_33 = arith.constant 0 : i32
        %dma_start3A_34 = tpu.memref_slice %arg3[%add3A, %add3A_16, %dma_start3A_32, %dma_start3A_33] : memref<32x8x10x128xi32, #tpu.memory_space<hbm>> -> memref<1x1x10x128xi32, #tpu.memory_space<hbm>>
        %dma_start3A_35 = tpu.memref_squeeze %dma_start3A_34 : memref<1x1x10x128xi32, #tpu.memory_space<hbm>> -> memref<10x128xi32, #tpu.memory_space<hbm>>
        tpu.enqueue_dma source(%dma_start3A_35 : memref<10x128xi32, #tpu.memory_space<hbm>>) target(%arg7 : memref<10x128xi32, #tpu.memory_space<vmem>>) target_semaphore(%run_scoped3A : memref<!tpu.dma_semaphore, #tpu.memory_space<semaphore_mem>>)
        %dma_wait3A = arith.constant 0 : i32
        %dma_wait3A_36 = arith.constant 0 : i32
        %dma_wait3A_37 = tpu.memref_slice %arg3[%add3A, %add3A_16, %dma_wait3A, %dma_wait3A_36] : memref<32x8x10x128xi32, #tpu.memory_space<hbm>> -> memref<1x1x10x128xi32, #tpu.memory_space<hbm>>
        %dma_wait3A_38 = tpu.memref_squeeze %dma_wait3A_37 : memref<1x1x10x128xi32, #tpu.memory_space<hbm>> -> memref<10x128xi32, #tpu.memory_space<hbm>>
        %dma_wait3A_39 = arith.constant 0 : i32
        %dma_wait3A_40 = arith.constant 0 : i32
        %dma_wait3A_41 = tpu.memref_slice %arg3[%add3A, %add3A_16, %dma_wait3A_39, %dma_wait3A_40] : memref<32x8x10x128xi32, #tpu.memory_space<hbm>> -> memref<1x1x10x128xi32, #tpu.memory_space<hbm>>
        %dma_wait3A_42 = tpu.memref_squeeze %dma_wait3A_41 : memref<1x1x10x128xi32, #tpu.memory_space<hbm>> -> memref<10x128xi32, #tpu.memory_space<hbm>>
        tpu.wait_dma2 semaphore(%run_scoped3A : memref<!tpu.dma_semaphore, #tpu.memory_space<semaphore_mem>>) src(%dma_wait3A_42 : memref<10x128xi32, #tpu.memory_space<hbm>>) dst(%arg7 : memref<10x128xi32, #tpu.memory_space<vmem>>)
        tpu.yield
      }) : () -> ()
      "tpu.region"() ({
        %run_scoped3A = tpu.sem_alloc : memref<!tpu.dma_semaphore, #tpu.memory_space<semaphore_mem>>
        %dma_start3A_28 = arith.constant 0 : i32
        %dma_start3A_29 = arith.constant 0 : i32
        %dma_start3A_30 = tpu.memref_slice %arg4[%add3A, %add3A_16, %dma_start3A_28, %dma_start3A_29] : memref<32x8x10x128xi32, #tpu.memory_space<hbm>> -> memref<1x1x10x128xi32, #tpu.memory_space<hbm>>
        %dma_start3A_31 = tpu.memref_squeeze %dma_start3A_30 : memref<1x1x10x128xi32, #tpu.memory_space<hbm>> -> memref<10x128xi32, #tpu.memory_space<hbm>>
        %dma_start3A_32 = arith.constant 0 : i32
        %dma_start3A_33 = arith.constant 0 : i32
        %dma_start3A_34 = tpu.memref_slice %arg4[%add3A, %add3A_16, %dma_start3A_32, %dma_start3A_33] : memref<32x8x10x128xi32, #tpu.memory_space<hbm>> -> memref<1x1x10x128xi32, #tpu.memory_space<hbm>>
        %dma_start3A_35 = tpu.memref_squeeze %dma_start3A_34 : memref<1x1x10x128xi32, #tpu.memory_space<hbm>> -> memref<10x128xi32, #tpu.memory_space<hbm>>
        tpu.enqueue_dma source(%dma_start3A_35 : memref<10x128xi32, #tpu.memory_space<hbm>>) target(%arg8 : memref<10x128xi32, #tpu.memory_space<vmem>>) target_semaphore(%run_scoped3A : memref<!tpu.dma_semaphore, #tpu.memory_space<semaphore_mem>>)
        %dma_wait3A = arith.constant 0 : i32
        %dma_wait3A_36 = arith.constant 0 : i32
        %dma_wait3A_37 = tpu.memref_slice %arg4[%add3A, %add3A_16, %dma_wait3A, %dma_wait3A_36] : memref<32x8x10x128xi32, #tpu.memory_space<hbm>> -> memref<1x1x10x128xi32, #tpu.memory_space<hbm>>
        %dma_wait3A_38 = tpu.memref_squeeze %dma_wait3A_37 : memref<1x1x10x128xi32, #tpu.memory_space<hbm>> -> memref<10x128xi32, #tpu.memory_space<hbm>>
        %dma_wait3A_39 = arith.constant 0 : i32
        %dma_wait3A_40 = arith.constant 0 : i32
        %dma_wait3A_41 = tpu.memref_slice %arg4[%add3A, %add3A_16, %dma_wait3A_39, %dma_wait3A_40] : memref<32x8x10x128xi32, #tpu.memory_space<hbm>> -> memref<1x1x10x128xi32, #tpu.memory_space<hbm>>
        %dma_wait3A_42 = tpu.memref_squeeze %dma_wait3A_41 : memref<1x1x10x128xi32, #tpu.memory_space<hbm>> -> memref<10x128xi32, #tpu.memory_space<hbm>>
        tpu.wait_dma2 semaphore(%run_scoped3A : memref<!tpu.dma_semaphore, #tpu.memory_space<semaphore_mem>>) src(%dma_wait3A_42 : memref<10x128xi32, #tpu.memory_space<hbm>>) dst(%arg8 : memref<10x128xi32, #tpu.memory_space<vmem>>)
        tpu.yield
      }) : () -> ()
      %dma_start3A = arith.constant 0 : i32
      %dma_start3A_17 = arith.constant 0 : i32
      %dma_start3A_18 = tpu.memref_slice %arg7[%dma_start3A, %dma_start3A_17] : memref<10x128xi32, #tpu.memory_space<vmem>> -> memref<1x128xi32, #tpu.memory_space<vmem>>
      %dma_start3A_19 = tpu.memref_squeeze %dma_start3A_18 : memref<1x128xi32, #tpu.memory_space<vmem>> -> memref<128xi32, #tpu.memory_space<vmem>>
      %dma_start3A_20 = arith.constant 0 : i32
      %dma_start3A_21 = arith.constant 0 : i32
      %dma_start3A_22 = tpu.memref_slice %arg2[%dma_start3A_20, %dma_start3A_21] : memref<10000x128xf32, #tpu.memory_space<hbm>> -> memref<10000x128xf32, #tpu.memory_space<hbm>>
      tpu.enqueue_indirect_dma source(%dma_start3A_22 : memref<10000x128xf32, #tpu.memory_space<hbm>>) target(%arg9 : memref<128x128xf32, #tpu.memory_space<vmem>>) offsets(%dma_start3A_19 : memref<128xi32, #tpu.memory_space<vmem>>) semaphore(%arg12 : memref<!tpu.dma_semaphore, #tpu.memory_space<semaphore_mem>>)
      %scan3A_23 = arith.constant 0 : i32
      %scan3A_24 = arith.constant 5 : i32
      %scan3A_25 = arith.addi %scan3A_23, %scan3A_24 : i32
      %scan3A_26 = arith.constant 1 : i32
      scf.for %scan3A_28 = %scan3A_23 to %scan3A_25 step %scan3A_26  : i32 {
        %mul3A_29 = arith.constant 1 : i32
        %mul3A_30 = arith.muli %scan3A_28, %mul3A_29 : i32
        %add3A_31 = arith.constant 0 : i32
        %add3A_32 = arith.addi %add3A_31, %mul3A_30 : i32
        %mul3A_33 = arith.constant 2 : i32
        %mul3A_34 = arith.muli %mul3A_33, %add3A_32 : i32
        %add3A_35 = arith.constant 1 : i32
        %add3A_36 = arith.addi %mul3A_34, %add3A_35 : i32
        %dma_start3A_37 = arith.constant 0 : i32
        %dma_start3A_38 = tpu.memref_slice %arg7[%add3A_36, %dma_start3A_37] : memref<10x128xi32, #tpu.memory_space<vmem>> -> memref<1x128xi32, #tpu.memory_space<vmem>>
        %dma_start3A_39 = tpu.memref_squeeze %dma_start3A_38 : memref<1x128xi32, #tpu.memory_space<vmem>> -> memref<128xi32, #tpu.memory_space<vmem>>
        %dma_start3A_40 = arith.constant 0 : i32
        %dma_start3A_41 = arith.constant 0 : i32
        %dma_start3A_42 = tpu.memref_slice %arg2[%dma_start3A_40, %dma_start3A_41] : memref<10000x128xf32, #tpu.memory_space<hbm>> -> memref<10000x128xf32, #tpu.memory_space<hbm>>
        tpu.enqueue_indirect_dma source(%dma_start3A_42 : memref<10000x128xf32, #tpu.memory_space<hbm>>) target(%arg10 : memref<128x128xf32, #tpu.memory_space<vmem>>) offsets(%dma_start3A_39 : memref<128xi32, #tpu.memory_space<vmem>>) semaphore(%arg13 : memref<!tpu.dma_semaphore, #tpu.memory_space<semaphore_mem>>)
        %dma_wait3A = arith.constant 0 : i32
        %dma_wait3A_43 = arith.constant 0 : i32
        %dma_wait3A_44 = tpu.memref_slice %arg7[%dma_wait3A, %dma_wait3A_43] : memref<10x128xi32, #tpu.memory_space<vmem>> -> memref<1x128xi32, #tpu.memory_space<vmem>>
        %dma_wait3A_45 = tpu.memref_squeeze %dma_wait3A_44 : memref<1x128xi32, #tpu.memory_space<vmem>> -> memref<128xi32, #tpu.memory_space<vmem>>
        %dma_wait3A_46 = arith.constant 0 : i32
        %dma_wait3A_47 = arith.constant 0 : i32
        %dma_wait3A_48 = tpu.memref_slice %arg2[%dma_wait3A_46, %dma_wait3A_47] : memref<10000x128xf32, #tpu.memory_space<hbm>> -> memref<10000x128xf32, #tpu.memory_space<hbm>>
        tpu.wait_indirect_dma semaphore(%arg12 : memref<!tpu.dma_semaphore, #tpu.memory_space<semaphore_mem>>) src(%dma_wait3A_48 : memref<10000x128xf32, #tpu.memory_space<hbm>>) dst(%arg9 : memref<128x128xf32, #tpu.memory_space<vmem>>)
        "tpu.region"() ({
          %run_scoped3A = tpu.sem_alloc : memref<!tpu.dma_semaphore, #tpu.memory_space<semaphore_mem>>
          %dma_start3A_62 = arith.constant 0 : i32
          %dma_start3A_63 = tpu.memref_slice %arg8[%mul3A_34, %dma_start3A_62] : memref<10x128xi32, #tpu.memory_space<vmem>> -> memref<1x128xi32, #tpu.memory_space<vmem>>
          %dma_start3A_64 = tpu.memref_squeeze %dma_start3A_63 : memref<1x128xi32, #tpu.memory_space<vmem>> -> memref<128xi32, #tpu.memory_space<vmem>>
          %dma_start3A_65 = arith.constant 0 : i32
          %dma_start3A_66 = arith.constant 0 : i32
          %dma_start3A_67 = tpu.memref_slice %arg11[%dma_start3A_65, %dma_start3A_66] : memref<10240x128xf32, #tpu.memory_space<vmem_shared>> -> memref<10240x128xf32, #tpu.memory_space<vmem_shared>>
          tpu.enqueue_indirect_dma source(%arg9 : memref<128x128xf32, #tpu.memory_space<vmem>>) target(%dma_start3A_67 : memref<10240x128xf32, #tpu.memory_space<vmem_shared>>) offsets(%dma_start3A_64 : memref<128xi32, #tpu.memory_space<vmem>>) semaphore(%run_scoped3A : memref<!tpu.dma_semaphore, #tpu.memory_space<semaphore_mem>>) {add = true}
          %dma_wait3A_68 = arith.constant 0 : i32
          %dma_wait3A_69 = tpu.memref_slice %arg8[%mul3A_34, %dma_wait3A_68] : memref<10x128xi32, #tpu.memory_space<vmem>> -> memref<1x128xi32, #tpu.memory_space<vmem>>
          %dma_wait3A_70 = tpu.memref_squeeze %dma_wait3A_69 : memref<1x128xi32, #tpu.memory_space<vmem>> -> memref<128xi32, #tpu.memory_space<vmem>>
          %dma_wait3A_71 = arith.constant 0 : i32
          %dma_wait3A_72 = arith.constant 0 : i32
          %dma_wait3A_73 = tpu.memref_slice %arg11[%dma_wait3A_71, %dma_wait3A_72] : memref<10240x128xf32, #tpu.memory_space<vmem_shared>> -> memref<10240x128xf32, #tpu.memory_space<vmem_shared>>
          tpu.wait_indirect_dma semaphore(%run_scoped3A : memref<!tpu.dma_semaphore, #tpu.memory_space<semaphore_mem>>) src(%arg9 : memref<128x128xf32, #tpu.memory_space<vmem>>) dst(%dma_wait3A_73 : memref<10240x128xf32, #tpu.memory_space<vmem_shared>>)
          tpu.yield
        }) : () -> ()
        %add3A_49 = arith.constant 2 : i32
        %add3A_50 = arith.addi %mul3A_34, %add3A_49 : i32
        %lt3A = arith.constant 10 : i32
        %lt3A_51 = arith.cmpi slt, %add3A_50, %lt3A : i32
        %convert_element_type3A = arith.extui %lt3A_51 : i1 to i32
        %cond3A = arith.constant 0 : i32
        %cond3A_52 = arith.cmpi ne, %convert_element_type3A, %cond3A : i32
        scf.if %cond3A_52 {
          %add3A_62 = arith.constant 2 : i32
          %add3A_63 = arith.addi %mul3A_34, %add3A_62 : i32
          %dma_start3A_64 = arith.constant 0 : i32
          %dma_start3A_65 = tpu.memref_slice %arg7[%add3A_63, %dma_start3A_64] : memref<10x128xi32, #tpu.memory_space<vmem>> -> memref<1x128xi32, #tpu.memory_space<vmem>>
          %dma_start3A_66 = tpu.memref_squeeze %dma_start3A_65 : memref<1x128xi32, #tpu.memory_space<vmem>> -> memref<128xi32, #tpu.memory_space<vmem>>
          %dma_start3A_67 = arith.constant 0 : i32
          %dma_start3A_68 = arith.constant 0 : i32
          %dma_start3A_69 = tpu.memref_slice %arg2[%dma_start3A_67, %dma_start3A_68] : memref<10000x128xf32, #tpu.memory_space<hbm>> -> memref<10000x128xf32, #tpu.memory_space<hbm>>
          tpu.enqueue_indirect_dma source(%dma_start3A_69 : memref<10000x128xf32, #tpu.memory_space<hbm>>) target(%arg9 : memref<128x128xf32, #tpu.memory_space<vmem>>) offsets(%dma_start3A_66 : memref<128xi32, #tpu.memory_space<vmem>>) semaphore(%arg12 : memref<!tpu.dma_semaphore, #tpu.memory_space<semaphore_mem>>)
        } else {
        }
        %dma_wait3A_53 = arith.constant 0 : i32
        %dma_wait3A_54 = arith.constant 0 : i32
        %dma_wait3A_55 = tpu.memref_slice %arg7[%dma_wait3A_53, %dma_wait3A_54] : memref<10x128xi32, #tpu.memory_space<vmem>> -> memref<1x128xi32, #tpu.memory_space<vmem>>
        %dma_wait3A_56 = tpu.memref_squeeze %dma_wait3A_55 : memref<1x128xi32, #tpu.memory_space<vmem>> -> memref<128xi32, #tpu.memory_space<vmem>>
        %dma_wait3A_57 = arith.constant 0 : i32
        %dma_wait3A_58 = arith.constant 0 : i32
        %dma_wait3A_59 = tpu.memref_slice %arg2[%dma_wait3A_57, %dma_wait3A_58] : memref<10000x128xf32, #tpu.memory_space<hbm>> -> memref<10000x128xf32, #tpu.memory_space<hbm>>
        tpu.wait_indirect_dma semaphore(%arg13 : memref<!tpu.dma_semaphore, #tpu.memory_space<semaphore_mem>>) src(%dma_wait3A_59 : memref<10000x128xf32, #tpu.memory_space<hbm>>) dst(%arg10 : memref<128x128xf32, #tpu.memory_space<vmem>>)
        %add3A_60 = arith.constant 1 : i32
        %add3A_61 = arith.addi %mul3A_34, %add3A_60 : i32
        "tpu.region"() ({
          %run_scoped3A = tpu.sem_alloc : memref<!tpu.dma_semaphore, #tpu.memory_space<semaphore_mem>>
          %dma_start3A_62 = arith.constant 0 : i32
          %dma_start3A_63 = tpu.memref_slice %arg8[%add3A_61, %dma_start3A_62] : memref<10x128xi32, #tpu.memory_space<vmem>> -> memref<1x128xi32, #tpu.memory_space<vmem>>
          %dma_start3A_64 = tpu.memref_squeeze %dma_start3A_63 : memref<1x128xi32, #tpu.memory_space<vmem>> -> memref<128xi32, #tpu.memory_space<vmem>>
          %dma_start3A_65 = arith.constant 0 : i32
          %dma_start3A_66 = arith.constant 0 : i32
          %dma_start3A_67 = tpu.memref_slice %arg11[%dma_start3A_65, %dma_start3A_66] : memref<10240x128xf32, #tpu.memory_space<vmem_shared>> -> memref<10240x128xf32, #tpu.memory_space<vmem_shared>>
          tpu.enqueue_indirect_dma source(%arg10 : memref<128x128xf32, #tpu.memory_space<vmem>>) target(%dma_start3A_67 : memref<10240x128xf32, #tpu.memory_space<vmem_shared>>) offsets(%dma_start3A_64 : memref<128xi32, #tpu.memory_space<vmem>>) semaphore(%run_scoped3A : memref<!tpu.dma_semaphore, #tpu.memory_space<semaphore_mem>>) {add = true}
          %dma_wait3A_68 = arith.constant 0 : i32
          %dma_wait3A_69 = tpu.memref_slice %arg8[%add3A_61, %dma_wait3A_68] : memref<10x128xi32, #tpu.memory_space<vmem>> -> memref<1x128xi32, #tpu.memory_space<vmem>>
          %dma_wait3A_70 = tpu.memref_squeeze %dma_wait3A_69 : memref<1x128xi32, #tpu.memory_space<vmem>> -> memref<128xi32, #tpu.memory_space<vmem>>
          %dma_wait3A_71 = arith.constant 0 : i32
          %dma_wait3A_72 = arith.constant 0 : i32
          %dma_wait3A_73 = tpu.memref_slice %arg11[%dma_wait3A_71, %dma_wait3A_72] : memref<10240x128xf32, #tpu.memory_space<vmem_shared>> -> memref<10240x128xf32, #tpu.memory_space<vmem_shared>>
          tpu.wait_indirect_dma semaphore(%run_scoped3A : memref<!tpu.dma_semaphore, #tpu.memory_space<semaphore_mem>>) src(%arg10 : memref<128x128xf32, #tpu.memory_space<vmem>>) dst(%dma_wait3A_73 : memref<10240x128xf32, #tpu.memory_space<vmem_shared>>)
          tpu.yield
        }) : () -> ()
      }
      %scan3A_27 = arith.constant 5 : i32
    }
    %scan3A_6 = arith.constant 8 : i32
    %barrier3A_7 = arith.constant 0 : index
    tpu.barrier barrier_id(%barrier3A_7)
    %mul3A_8 = arith.constant 640 : i32
    %mul3A_9 = arith.muli %arg1, %mul3A_8 : i32
    %mul3A_10 = arith.constant 640 : i32
    %mul3A_11 = arith.muli %arg1, %mul3A_10 : i32
    "tpu.region"() ({
      %run_scoped3A = tpu.sem_alloc : memref<!tpu.dma_semaphore, #tpu.memory_space<semaphore_mem>>
      %dma_start3A = arith.constant 0 : i32
      %dma_start3A_12 = tpu.memref_slice %arg6[%arg0, %mul3A_11, %dma_start3A] : memref<2x10240x128xf32, #tpu.memory_space<hbm>> -> memref<1x640x128xf32, #tpu.memory_space<hbm>>
      %dma_start3A_13 = tpu.memref_squeeze %dma_start3A_12 : memref<1x640x128xf32, #tpu.memory_space<hbm>> -> memref<640x128xf32, #tpu.memory_space<hbm>>
      %dma_start3A_14 = arith.constant 0 : i32
      %dma_start3A_15 = tpu.memref_slice %arg11[%mul3A_9, %dma_start3A_14] : memref<10240x128xf32, #tpu.memory_space<vmem_shared>> -> memref<640x128xf32, #tpu.memory_space<vmem_shared>>
      tpu.enqueue_dma source(%dma_start3A_15 : memref<640x128xf32, #tpu.memory_space<vmem_shared>>) target(%dma_start3A_13 : memref<640x128xf32, #tpu.memory_space<hbm>>) target_semaphore(%run_scoped3A : memref<!tpu.dma_semaphore, #tpu.memory_space<semaphore_mem>>)
      %dma_wait3A = arith.constant 0 : i32
      %dma_wait3A_16 = tpu.memref_slice %arg6[%arg0, %mul3A_11, %dma_wait3A] : memref<2x10240x128xf32, #tpu.memory_space<hbm>> -> memref<1x640x128xf32, #tpu.memory_space<hbm>>
      %dma_wait3A_17 = tpu.memref_squeeze %dma_wait3A_16 : memref<1x640x128xf32, #tpu.memory_space<hbm>> -> memref<640x128xf32, #tpu.memory_space<hbm>>
      %dma_wait3A_18 = arith.constant 0 : i32
      %dma_wait3A_19 = tpu.memref_slice %arg11[%mul3A_9, %dma_wait3A_18] : memref<10240x128xf32, #tpu.memory_space<vmem_shared>> -> memref<640x128xf32, #tpu.memory_space<vmem_shared>>
      tpu.wait_dma2 semaphore(%run_scoped3A : memref<!tpu.dma_semaphore, #tpu.memory_space<semaphore_mem>>) src(%dma_wait3A_19 : memref<640x128xf32, #tpu.memory_space<vmem_shared>>) dst(%dma_wait3A_17 : memref<640x128xf32, #tpu.memory_space<hbm>>)
      tpu.yield
    }) : () -> ()
    return
  }
}

#map = affine_map<(d0, d1) -> (0, 0)>
#map1 = affine_map<(d0, d1) -> (0, 0, 0, 0)>
#map2 = affine_map<(d0, d1) -> (0, 0, 0)>
module attributes {stable_mosaic.version = 14 : i64} {
  func.func @seg_sum(%arg0: i32, %arg1: i32, %arg2: memref<10000x128xf32, #tpu.memory_space<hbm>>, %arg3: memref<32x8x10x128xi32, #tpu.memory_space<hbm>>, %arg4: memref<32x8x10x128xi32, #tpu.memory_space<hbm>>, %arg5: memref<640x128xf32, #tpu.memory_space<hbm>>, %arg6: memref<2x10240x128xf32, #tpu.memory_space<hbm>>, %arg7: memref<10x128xi32, #tpu.memory_space<vmem>>, %arg8: memref<10x128xi32, #tpu.memory_space<vmem>>, %arg9: memref<128x128xf32, #tpu.memory_space<vmem>>, %arg10: memref<128x128xf32, #tpu.memory_space<vmem>>, %arg11: memref<10240x128xf32, #tpu.memory_space<vmem_shared>>, %arg12: memref<!tpu.dma_semaphore, #tpu.memory_space<semaphore_mem>>, %arg13: memref<!tpu.dma_semaphore, #tpu.memory_space<semaphore_mem>>, %arg14: memref<!tpu.dma_semaphore, #tpu.memory_space<semaphore_mem>>, %arg15: memref<!tpu.dma_semaphore, #tpu.memory_space<semaphore_mem>>) attributes {dimension_semantics = [#tpu.dimension_semantics<core_parallel>, #tpu.dimension_semantics<subcore_parallel>], iteration_bounds = array<i64: 2, 16>, scalar_prefetch = 0 : i64, scratch_operands = 9 : i64, tpu.core_type = #tpu.core_type<sc_vector_subcore>, window_params = [{transform_indices = #map}, {transform_indices = #map1}, {transform_indices = #map1}, {transform_indices = #map}, {transform_indices = #map2}]} {
    %mul3A = arith.constant 2 : i32
    %mul3A_0 = arith.muli %arg1, %mul3A : i32
    %add3A = arith.addi %mul3A_0, %arg0 : i32
    %mul3A_1 = arith.constant 640 : i32
    %mul3A_2 = arith.muli %arg1, %mul3A_1 : i32
    "tpu.region"() ({
      %run_scoped3A = tpu.sem_alloc : memref<!tpu.dma_semaphore, #tpu.memory_space<semaphore_mem>>
      %dma_start3A = arith.constant 0 : i32
      %dma_start3A_12 = tpu.memref_slice %arg11[%mul3A_2, %dma_start3A] : memref<10240x128xf32, #tpu.memory_space<vmem_shared>> -> memref<640x128xf32, #tpu.memory_space<vmem_shared>>
      tpu.enqueue_dma source(%arg5 : memref<640x128xf32, #tpu.memory_space<hbm>>) target(%dma_start3A_12 : memref<640x128xf32, #tpu.memory_space<vmem_shared>>) target_semaphore(%run_scoped3A : memref<!tpu.dma_semaphore, #tpu.memory_space<semaphore_mem>>)
      %dma_wait3A = arith.constant 0 : i32
      %dma_wait3A_13 = tpu.memref_slice %arg11[%mul3A_2, %dma_wait3A] : memref<10240x128xf32, #tpu.memory_space<vmem_shared>> -> memref<640x128xf32, #tpu.memory_space<vmem_shared>>
      tpu.wait_dma2 semaphore(%run_scoped3A : memref<!tpu.dma_semaphore, #tpu.memory_space<semaphore_mem>>) src(%arg5 : memref<640x128xf32, #tpu.memory_space<hbm>>) dst(%dma_wait3A_13 : memref<640x128xf32, #tpu.memory_space<vmem_shared>>)
      tpu.yield
    }) : () -> ()
    %barrier3A = arith.constant 0 : index
    tpu.barrier barrier_id(%barrier3A)
    %scan3A = arith.constant 0 : i32
    %scan3A_3 = arith.constant 8 : i32
    %scan3A_4 = arith.addi %scan3A, %scan3A_3 : i32
    %scan3A_5 = arith.constant 1 : i32
    scf.for %scan3A_12 = %scan3A to %scan3A_4 step %scan3A_5  : i32 {
      %mul3A_13 = arith.constant 1 : i32
      %mul3A_14 = arith.muli %scan3A_12, %mul3A_13 : i32
      %add3A_15 = arith.constant 0 : i32
      %add3A_16 = arith.addi %add3A_15, %mul3A_14 : i32
      "tpu.region"() ({
        %run_scoped3A = tpu.sem_alloc : memref<!tpu.dma_semaphore, #tpu.memory_space<semaphore_mem>>
        %dma_start3A_28 = arith.constant 0 : i32
        %dma_start3A_29 = arith.constant 0 : i32
        %dma_start3A_30 = tpu.memref_slice %arg3[%add3A, %add3A_16, %dma_start3A_28, %dma_start3A_29] : memref<32x8x10x128xi32, #tpu.memory_space<hbm>> -> memref<1x1x10x128xi32, #tpu.memory_space<hbm>>
        %dma_start3A_31 = tpu.memref_squeeze %dma_start3A_30 : memref<1x1x10x128xi32, #tpu.memory_space<hbm>> -> memref<10x128xi32, #tpu.memory_space<hbm>>
        %dma_start3A_32 = arith.constant 0 : i32
        %dma_start3A_33 = arith.constant 0 : i32
        %dma_start3A_34 = tpu.memref_slice %arg3[%add3A, %add3A_16, %dma_start3A_32, %dma_start3A_33] : memref<32x8x10x128xi32, #tpu.memory_space<hbm>> -> memref<1x1x10x128xi32, #tpu.memory_space<hbm>>
        %dma_start3A_35 = tpu.memref_squeeze %dma_start3A_34 : memref<1x1x10x128xi32, #tpu.memory_space<hbm>> -> memref<10x128xi32, #tpu.memory_space<hbm>>
        tpu.enqueue_dma source(%dma_start3A_35 : memref<10x128xi32, #tpu.memory_space<hbm>>) target(%arg7 : memref<10x128xi32, #tpu.memory_space<vmem>>) target_semaphore(%run_scoped3A : memref<!tpu.dma_semaphore, #tpu.memory_space<semaphore_mem>>)
        %dma_wait3A = arith.constant 0 : i32
        %dma_wait3A_36 = arith.constant 0 : i32
        %dma_wait3A_37 = tpu.memref_slice %arg3[%add3A, %add3A_16, %dma_wait3A, %dma_wait3A_36] : memref<32x8x10x128xi32, #tpu.memory_space<hbm>> -> memref<1x1x10x128xi32, #tpu.memory_space<hbm>>
        %dma_wait3A_38 = tpu.memref_squeeze %dma_wait3A_37 : memref<1x1x10x128xi32, #tpu.memory_space<hbm>> -> memref<10x128xi32, #tpu.memory_space<hbm>>
        %dma_wait3A_39 = arith.constant 0 : i32
        %dma_wait3A_40 = arith.constant 0 : i32
        %dma_wait3A_41 = tpu.memref_slice %arg3[%add3A, %add3A_16, %dma_wait3A_39, %dma_wait3A_40] : memref<32x8x10x128xi32, #tpu.memory_space<hbm>> -> memref<1x1x10x128xi32, #tpu.memory_space<hbm>>
        %dma_wait3A_42 = tpu.memref_squeeze %dma_wait3A_41 : memref<1x1x10x128xi32, #tpu.memory_space<hbm>> -> memref<10x128xi32, #tpu.memory_space<hbm>>
        tpu.wait_dma2 semaphore(%run_scoped3A : memref<!tpu.dma_semaphore, #tpu.memory_space<semaphore_mem>>) src(%dma_wait3A_42 : memref<10x128xi32, #tpu.memory_space<hbm>>) dst(%arg7 : memref<10x128xi32, #tpu.memory_space<vmem>>)
        tpu.yield
      }) : () -> ()
      "tpu.region"() ({
        %run_scoped3A = tpu.sem_alloc : memref<!tpu.dma_semaphore, #tpu.memory_space<semaphore_mem>>
        %dma_start3A_28 = arith.constant 0 : i32
        %dma_start3A_29 = arith.constant 0 : i32
        %dma_start3A_30 = tpu.memref_slice %arg4[%add3A, %add3A_16, %dma_start3A_28, %dma_start3A_29] : memref<32x8x10x128xi32, #tpu.memory_space<hbm>> -> memref<1x1x10x128xi32, #tpu.memory_space<hbm>>
        %dma_start3A_31 = tpu.memref_squeeze %dma_start3A_30 : memref<1x1x10x128xi32, #tpu.memory_space<hbm>> -> memref<10x128xi32, #tpu.memory_space<hbm>>
        %dma_start3A_32 = arith.constant 0 : i32
        %dma_start3A_33 = arith.constant 0 : i32
        %dma_start3A_34 = tpu.memref_slice %arg4[%add3A, %add3A_16, %dma_start3A_32, %dma_start3A_33] : memref<32x8x10x128xi32, #tpu.memory_space<hbm>> -> memref<1x1x10x128xi32, #tpu.memory_space<hbm>>
        %dma_start3A_35 = tpu.memref_squeeze %dma_start3A_34 : memref<1x1x10x128xi32, #tpu.memory_space<hbm>> -> memref<10x128xi32, #tpu.memory_space<hbm>>
        tpu.enqueue_dma source(%dma_start3A_35 : memref<10x128xi32, #tpu.memory_space<hbm>>) target(%arg8 : memref<10x128xi32, #tpu.memory_space<vmem>>) target_semaphore(%run_scoped3A : memref<!tpu.dma_semaphore, #tpu.memory_space<semaphore_mem>>)
        %dma_wait3A = arith.constant 0 : i32
        %dma_wait3A_36 = arith.constant 0 : i32
        %dma_wait3A_37 = tpu.memref_slice %arg4[%add3A, %add3A_16, %dma_wait3A, %dma_wait3A_36] : memref<32x8x10x128xi32, #tpu.memory_space<hbm>> -> memref<1x1x10x128xi32, #tpu.memory_space<hbm>>
        %dma_wait3A_38 = tpu.memref_squeeze %dma_wait3A_37 : memref<1x1x10x128xi32, #tpu.memory_space<hbm>> -> memref<10x128xi32, #tpu.memory_space<hbm>>
        %dma_wait3A_39 = arith.constant 0 : i32
        %dma_wait3A_40 = arith.constant 0 : i32
        %dma_wait3A_41 = tpu.memref_slice %arg4[%add3A, %add3A_16, %dma_wait3A_39, %dma_wait3A_40] : memref<32x8x10x128xi32, #tpu.memory_space<hbm>> -> memref<1x1x10x128xi32, #tpu.memory_space<hbm>>
        %dma_wait3A_42 = tpu.memref_squeeze %dma_wait3A_41 : memref<1x1x10x128xi32, #tpu.memory_space<hbm>> -> memref<10x128xi32, #tpu.memory_space<hbm>>
        tpu.wait_dma2 semaphore(%run_scoped3A : memref<!tpu.dma_semaphore, #tpu.memory_space<semaphore_mem>>) src(%dma_wait3A_42 : memref<10x128xi32, #tpu.memory_space<hbm>>) dst(%arg8 : memref<10x128xi32, #tpu.memory_space<vmem>>)
        tpu.yield
      }) : () -> ()
      %dma_start3A = arith.constant 0 : i32
      %dma_start3A_17 = arith.constant 0 : i32
      %dma_start3A_18 = tpu.memref_slice %arg7[%dma_start3A, %dma_start3A_17] : memref<10x128xi32, #tpu.memory_space<vmem>> -> memref<1x128xi32, #tpu.memory_space<vmem>>
      %dma_start3A_19 = tpu.memref_squeeze %dma_start3A_18 : memref<1x128xi32, #tpu.memory_space<vmem>> -> memref<128xi32, #tpu.memory_space<vmem>>
      %dma_start3A_20 = arith.constant 0 : i32
      %dma_start3A_21 = arith.constant 0 : i32
      %dma_start3A_22 = tpu.memref_slice %arg2[%dma_start3A_20, %dma_start3A_21] : memref<10000x128xf32, #tpu.memory_space<hbm>> -> memref<10000x128xf32, #tpu.memory_space<hbm>>
      tpu.enqueue_indirect_dma source(%dma_start3A_22 : memref<10000x128xf32, #tpu.memory_space<hbm>>) target(%arg9 : memref<128x128xf32, #tpu.memory_space<vmem>>) offsets(%dma_start3A_19 : memref<128xi32, #tpu.memory_space<vmem>>) semaphore(%arg12 : memref<!tpu.dma_semaphore, #tpu.memory_space<semaphore_mem>>)
      %scan3A_23 = arith.constant 0 : i32
      %scan3A_24 = arith.constant 5 : i32
      %scan3A_25 = arith.addi %scan3A_23, %scan3A_24 : i32
      %scan3A_26 = arith.constant 1 : i32
      scf.for %scan3A_28 = %scan3A_23 to %scan3A_25 step %scan3A_26  : i32 {
        %mul3A_29 = arith.constant 1 : i32
        %mul3A_30 = arith.muli %scan3A_28, %mul3A_29 : i32
        %add3A_31 = arith.constant 0 : i32
        %add3A_32 = arith.addi %add3A_31, %mul3A_30 : i32
        %mul3A_33 = arith.constant 2 : i32
        %mul3A_34 = arith.muli %mul3A_33, %add3A_32 : i32
        %add3A_35 = arith.constant 1 : i32
        %add3A_36 = arith.addi %mul3A_34, %add3A_35 : i32
        %dma_start3A_37 = arith.constant 0 : i32
        %dma_start3A_38 = tpu.memref_slice %arg7[%add3A_36, %dma_start3A_37] : memref<10x128xi32, #tpu.memory_space<vmem>> -> memref<1x128xi32, #tpu.memory_space<vmem>>
        %dma_start3A_39 = tpu.memref_squeeze %dma_start3A_38 : memref<1x128xi32, #tpu.memory_space<vmem>> -> memref<128xi32, #tpu.memory_space<vmem>>
        %dma_start3A_40 = arith.constant 0 : i32
        %dma_start3A_41 = arith.constant 0 : i32
        %dma_start3A_42 = tpu.memref_slice %arg2[%dma_start3A_40, %dma_start3A_41] : memref<10000x128xf32, #tpu.memory_space<hbm>> -> memref<10000x128xf32, #tpu.memory_space<hbm>>
        tpu.enqueue_indirect_dma source(%dma_start3A_42 : memref<10000x128xf32, #tpu.memory_space<hbm>>) target(%arg10 : memref<128x128xf32, #tpu.memory_space<vmem>>) offsets(%dma_start3A_39 : memref<128xi32, #tpu.memory_space<vmem>>) semaphore(%arg13 : memref<!tpu.dma_semaphore, #tpu.memory_space<semaphore_mem>>)
        %dma_wait3A = arith.constant 0 : i32
        %dma_wait3A_43 = arith.constant 0 : i32
        %dma_wait3A_44 = tpu.memref_slice %arg7[%dma_wait3A, %dma_wait3A_43] : memref<10x128xi32, #tpu.memory_space<vmem>> -> memref<1x128xi32, #tpu.memory_space<vmem>>
        %dma_wait3A_45 = tpu.memref_squeeze %dma_wait3A_44 : memref<1x128xi32, #tpu.memory_space<vmem>> -> memref<128xi32, #tpu.memory_space<vmem>>
        %dma_wait3A_46 = arith.constant 0 : i32
        %dma_wait3A_47 = arith.constant 0 : i32
        %dma_wait3A_48 = tpu.memref_slice %arg2[%dma_wait3A_46, %dma_wait3A_47] : memref<10000x128xf32, #tpu.memory_space<hbm>> -> memref<10000x128xf32, #tpu.memory_space<hbm>>
        tpu.wait_indirect_dma semaphore(%arg12 : memref<!tpu.dma_semaphore, #tpu.memory_space<semaphore_mem>>) src(%dma_wait3A_48 : memref<10000x128xf32, #tpu.memory_space<hbm>>) dst(%arg9 : memref<128x128xf32, #tpu.memory_space<vmem>>)
        "tpu.region"() ({
          %run_scoped3A = tpu.sem_alloc : memref<!tpu.dma_semaphore, #tpu.memory_space<semaphore_mem>>
          %dma_start3A_62 = arith.constant 0 : i32
          %dma_start3A_63 = tpu.memref_slice %arg8[%mul3A_34, %dma_start3A_62] : memref<10x128xi32, #tpu.memory_space<vmem>> -> memref<1x128xi32, #tpu.memory_space<vmem>>
          %dma_start3A_64 = tpu.memref_squeeze %dma_start3A_63 : memref<1x128xi32, #tpu.memory_space<vmem>> -> memref<128xi32, #tpu.memory_space<vmem>>
          %dma_start3A_65 = arith.constant 0 : i32
          %dma_start3A_66 = arith.constant 0 : i32
          %dma_start3A_67 = tpu.memref_slice %arg11[%dma_start3A_65, %dma_start3A_66] : memref<10240x128xf32, #tpu.memory_space<vmem_shared>> -> memref<10240x128xf32, #tpu.memory_space<vmem_shared>>
          tpu.enqueue_indirect_dma source(%arg9 : memref<128x128xf32, #tpu.memory_space<vmem>>) target(%dma_start3A_67 : memref<10240x128xf32, #tpu.memory_space<vmem_shared>>) offsets(%dma_start3A_64 : memref<128xi32, #tpu.memory_space<vmem>>) semaphore(%run_scoped3A : memref<!tpu.dma_semaphore, #tpu.memory_space<semaphore_mem>>) {add = true}
          %dma_wait3A_68 = arith.constant 0 : i32
          %dma_wait3A_69 = tpu.memref_slice %arg8[%mul3A_34, %dma_wait3A_68] : memref<10x128xi32, #tpu.memory_space<vmem>> -> memref<1x128xi32, #tpu.memory_space<vmem>>
          %dma_wait3A_70 = tpu.memref_squeeze %dma_wait3A_69 : memref<1x128xi32, #tpu.memory_space<vmem>> -> memref<128xi32, #tpu.memory_space<vmem>>
          %dma_wait3A_71 = arith.constant 0 : i32
          %dma_wait3A_72 = arith.constant 0 : i32
          %dma_wait3A_73 = tpu.memref_slice %arg11[%dma_wait3A_71, %dma_wait3A_72] : memref<10240x128xf32, #tpu.memory_space<vmem_shared>> -> memref<10240x128xf32, #tpu.memory_space<vmem_shared>>
          tpu.wait_indirect_dma semaphore(%run_scoped3A : memref<!tpu.dma_semaphore, #tpu.memory_space<semaphore_mem>>) src(%arg9 : memref<128x128xf32, #tpu.memory_space<vmem>>) dst(%dma_wait3A_73 : memref<10240x128xf32, #tpu.memory_space<vmem_shared>>)
          tpu.yield
        }) : () -> ()
        %add3A_49 = arith.constant 2 : i32
        %add3A_50 = arith.addi %mul3A_34, %add3A_49 : i32
        %lt3A = arith.constant 10 : i32
        %lt3A_51 = arith.cmpi slt, %add3A_50, %lt3A : i32
        %convert_element_type3A = arith.extui %lt3A_51 : i1 to i32
        %cond3A = arith.constant 0 : i32
        %cond3A_52 = arith.cmpi ne, %convert_element_type3A, %cond3A : i32
        scf.if %cond3A_52 {
          %add3A_62 = arith.constant 2 : i32
          %add3A_63 = arith.addi %mul3A_34, %add3A_62 : i32
          %dma_start3A_64 = arith.constant 0 : i32
          %dma_start3A_65 = tpu.memref_slice %arg7[%add3A_63, %dma_start3A_64] : memref<10x128xi32, #tpu.memory_space<vmem>> -> memref<1x128xi32, #tpu.memory_space<vmem>>
          %dma_start3A_66 = tpu.memref_squeeze %dma_start3A_65 : memref<1x128xi32, #tpu.memory_space<vmem>> -> memref<128xi32, #tpu.memory_space<vmem>>
          %dma_start3A_67 = arith.constant 0 : i32
          %dma_start3A_68 = arith.constant 0 : i32
          %dma_start3A_69 = tpu.memref_slice %arg2[%dma_start3A_67, %dma_start3A_68] : memref<10000x128xf32, #tpu.memory_space<hbm>> -> memref<10000x128xf32, #tpu.memory_space<hbm>>
          tpu.enqueue_indirect_dma source(%dma_start3A_69 : memref<10000x128xf32, #tpu.memory_space<hbm>>) target(%arg9 : memref<128x128xf32, #tpu.memory_space<vmem>>) offsets(%dma_start3A_66 : memref<128xi32, #tpu.memory_space<vmem>>) semaphore(%arg12 : memref<!tpu.dma_semaphore, #tpu.memory_space<semaphore_mem>>)
        } else {
        }
        %dma_wait3A_53 = arith.constant 0 : i32
        %dma_wait3A_54 = arith.constant 0 : i32
        %dma_wait3A_55 = tpu.memref_slice %arg7[%dma_wait3A_53, %dma_wait3A_54] : memref<10x128xi32, #tpu.memory_space<vmem>> -> memref<1x128xi32, #tpu.memory_space<vmem>>
        %dma_wait3A_56 = tpu.memref_squeeze %dma_wait3A_55 : memref<1x128xi32, #tpu.memory_space<vmem>> -> memref<128xi32, #tpu.memory_space<vmem>>
        %dma_wait3A_57 = arith.constant 0 : i32
        %dma_wait3A_58 = arith.constant 0 : i32
        %dma_wait3A_59 = tpu.memref_slice %arg2[%dma_wait3A_57, %dma_wait3A_58] : memref<10000x128xf32, #tpu.memory_space<hbm>> -> memref<10000x128xf32, #tpu.memory_space<hbm>>
        tpu.wait_indirect_dma semaphore(%arg13 : memref<!tpu.dma_semaphore, #tpu.memory_space<semaphore_mem>>) src(%dma_wait3A_59 : memref<10000x128xf32, #tpu.memory_space<hbm>>) dst(%arg10 : memref<128x128xf32, #tpu.memory_space<vmem>>)
        %add3A_60 = arith.constant 1 : i32
        %add3A_61 = arith.addi %mul3A_34, %add3A_60 : i32
        "tpu.region"() ({
          %run_scoped3A = tpu.sem_alloc : memref<!tpu.dma_semaphore, #tpu.memory_space<semaphore_mem>>
          %dma_start3A_62 = arith.constant 0 : i32
          %dma_start3A_63 = tpu.memref_slice %arg8[%add3A_61, %dma_start3A_62] : memref<10x128xi32, #tpu.memory_space<vmem>> -> memref<1x128xi32, #tpu.memory_space<vmem>>
          %dma_start3A_64 = tpu.memref_squeeze %dma_start3A_63 : memref<1x128xi32, #tpu.memory_space<vmem>> -> memref<128xi32, #tpu.memory_space<vmem>>
          %dma_start3A_65 = arith.constant 0 : i32
          %dma_start3A_66 = arith.constant 0 : i32
          %dma_start3A_67 = tpu.memref_slice %arg11[%dma_start3A_65, %dma_start3A_66] : memref<10240x128xf32, #tpu.memory_space<vmem_shared>> -> memref<10240x128xf32, #tpu.memory_space<vmem_shared>>
          tpu.enqueue_indirect_dma source(%arg10 : memref<128x128xf32, #tpu.memory_space<vmem>>) target(%dma_start3A_67 : memref<10240x128xf32, #tpu.memory_space<vmem_shared>>) offsets(%dma_start3A_64 : memref<128xi32, #tpu.memory_space<vmem>>) semaphore(%run_scoped3A : memref<!tpu.dma_semaphore, #tpu.memory_space<semaphore_mem>>) {add = true}
          %dma_wait3A_68 = arith.constant 0 : i32
          %dma_wait3A_69 = tpu.memref_slice %arg8[%add3A_61, %dma_wait3A_68] : memref<10x128xi32, #tpu.memory_space<vmem>> -> memref<1x128xi32, #tpu.memory_space<vmem>>
          %dma_wait3A_70 = tpu.memref_squeeze %dma_wait3A_69 : memref<1x128xi32, #tpu.memory_space<vmem>> -> memref<128xi32, #tpu.memory_space<vmem>>
          %dma_wait3A_71 = arith.constant 0 : i32
          %dma_wait3A_72 = arith.constant 0 : i32
          %dma_wait3A_73 = tpu.memref_slice %arg11[%dma_wait3A_71, %dma_wait3A_72] : memref<10240x128xf32, #tpu.memory_space<vmem_shared>> -> memref<10240x128xf32, #tpu.memory_space<vmem_shared>>
          tpu.wait_indirect_dma semaphore(%run_scoped3A : memref<!tpu.dma_semaphore, #tpu.memory_space<semaphore_mem>>) src(%arg10 : memref<128x128xf32, #tpu.memory_space<vmem>>) dst(%dma_wait3A_73 : memref<10240x128xf32, #tpu.memory_space<vmem_shared>>)
          tpu.yield
        }) : () -> ()
      }
      %scan3A_27 = arith.constant 5 : i32
    }
    %scan3A_6 = arith.constant 8 : i32
    %barrier3A_7 = arith.constant 0 : index
    tpu.barrier barrier_id(%barrier3A_7)
    %mul3A_8 = arith.constant 640 : i32
    %mul3A_9 = arith.muli %arg1, %mul3A_8 : i32
    %mul3A_10 = arith.constant 640 : i32
    %mul3A_11 = arith.muli %arg1, %mul3A_10 : i32
    "tpu.region"() ({
      %run_scoped3A = tpu.sem_alloc : memref<!tpu.dma_semaphore, #tpu.memory_space<semaphore_mem>>
      %dma_start3A = arith.constant 0 : i32
      %dma_start3A_12 = tpu.memref_slice %arg6[%arg0, %mul3A_11, %dma_start3A] : memref<2x10240x128xf32, #tpu.memory_space<hbm>> -> memref<1x640x128xf32, #tpu.memory_space<hbm>>
      %dma_start3A_13 = tpu.memref_squeeze %dma_start3A_12 : memref<1x640x128xf32, #tpu.memory_space<hbm>> -> memref<640x128xf32, #tpu.memory_space<hbm>>
      %dma_start3A_14 = arith.constant 0 : i32
      %dma_start3A_15 = tpu.memref_slice %arg11[%mul3A_9, %dma_start3A_14] : memref<10240x128xf32, #tpu.memory_space<vmem_shared>> -> memref<640x128xf32, #tpu.memory_space<vmem_shared>>
      tpu.enqueue_dma source(%dma_start3A_15 : memref<640x128xf32, #tpu.memory_space<vmem_shared>>) target(%dma_start3A_13 : memref<640x128xf32, #tpu.memory_space<hbm>>) target_semaphore(%run_scoped3A : memref<!tpu.dma_semaphore, #tpu.memory_space<semaphore_mem>>)
      %dma_wait3A = arith.constant 0 : i32
      %dma_wait3A_16 = tpu.memref_slice %arg6[%arg0, %mul3A_11, %dma_wait3A] : memref<2x10240x128xf32, #tpu.memory_space<hbm>> -> memref<1x640x128xf32, #tpu.memory_space<hbm>>
      %dma_wait3A_17 = tpu.memref_squeeze %dma_wait3A_16 : memref<1x640x128xf32, #tpu.memory_space<hbm>> -> memref<640x128xf32, #tpu.memory_space<hbm>>
      %dma_wait3A_18 = arith.constant 0 : i32
      %dma_wait3A_19 = tpu.memref_slice %arg11[%mul3A_9, %dma_wait3A_18] : memref<10240x128xf32, #tpu.memory_space<vmem_shared>> -> memref<640x128xf32, #tpu.memory_space<vmem_shared>>
      tpu.wait_dma2 semaphore(%run_scoped3A : memref<!tpu.dma_semaphore, #tpu.memory_space<semaphore_mem>>) src(%dma_wait3A_19 : memref<640x128xf32, #tpu.memory_space<vmem_shared>>) dst(%dma_wait3A_17 : memref<640x128xf32, #tpu.memory_space<hbm>>)
      tpu.yield
    }) : () -> ()
    return
  }
}

#map = affine_map<(d0, d1) -> (0, 0)>
#map1 = affine_map<(d0, d1) -> (0, 0, 0, 0)>
#map2 = affine_map<(d0, d1) -> (0, 0, 0)>
module attributes {stable_mosaic.version = 14 : i64} {
  func.func @seg_sum(%arg0: i32, %arg1: i32, %arg2: memref<10000x128xf32, #tpu.memory_space<hbm>>, %arg3: memref<32x8x10x128xi32, #tpu.memory_space<hbm>>, %arg4: memref<32x8x10x128xi32, #tpu.memory_space<hbm>>, %arg5: memref<640x128xf32, #tpu.memory_space<hbm>>, %arg6: memref<2x10240x128xf32, #tpu.memory_space<hbm>>, %arg7: memref<10x128xi32, #tpu.memory_space<vmem>>, %arg8: memref<10x128xi32, #tpu.memory_space<vmem>>, %arg9: memref<128x128xf32, #tpu.memory_space<vmem>>, %arg10: memref<128x128xf32, #tpu.memory_space<vmem>>, %arg11: memref<10240x128xf32, #tpu.memory_space<vmem_shared>>, %arg12: memref<!tpu.dma_semaphore, #tpu.memory_space<semaphore_mem>>, %arg13: memref<!tpu.dma_semaphore, #tpu.memory_space<semaphore_mem>>, %arg14: memref<!tpu.dma_semaphore, #tpu.memory_space<semaphore_mem>>, %arg15: memref<!tpu.dma_semaphore, #tpu.memory_space<semaphore_mem>>) attributes {dimension_semantics = [#tpu.dimension_semantics<core_parallel>, #tpu.dimension_semantics<subcore_parallel>], iteration_bounds = array<i64: 2, 16>, scalar_prefetch = 0 : i64, scratch_operands = 9 : i64, tpu.core_type = #tpu.core_type<sc_vector_subcore>, window_params = [{transform_indices = #map}, {transform_indices = #map1}, {transform_indices = #map1}, {transform_indices = #map}, {transform_indices = #map2}]} {
    %mul3A = arith.constant 2 : i32
    %mul3A_0 = arith.muli %arg1, %mul3A : i32
    %add3A = arith.addi %mul3A_0, %arg0 : i32
    %mul3A_1 = arith.constant 640 : i32
    %mul3A_2 = arith.muli %arg1, %mul3A_1 : i32
    "tpu.region"() ({
      %run_scoped3A = tpu.sem_alloc : memref<!tpu.dma_semaphore, #tpu.memory_space<semaphore_mem>>
      %dma_start3A = arith.constant 0 : i32
      %dma_start3A_12 = tpu.memref_slice %arg11[%mul3A_2, %dma_start3A] : memref<10240x128xf32, #tpu.memory_space<vmem_shared>> -> memref<640x128xf32, #tpu.memory_space<vmem_shared>>
      tpu.enqueue_dma source(%arg5 : memref<640x128xf32, #tpu.memory_space<hbm>>) target(%dma_start3A_12 : memref<640x128xf32, #tpu.memory_space<vmem_shared>>) target_semaphore(%run_scoped3A : memref<!tpu.dma_semaphore, #tpu.memory_space<semaphore_mem>>)
      %dma_wait3A = arith.constant 0 : i32
      %dma_wait3A_13 = tpu.memref_slice %arg11[%mul3A_2, %dma_wait3A] : memref<10240x128xf32, #tpu.memory_space<vmem_shared>> -> memref<640x128xf32, #tpu.memory_space<vmem_shared>>
      tpu.wait_dma2 semaphore(%run_scoped3A : memref<!tpu.dma_semaphore, #tpu.memory_space<semaphore_mem>>) src(%arg5 : memref<640x128xf32, #tpu.memory_space<hbm>>) dst(%dma_wait3A_13 : memref<640x128xf32, #tpu.memory_space<vmem_shared>>)
      tpu.yield
    }) : () -> ()
    %barrier3A = arith.constant 0 : index
    tpu.barrier barrier_id(%barrier3A)
    %scan3A = arith.constant 0 : i32
    %scan3A_3 = arith.constant 8 : i32
    %scan3A_4 = arith.addi %scan3A, %scan3A_3 : i32
    %scan3A_5 = arith.constant 1 : i32
    scf.for %scan3A_12 = %scan3A to %scan3A_4 step %scan3A_5  : i32 {
      %mul3A_13 = arith.constant 1 : i32
      %mul3A_14 = arith.muli %scan3A_12, %mul3A_13 : i32
      %add3A_15 = arith.constant 0 : i32
      %add3A_16 = arith.addi %add3A_15, %mul3A_14 : i32
      "tpu.region"() ({
        %run_scoped3A = tpu.sem_alloc : memref<!tpu.dma_semaphore, #tpu.memory_space<semaphore_mem>>
        %dma_start3A_28 = arith.constant 0 : i32
        %dma_start3A_29 = arith.constant 0 : i32
        %dma_start3A_30 = tpu.memref_slice %arg3[%add3A, %add3A_16, %dma_start3A_28, %dma_start3A_29] : memref<32x8x10x128xi32, #tpu.memory_space<hbm>> -> memref<1x1x10x128xi32, #tpu.memory_space<hbm>>
        %dma_start3A_31 = tpu.memref_squeeze %dma_start3A_30 : memref<1x1x10x128xi32, #tpu.memory_space<hbm>> -> memref<10x128xi32, #tpu.memory_space<hbm>>
        %dma_start3A_32 = arith.constant 0 : i32
        %dma_start3A_33 = arith.constant 0 : i32
        %dma_start3A_34 = tpu.memref_slice %arg3[%add3A, %add3A_16, %dma_start3A_32, %dma_start3A_33] : memref<32x8x10x128xi32, #tpu.memory_space<hbm>> -> memref<1x1x10x128xi32, #tpu.memory_space<hbm>>
        %dma_start3A_35 = tpu.memref_squeeze %dma_start3A_34 : memref<1x1x10x128xi32, #tpu.memory_space<hbm>> -> memref<10x128xi32, #tpu.memory_space<hbm>>
        tpu.enqueue_dma source(%dma_start3A_35 : memref<10x128xi32, #tpu.memory_space<hbm>>) target(%arg7 : memref<10x128xi32, #tpu.memory_space<vmem>>) target_semaphore(%run_scoped3A : memref<!tpu.dma_semaphore, #tpu.memory_space<semaphore_mem>>)
        %dma_wait3A = arith.constant 0 : i32
        %dma_wait3A_36 = arith.constant 0 : i32
        %dma_wait3A_37 = tpu.memref_slice %arg3[%add3A, %add3A_16, %dma_wait3A, %dma_wait3A_36] : memref<32x8x10x128xi32, #tpu.memory_space<hbm>> -> memref<1x1x10x128xi32, #tpu.memory_space<hbm>>
        %dma_wait3A_38 = tpu.memref_squeeze %dma_wait3A_37 : memref<1x1x10x128xi32, #tpu.memory_space<hbm>> -> memref<10x128xi32, #tpu.memory_space<hbm>>
        %dma_wait3A_39 = arith.constant 0 : i32
        %dma_wait3A_40 = arith.constant 0 : i32
        %dma_wait3A_41 = tpu.memref_slice %arg3[%add3A, %add3A_16, %dma_wait3A_39, %dma_wait3A_40] : memref<32x8x10x128xi32, #tpu.memory_space<hbm>> -> memref<1x1x10x128xi32, #tpu.memory_space<hbm>>
        %dma_wait3A_42 = tpu.memref_squeeze %dma_wait3A_41 : memref<1x1x10x128xi32, #tpu.memory_space<hbm>> -> memref<10x128xi32, #tpu.memory_space<hbm>>
        tpu.wait_dma2 semaphore(%run_scoped3A : memref<!tpu.dma_semaphore, #tpu.memory_space<semaphore_mem>>) src(%dma_wait3A_42 : memref<10x128xi32, #tpu.memory_space<hbm>>) dst(%arg7 : memref<10x128xi32, #tpu.memory_space<vmem>>)
        tpu.yield
      }) : () -> ()
      "tpu.region"() ({
        %run_scoped3A = tpu.sem_alloc : memref<!tpu.dma_semaphore, #tpu.memory_space<semaphore_mem>>
        %dma_start3A_28 = arith.constant 0 : i32
        %dma_start3A_29 = arith.constant 0 : i32
        %dma_start3A_30 = tpu.memref_slice %arg4[%add3A, %add3A_16, %dma_start3A_28, %dma_start3A_29] : memref<32x8x10x128xi32, #tpu.memory_space<hbm>> -> memref<1x1x10x128xi32, #tpu.memory_space<hbm>>
        %dma_start3A_31 = tpu.memref_squeeze %dma_start3A_30 : memref<1x1x10x128xi32, #tpu.memory_space<hbm>> -> memref<10x128xi32, #tpu.memory_space<hbm>>
        %dma_start3A_32 = arith.constant 0 : i32
        %dma_start3A_33 = arith.constant 0 : i32
        %dma_start3A_34 = tpu.memref_slice %arg4[%add3A, %add3A_16, %dma_start3A_32, %dma_start3A_33] : memref<32x8x10x128xi32, #tpu.memory_space<hbm>> -> memref<1x1x10x128xi32, #tpu.memory_space<hbm>>
        %dma_start3A_35 = tpu.memref_squeeze %dma_start3A_34 : memref<1x1x10x128xi32, #tpu.memory_space<hbm>> -> memref<10x128xi32, #tpu.memory_space<hbm>>
        tpu.enqueue_dma source(%dma_start3A_35 : memref<10x128xi32, #tpu.memory_space<hbm>>) target(%arg8 : memref<10x128xi32, #tpu.memory_space<vmem>>) target_semaphore(%run_scoped3A : memref<!tpu.dma_semaphore, #tpu.memory_space<semaphore_mem>>)
        %dma_wait3A = arith.constant 0 : i32
        %dma_wait3A_36 = arith.constant 0 : i32
        %dma_wait3A_37 = tpu.memref_slice %arg4[%add3A, %add3A_16, %dma_wait3A, %dma_wait3A_36] : memref<32x8x10x128xi32, #tpu.memory_space<hbm>> -> memref<1x1x10x128xi32, #tpu.memory_space<hbm>>
        %dma_wait3A_38 = tpu.memref_squeeze %dma_wait3A_37 : memref<1x1x10x128xi32, #tpu.memory_space<hbm>> -> memref<10x128xi32, #tpu.memory_space<hbm>>
        %dma_wait3A_39 = arith.constant 0 : i32
        %dma_wait3A_40 = arith.constant 0 : i32
        %dma_wait3A_41 = tpu.memref_slice %arg4[%add3A, %add3A_16, %dma_wait3A_39, %dma_wait3A_40] : memref<32x8x10x128xi32, #tpu.memory_space<hbm>> -> memref<1x1x10x128xi32, #tpu.memory_space<hbm>>
        %dma_wait3A_42 = tpu.memref_squeeze %dma_wait3A_41 : memref<1x1x10x128xi32, #tpu.memory_space<hbm>> -> memref<10x128xi32, #tpu.memory_space<hbm>>
        tpu.wait_dma2 semaphore(%run_scoped3A : memref<!tpu.dma_semaphore, #tpu.memory_space<semaphore_mem>>) src(%dma_wait3A_42 : memref<10x128xi32, #tpu.memory_space<hbm>>) dst(%arg8 : memref<10x128xi32, #tpu.memory_space<vmem>>)
        tpu.yield
      }) : () -> ()
      %dma_start3A = arith.constant 0 : i32
      %dma_start3A_17 = arith.constant 0 : i32
      %dma_start3A_18 = tpu.memref_slice %arg7[%dma_start3A, %dma_start3A_17] : memref<10x128xi32, #tpu.memory_space<vmem>> -> memref<1x128xi32, #tpu.memory_space<vmem>>
      %dma_start3A_19 = tpu.memref_squeeze %dma_start3A_18 : memref<1x128xi32, #tpu.memory_space<vmem>> -> memref<128xi32, #tpu.memory_space<vmem>>
      %dma_start3A_20 = arith.constant 0 : i32
      %dma_start3A_21 = arith.constant 0 : i32
      %dma_start3A_22 = tpu.memref_slice %arg2[%dma_start3A_20, %dma_start3A_21] : memref<10000x128xf32, #tpu.memory_space<hbm>> -> memref<10000x128xf32, #tpu.memory_space<hbm>>
      tpu.enqueue_indirect_dma source(%dma_start3A_22 : memref<10000x128xf32, #tpu.memory_space<hbm>>) target(%arg9 : memref<128x128xf32, #tpu.memory_space<vmem>>) offsets(%dma_start3A_19 : memref<128xi32, #tpu.memory_space<vmem>>) semaphore(%arg12 : memref<!tpu.dma_semaphore, #tpu.memory_space<semaphore_mem>>)
      %scan3A_23 = arith.constant 0 : i32
      %scan3A_24 = arith.constant 5 : i32
      %scan3A_25 = arith.addi %scan3A_23, %scan3A_24 : i32
      %scan3A_26 = arith.constant 1 : i32
      scf.for %scan3A_28 = %scan3A_23 to %scan3A_25 step %scan3A_26  : i32 {
        %mul3A_29 = arith.constant 1 : i32
        %mul3A_30 = arith.muli %scan3A_28, %mul3A_29 : i32
        %add3A_31 = arith.constant 0 : i32
        %add3A_32 = arith.addi %add3A_31, %mul3A_30 : i32
        %mul3A_33 = arith.constant 2 : i32
        %mul3A_34 = arith.muli %mul3A_33, %add3A_32 : i32
        %add3A_35 = arith.constant 1 : i32
        %add3A_36 = arith.addi %mul3A_34, %add3A_35 : i32
        %dma_start3A_37 = arith.constant 0 : i32
        %dma_start3A_38 = tpu.memref_slice %arg7[%add3A_36, %dma_start3A_37] : memref<10x128xi32, #tpu.memory_space<vmem>> -> memref<1x128xi32, #tpu.memory_space<vmem>>
        %dma_start3A_39 = tpu.memref_squeeze %dma_start3A_38 : memref<1x128xi32, #tpu.memory_space<vmem>> -> memref<128xi32, #tpu.memory_space<vmem>>
        %dma_start3A_40 = arith.constant 0 : i32
        %dma_start3A_41 = arith.constant 0 : i32
        %dma_start3A_42 = tpu.memref_slice %arg2[%dma_start3A_40, %dma_start3A_41] : memref<10000x128xf32, #tpu.memory_space<hbm>> -> memref<10000x128xf32, #tpu.memory_space<hbm>>
        tpu.enqueue_indirect_dma source(%dma_start3A_42 : memref<10000x128xf32, #tpu.memory_space<hbm>>) target(%arg10 : memref<128x128xf32, #tpu.memory_space<vmem>>) offsets(%dma_start3A_39 : memref<128xi32, #tpu.memory_space<vmem>>) semaphore(%arg13 : memref<!tpu.dma_semaphore, #tpu.memory_space<semaphore_mem>>)
        %dma_wait3A = arith.constant 0 : i32
        %dma_wait3A_43 = arith.constant 0 : i32
        %dma_wait3A_44 = tpu.memref_slice %arg7[%dma_wait3A, %dma_wait3A_43] : memref<10x128xi32, #tpu.memory_space<vmem>> -> memref<1x128xi32, #tpu.memory_space<vmem>>
        %dma_wait3A_45 = tpu.memref_squeeze %dma_wait3A_44 : memref<1x128xi32, #tpu.memory_space<vmem>> -> memref<128xi32, #tpu.memory_space<vmem>>
        %dma_wait3A_46 = arith.constant 0 : i32
        %dma_wait3A_47 = arith.constant 0 : i32
        %dma_wait3A_48 = tpu.memref_slice %arg2[%dma_wait3A_46, %dma_wait3A_47] : memref<10000x128xf32, #tpu.memory_space<hbm>> -> memref<10000x128xf32, #tpu.memory_space<hbm>>
        tpu.wait_indirect_dma semaphore(%arg12 : memref<!tpu.dma_semaphore, #tpu.memory_space<semaphore_mem>>) src(%dma_wait3A_48 : memref<10000x128xf32, #tpu.memory_space<hbm>>) dst(%arg9 : memref<128x128xf32, #tpu.memory_space<vmem>>)
        "tpu.region"() ({
          %run_scoped3A = tpu.sem_alloc : memref<!tpu.dma_semaphore, #tpu.memory_space<semaphore_mem>>
          %dma_start3A_62 = arith.constant 0 : i32
          %dma_start3A_63 = tpu.memref_slice %arg8[%mul3A_34, %dma_start3A_62] : memref<10x128xi32, #tpu.memory_space<vmem>> -> memref<1x128xi32, #tpu.memory_space<vmem>>
          %dma_start3A_64 = tpu.memref_squeeze %dma_start3A_63 : memref<1x128xi32, #tpu.memory_space<vmem>> -> memref<128xi32, #tpu.memory_space<vmem>>
          %dma_start3A_65 = arith.constant 0 : i32
          %dma_start3A_66 = arith.constant 0 : i32
          %dma_start3A_67 = tpu.memref_slice %arg11[%dma_start3A_65, %dma_start3A_66] : memref<10240x128xf32, #tpu.memory_space<vmem_shared>> -> memref<10240x128xf32, #tpu.memory_space<vmem_shared>>
          tpu.enqueue_indirect_dma source(%arg9 : memref<128x128xf32, #tpu.memory_space<vmem>>) target(%dma_start3A_67 : memref<10240x128xf32, #tpu.memory_space<vmem_shared>>) offsets(%dma_start3A_64 : memref<128xi32, #tpu.memory_space<vmem>>) semaphore(%run_scoped3A : memref<!tpu.dma_semaphore, #tpu.memory_space<semaphore_mem>>) {add = true}
          %dma_wait3A_68 = arith.constant 0 : i32
          %dma_wait3A_69 = tpu.memref_slice %arg8[%mul3A_34, %dma_wait3A_68] : memref<10x128xi32, #tpu.memory_space<vmem>> -> memref<1x128xi32, #tpu.memory_space<vmem>>
          %dma_wait3A_70 = tpu.memref_squeeze %dma_wait3A_69 : memref<1x128xi32, #tpu.memory_space<vmem>> -> memref<128xi32, #tpu.memory_space<vmem>>
          %dma_wait3A_71 = arith.constant 0 : i32
          %dma_wait3A_72 = arith.constant 0 : i32
          %dma_wait3A_73 = tpu.memref_slice %arg11[%dma_wait3A_71, %dma_wait3A_72] : memref<10240x128xf32, #tpu.memory_space<vmem_shared>> -> memref<10240x128xf32, #tpu.memory_space<vmem_shared>>
          tpu.wait_indirect_dma semaphore(%run_scoped3A : memref<!tpu.dma_semaphore, #tpu.memory_space<semaphore_mem>>) src(%arg9 : memref<128x128xf32, #tpu.memory_space<vmem>>) dst(%dma_wait3A_73 : memref<10240x128xf32, #tpu.memory_space<vmem_shared>>)
          tpu.yield
        }) : () -> ()
        %add3A_49 = arith.constant 2 : i32
        %add3A_50 = arith.addi %mul3A_34, %add3A_49 : i32
        %lt3A = arith.constant 10 : i32
        %lt3A_51 = arith.cmpi slt, %add3A_50, %lt3A : i32
        %convert_element_type3A = arith.extui %lt3A_51 : i1 to i32
        %cond3A = arith.constant 0 : i32
        %cond3A_52 = arith.cmpi ne, %convert_element_type3A, %cond3A : i32
        scf.if %cond3A_52 {
          %add3A_62 = arith.constant 2 : i32
          %add3A_63 = arith.addi %mul3A_34, %add3A_62 : i32
          %dma_start3A_64 = arith.constant 0 : i32
          %dma_start3A_65 = tpu.memref_slice %arg7[%add3A_63, %dma_start3A_64] : memref<10x128xi32, #tpu.memory_space<vmem>> -> memref<1x128xi32, #tpu.memory_space<vmem>>
          %dma_start3A_66 = tpu.memref_squeeze %dma_start3A_65 : memref<1x128xi32, #tpu.memory_space<vmem>> -> memref<128xi32, #tpu.memory_space<vmem>>
          %dma_start3A_67 = arith.constant 0 : i32
          %dma_start3A_68 = arith.constant 0 : i32
          %dma_start3A_69 = tpu.memref_slice %arg2[%dma_start3A_67, %dma_start3A_68] : memref<10000x128xf32, #tpu.memory_space<hbm>> -> memref<10000x128xf32, #tpu.memory_space<hbm>>
          tpu.enqueue_indirect_dma source(%dma_start3A_69 : memref<10000x128xf32, #tpu.memory_space<hbm>>) target(%arg9 : memref<128x128xf32, #tpu.memory_space<vmem>>) offsets(%dma_start3A_66 : memref<128xi32, #tpu.memory_space<vmem>>) semaphore(%arg12 : memref<!tpu.dma_semaphore, #tpu.memory_space<semaphore_mem>>)
        } else {
        }
        %dma_wait3A_53 = arith.constant 0 : i32
        %dma_wait3A_54 = arith.constant 0 : i32
        %dma_wait3A_55 = tpu.memref_slice %arg7[%dma_wait3A_53, %dma_wait3A_54] : memref<10x128xi32, #tpu.memory_space<vmem>> -> memref<1x128xi32, #tpu.memory_space<vmem>>
        %dma_wait3A_56 = tpu.memref_squeeze %dma_wait3A_55 : memref<1x128xi32, #tpu.memory_space<vmem>> -> memref<128xi32, #tpu.memory_space<vmem>>
        %dma_wait3A_57 = arith.constant 0 : i32
        %dma_wait3A_58 = arith.constant 0 : i32
        %dma_wait3A_59 = tpu.memref_slice %arg2[%dma_wait3A_57, %dma_wait3A_58] : memref<10000x128xf32, #tpu.memory_space<hbm>> -> memref<10000x128xf32, #tpu.memory_space<hbm>>
        tpu.wait_indirect_dma semaphore(%arg13 : memref<!tpu.dma_semaphore, #tpu.memory_space<semaphore_mem>>) src(%dma_wait3A_59 : memref<10000x128xf32, #tpu.memory_space<hbm>>) dst(%arg10 : memref<128x128xf32, #tpu.memory_space<vmem>>)
        %add3A_60 = arith.constant 1 : i32
        %add3A_61 = arith.addi %mul3A_34, %add3A_60 : i32
        "tpu.region"() ({
          %run_scoped3A = tpu.sem_alloc : memref<!tpu.dma_semaphore, #tpu.memory_space<semaphore_mem>>
          %dma_start3A_62 = arith.constant 0 : i32
          %dma_start3A_63 = tpu.memref_slice %arg8[%add3A_61, %dma_start3A_62] : memref<10x128xi32, #tpu.memory_space<vmem>> -> memref<1x128xi32, #tpu.memory_space<vmem>>
          %dma_start3A_64 = tpu.memref_squeeze %dma_start3A_63 : memref<1x128xi32, #tpu.memory_space<vmem>> -> memref<128xi32, #tpu.memory_space<vmem>>
          %dma_start3A_65 = arith.constant 0 : i32
          %dma_start3A_66 = arith.constant 0 : i32
          %dma_start3A_67 = tpu.memref_slice %arg11[%dma_start3A_65, %dma_start3A_66] : memref<10240x128xf32, #tpu.memory_space<vmem_shared>> -> memref<10240x128xf32, #tpu.memory_space<vmem_shared>>
          tpu.enqueue_indirect_dma source(%arg10 : memref<128x128xf32, #tpu.memory_space<vmem>>) target(%dma_start3A_67 : memref<10240x128xf32, #tpu.memory_space<vmem_shared>>) offsets(%dma_start3A_64 : memref<128xi32, #tpu.memory_space<vmem>>) semaphore(%run_scoped3A : memref<!tpu.dma_semaphore, #tpu.memory_space<semaphore_mem>>) {add = true}
          %dma_wait3A_68 = arith.constant 0 : i32
          %dma_wait3A_69 = tpu.memref_slice %arg8[%add3A_61, %dma_wait3A_68] : memref<10x128xi32, #tpu.memory_space<vmem>> -> memref<1x128xi32, #tpu.memory_space<vmem>>
          %dma_wait3A_70 = tpu.memref_squeeze %dma_wait3A_69 : memref<1x128xi32, #tpu.memory_space<vmem>> -> memref<128xi32, #tpu.memory_space<vmem>>
          %dma_wait3A_71 = arith.constant 0 : i32
          %dma_wait3A_72 = arith.constant 0 : i32
          %dma_wait3A_73 = tpu.memref_slice %arg11[%dma_wait3A_71, %dma_wait3A_72] : memref<10240x128xf32, #tpu.memory_space<vmem_shared>> -> memref<10240x128xf32, #tpu.memory_space<vmem_shared>>
          tpu.wait_indirect_dma semaphore(%run_scoped3A : memref<!tpu.dma_semaphore, #tpu.memory_space<semaphore_mem>>) src(%arg10 : memref<128x128xf32, #tpu.memory_space<vmem>>) dst(%dma_wait3A_73 : memref<10240x128xf32, #tpu.memory_space<vmem_shared>>)
          tpu.yield
        }) : () -> ()
      }
      %scan3A_27 = arith.constant 5 : i32
    }
    %scan3A_6 = arith.constant 8 : i32
    %barrier3A_7 = arith.constant 0 : index
    tpu.barrier barrier_id(%barrier3A_7)
    %mul3A_8 = arith.constant 640 : i32
    %mul3A_9 = arith.muli %arg1, %mul3A_8 : i32
    %mul3A_10 = arith.constant 640 : i32
    %mul3A_11 = arith.muli %arg1, %mul3A_10 : i32
    "tpu.region"() ({
      %run_scoped3A = tpu.sem_alloc : memref<!tpu.dma_semaphore, #tpu.memory_space<semaphore_mem>>
      %dma_start3A = arith.constant 0 : i32
      %dma_start3A_12 = tpu.memref_slice %arg6[%arg0, %mul3A_11, %dma_start3A] : memref<2x10240x128xf32, #tpu.memory_space<hbm>> -> memref<1x640x128xf32, #tpu.memory_space<hbm>>
      %dma_start3A_13 = tpu.memref_squeeze %dma_start3A_12 : memref<1x640x128xf32, #tpu.memory_space<hbm>> -> memref<640x128xf32, #tpu.memory_space<hbm>>
      %dma_start3A_14 = arith.constant 0 : i32
      %dma_start3A_15 = tpu.memref_slice %arg11[%mul3A_9, %dma_start3A_14] : memref<10240x128xf32, #tpu.memory_space<vmem_shared>> -> memref<640x128xf32, #tpu.memory_space<vmem_shared>>
      tpu.enqueue_dma source(%dma_start3A_15 : memref<640x128xf32, #tpu.memory_space<vmem_shared>>) target(%dma_start3A_13 : memref<640x128xf32, #tpu.memory_space<hbm>>) target_semaphore(%run_scoped3A : memref<!tpu.dma_semaphore, #tpu.memory_space<semaphore_mem>>)
      %dma_wait3A = arith.constant 0 : i32
      %dma_wait3A_16 = tpu.memref_slice %arg6[%arg0, %mul3A_11, %dma_wait3A] : memref<2x10240x128xf32, #tpu.memory_space<hbm>> -> memref<1x640x128xf32, #tpu.memory_space<hbm>>
      %dma_wait3A_17 = tpu.memref_squeeze %dma_wait3A_16 : memref<1x640x128xf32, #tpu.memory_space<hbm>> -> memref<640x128xf32, #tpu.memory_space<hbm>>
      %dma_wait3A_18 = arith.constant 0 : i32
      %dma_wait3A_19 = tpu.memref_slice %arg11[%mul3A_9, %dma_wait3A_18] : memref<10240x128xf32, #tpu.memory_space<vmem_shared>> -> memref<640x128xf32, #tpu.memory_space<vmem_shared>>
      tpu.wait_dma2 semaphore(%run_scoped3A : memref<!tpu.dma_semaphore, #tpu.memory_space<semaphore_mem>>) src(%dma_wait3A_19 : memref<640x128xf32, #tpu.memory_space<vmem_shared>>) dst(%dma_wait3A_17 : memref<640x128xf32, #tpu.memory_space<hbm>>)
      tpu.yield
    }) : () -> ()
    return
  }
}

#map = affine_map<(d0, d1) -> (0, 0)>
#map1 = affine_map<(d0, d1) -> (0, 0, 0, 0)>
#map2 = affine_map<(d0, d1) -> (0, 0, 0)>
module attributes {stable_mosaic.version = 14 : i64} {
  func.func @seg_sum(%arg0: i32, %arg1: i32, %arg2: memref<10000x128xf32, #tpu.memory_space<hbm>>, %arg3: memref<32x8x10x128xi32, #tpu.memory_space<hbm>>, %arg4: memref<32x8x10x128xi32, #tpu.memory_space<hbm>>, %arg5: memref<640x128xf32, #tpu.memory_space<hbm>>, %arg6: memref<2x10240x128xf32, #tpu.memory_space<hbm>>, %arg7: memref<10x128xi32, #tpu.memory_space<vmem>>, %arg8: memref<10x128xi32, #tpu.memory_space<vmem>>, %arg9: memref<128x128xf32, #tpu.memory_space<vmem>>, %arg10: memref<128x128xf32, #tpu.memory_space<vmem>>, %arg11: memref<10240x128xf32, #tpu.memory_space<vmem_shared>>, %arg12: memref<!tpu.dma_semaphore, #tpu.memory_space<semaphore_mem>>, %arg13: memref<!tpu.dma_semaphore, #tpu.memory_space<semaphore_mem>>, %arg14: memref<!tpu.dma_semaphore, #tpu.memory_space<semaphore_mem>>, %arg15: memref<!tpu.dma_semaphore, #tpu.memory_space<semaphore_mem>>) attributes {dimension_semantics = [#tpu.dimension_semantics<core_parallel>, #tpu.dimension_semantics<subcore_parallel>], iteration_bounds = array<i64: 2, 16>, scalar_prefetch = 0 : i64, scratch_operands = 9 : i64, tpu.core_type = #tpu.core_type<sc_vector_subcore>, window_params = [{transform_indices = #map}, {transform_indices = #map1}, {transform_indices = #map1}, {transform_indices = #map}, {transform_indices = #map2}]} {
    %mul3A = arith.constant 2 : i32
    %mul3A_0 = arith.muli %arg1, %mul3A : i32
    %add3A = arith.addi %mul3A_0, %arg0 : i32
    %mul3A_1 = arith.constant 640 : i32
    %mul3A_2 = arith.muli %arg1, %mul3A_1 : i32
    "tpu.region"() ({
      %run_scoped3A = tpu.sem_alloc : memref<!tpu.dma_semaphore, #tpu.memory_space<semaphore_mem>>
      %dma_start3A = arith.constant 0 : i32
      %dma_start3A_12 = tpu.memref_slice %arg11[%mul3A_2, %dma_start3A] : memref<10240x128xf32, #tpu.memory_space<vmem_shared>> -> memref<640x128xf32, #tpu.memory_space<vmem_shared>>
      tpu.enqueue_dma source(%arg5 : memref<640x128xf32, #tpu.memory_space<hbm>>) target(%dma_start3A_12 : memref<640x128xf32, #tpu.memory_space<vmem_shared>>) target_semaphore(%run_scoped3A : memref<!tpu.dma_semaphore, #tpu.memory_space<semaphore_mem>>)
      %dma_wait3A = arith.constant 0 : i32
      %dma_wait3A_13 = tpu.memref_slice %arg11[%mul3A_2, %dma_wait3A] : memref<10240x128xf32, #tpu.memory_space<vmem_shared>> -> memref<640x128xf32, #tpu.memory_space<vmem_shared>>
      tpu.wait_dma2 semaphore(%run_scoped3A : memref<!tpu.dma_semaphore, #tpu.memory_space<semaphore_mem>>) src(%arg5 : memref<640x128xf32, #tpu.memory_space<hbm>>) dst(%dma_wait3A_13 : memref<640x128xf32, #tpu.memory_space<vmem_shared>>)
      tpu.yield
    }) : () -> ()
    %barrier3A = arith.constant 0 : index
    tpu.barrier barrier_id(%barrier3A)
    %scan3A = arith.constant 0 : i32
    %scan3A_3 = arith.constant 8 : i32
    %scan3A_4 = arith.addi %scan3A, %scan3A_3 : i32
    %scan3A_5 = arith.constant 1 : i32
    scf.for %scan3A_12 = %scan3A to %scan3A_4 step %scan3A_5  : i32 {
      %mul3A_13 = arith.constant 1 : i32
      %mul3A_14 = arith.muli %scan3A_12, %mul3A_13 : i32
      %add3A_15 = arith.constant 0 : i32
      %add3A_16 = arith.addi %add3A_15, %mul3A_14 : i32
      "tpu.region"() ({
        %run_scoped3A = tpu.sem_alloc : memref<!tpu.dma_semaphore, #tpu.memory_space<semaphore_mem>>
        %dma_start3A_28 = arith.constant 0 : i32
        %dma_start3A_29 = arith.constant 0 : i32
        %dma_start3A_30 = tpu.memref_slice %arg3[%add3A, %add3A_16, %dma_start3A_28, %dma_start3A_29] : memref<32x8x10x128xi32, #tpu.memory_space<hbm>> -> memref<1x1x10x128xi32, #tpu.memory_space<hbm>>
        %dma_start3A_31 = tpu.memref_squeeze %dma_start3A_30 : memref<1x1x10x128xi32, #tpu.memory_space<hbm>> -> memref<10x128xi32, #tpu.memory_space<hbm>>
        %dma_start3A_32 = arith.constant 0 : i32
        %dma_start3A_33 = arith.constant 0 : i32
        %dma_start3A_34 = tpu.memref_slice %arg3[%add3A, %add3A_16, %dma_start3A_32, %dma_start3A_33] : memref<32x8x10x128xi32, #tpu.memory_space<hbm>> -> memref<1x1x10x128xi32, #tpu.memory_space<hbm>>
        %dma_start3A_35 = tpu.memref_squeeze %dma_start3A_34 : memref<1x1x10x128xi32, #tpu.memory_space<hbm>> -> memref<10x128xi32, #tpu.memory_space<hbm>>
        tpu.enqueue_dma source(%dma_start3A_35 : memref<10x128xi32, #tpu.memory_space<hbm>>) target(%arg7 : memref<10x128xi32, #tpu.memory_space<vmem>>) target_semaphore(%run_scoped3A : memref<!tpu.dma_semaphore, #tpu.memory_space<semaphore_mem>>)
        %dma_wait3A = arith.constant 0 : i32
        %dma_wait3A_36 = arith.constant 0 : i32
        %dma_wait3A_37 = tpu.memref_slice %arg3[%add3A, %add3A_16, %dma_wait3A, %dma_wait3A_36] : memref<32x8x10x128xi32, #tpu.memory_space<hbm>> -> memref<1x1x10x128xi32, #tpu.memory_space<hbm>>
        %dma_wait3A_38 = tpu.memref_squeeze %dma_wait3A_37 : memref<1x1x10x128xi32, #tpu.memory_space<hbm>> -> memref<10x128xi32, #tpu.memory_space<hbm>>
        %dma_wait3A_39 = arith.constant 0 : i32
        %dma_wait3A_40 = arith.constant 0 : i32
        %dma_wait3A_41 = tpu.memref_slice %arg3[%add3A, %add3A_16, %dma_wait3A_39, %dma_wait3A_40] : memref<32x8x10x128xi32, #tpu.memory_space<hbm>> -> memref<1x1x10x128xi32, #tpu.memory_space<hbm>>
        %dma_wait3A_42 = tpu.memref_squeeze %dma_wait3A_41 : memref<1x1x10x128xi32, #tpu.memory_space<hbm>> -> memref<10x128xi32, #tpu.memory_space<hbm>>
        tpu.wait_dma2 semaphore(%run_scoped3A : memref<!tpu.dma_semaphore, #tpu.memory_space<semaphore_mem>>) src(%dma_wait3A_42 : memref<10x128xi32, #tpu.memory_space<hbm>>) dst(%arg7 : memref<10x128xi32, #tpu.memory_space<vmem>>)
        tpu.yield
      }) : () -> ()
      "tpu.region"() ({
        %run_scoped3A = tpu.sem_alloc : memref<!tpu.dma_semaphore, #tpu.memory_space<semaphore_mem>>
        %dma_start3A_28 = arith.constant 0 : i32
        %dma_start3A_29 = arith.constant 0 : i32
        %dma_start3A_30 = tpu.memref_slice %arg4[%add3A, %add3A_16, %dma_start3A_28, %dma_start3A_29] : memref<32x8x10x128xi32, #tpu.memory_space<hbm>> -> memref<1x1x10x128xi32, #tpu.memory_space<hbm>>
        %dma_start3A_31 = tpu.memref_squeeze %dma_start3A_30 : memref<1x1x10x128xi32, #tpu.memory_space<hbm>> -> memref<10x128xi32, #tpu.memory_space<hbm>>
        %dma_start3A_32 = arith.constant 0 : i32
        %dma_start3A_33 = arith.constant 0 : i32
        %dma_start3A_34 = tpu.memref_slice %arg4[%add3A, %add3A_16, %dma_start3A_32, %dma_start3A_33] : memref<32x8x10x128xi32, #tpu.memory_space<hbm>> -> memref<1x1x10x128xi32, #tpu.memory_space<hbm>>
        %dma_start3A_35 = tpu.memref_squeeze %dma_start3A_34 : memref<1x1x10x128xi32, #tpu.memory_space<hbm>> -> memref<10x128xi32, #tpu.memory_space<hbm>>
        tpu.enqueue_dma source(%dma_start3A_35 : memref<10x128xi32, #tpu.memory_space<hbm>>) target(%arg8 : memref<10x128xi32, #tpu.memory_space<vmem>>) target_semaphore(%run_scoped3A : memref<!tpu.dma_semaphore, #tpu.memory_space<semaphore_mem>>)
        %dma_wait3A = arith.constant 0 : i32
        %dma_wait3A_36 = arith.constant 0 : i32
        %dma_wait3A_37 = tpu.memref_slice %arg4[%add3A, %add3A_16, %dma_wait3A, %dma_wait3A_36] : memref<32x8x10x128xi32, #tpu.memory_space<hbm>> -> memref<1x1x10x128xi32, #tpu.memory_space<hbm>>
        %dma_wait3A_38 = tpu.memref_squeeze %dma_wait3A_37 : memref<1x1x10x128xi32, #tpu.memory_space<hbm>> -> memref<10x128xi32, #tpu.memory_space<hbm>>
        %dma_wait3A_39 = arith.constant 0 : i32
        %dma_wait3A_40 = arith.constant 0 : i32
        %dma_wait3A_41 = tpu.memref_slice %arg4[%add3A, %add3A_16, %dma_wait3A_39, %dma_wait3A_40] : memref<32x8x10x128xi32, #tpu.memory_space<hbm>> -> memref<1x1x10x128xi32, #tpu.memory_space<hbm>>
        %dma_wait3A_42 = tpu.memref_squeeze %dma_wait3A_41 : memref<1x1x10x128xi32, #tpu.memory_space<hbm>> -> memref<10x128xi32, #tpu.memory_space<hbm>>
        tpu.wait_dma2 semaphore(%run_scoped3A : memref<!tpu.dma_semaphore, #tpu.memory_space<semaphore_mem>>) src(%dma_wait3A_42 : memref<10x128xi32, #tpu.memory_space<hbm>>) dst(%arg8 : memref<10x128xi32, #tpu.memory_space<vmem>>)
        tpu.yield
      }) : () -> ()
      %dma_start3A = arith.constant 0 : i32
      %dma_start3A_17 = arith.constant 0 : i32
      %dma_start3A_18 = tpu.memref_slice %arg7[%dma_start3A, %dma_start3A_17] : memref<10x128xi32, #tpu.memory_space<vmem>> -> memref<1x128xi32, #tpu.memory_space<vmem>>
      %dma_start3A_19 = tpu.memref_squeeze %dma_start3A_18 : memref<1x128xi32, #tpu.memory_space<vmem>> -> memref<128xi32, #tpu.memory_space<vmem>>
      %dma_start3A_20 = arith.constant 0 : i32
      %dma_start3A_21 = arith.constant 0 : i32
      %dma_start3A_22 = tpu.memref_slice %arg2[%dma_start3A_20, %dma_start3A_21] : memref<10000x128xf32, #tpu.memory_space<hbm>> -> memref<10000x128xf32, #tpu.memory_space<hbm>>
      tpu.enqueue_indirect_dma source(%dma_start3A_22 : memref<10000x128xf32, #tpu.memory_space<hbm>>) target(%arg9 : memref<128x128xf32, #tpu.memory_space<vmem>>) offsets(%dma_start3A_19 : memref<128xi32, #tpu.memory_space<vmem>>) semaphore(%arg12 : memref<!tpu.dma_semaphore, #tpu.memory_space<semaphore_mem>>)
      %scan3A_23 = arith.constant 0 : i32
      %scan3A_24 = arith.constant 5 : i32
      %scan3A_25 = arith.addi %scan3A_23, %scan3A_24 : i32
      %scan3A_26 = arith.constant 1 : i32
      scf.for %scan3A_28 = %scan3A_23 to %scan3A_25 step %scan3A_26  : i32 {
        %mul3A_29 = arith.constant 1 : i32
        %mul3A_30 = arith.muli %scan3A_28, %mul3A_29 : i32
        %add3A_31 = arith.constant 0 : i32
        %add3A_32 = arith.addi %add3A_31, %mul3A_30 : i32
        %mul3A_33 = arith.constant 2 : i32
        %mul3A_34 = arith.muli %mul3A_33, %add3A_32 : i32
        %add3A_35 = arith.constant 1 : i32
        %add3A_36 = arith.addi %mul3A_34, %add3A_35 : i32
        %dma_start3A_37 = arith.constant 0 : i32
        %dma_start3A_38 = tpu.memref_slice %arg7[%add3A_36, %dma_start3A_37] : memref<10x128xi32, #tpu.memory_space<vmem>> -> memref<1x128xi32, #tpu.memory_space<vmem>>
        %dma_start3A_39 = tpu.memref_squeeze %dma_start3A_38 : memref<1x128xi32, #tpu.memory_space<vmem>> -> memref<128xi32, #tpu.memory_space<vmem>>
        %dma_start3A_40 = arith.constant 0 : i32
        %dma_start3A_41 = arith.constant 0 : i32
        %dma_start3A_42 = tpu.memref_slice %arg2[%dma_start3A_40, %dma_start3A_41] : memref<10000x128xf32, #tpu.memory_space<hbm>> -> memref<10000x128xf32, #tpu.memory_space<hbm>>
        tpu.enqueue_indirect_dma source(%dma_start3A_42 : memref<10000x128xf32, #tpu.memory_space<hbm>>) target(%arg10 : memref<128x128xf32, #tpu.memory_space<vmem>>) offsets(%dma_start3A_39 : memref<128xi32, #tpu.memory_space<vmem>>) semaphore(%arg13 : memref<!tpu.dma_semaphore, #tpu.memory_space<semaphore_mem>>)
        %dma_wait3A = arith.constant 0 : i32
        %dma_wait3A_43 = arith.constant 0 : i32
        %dma_wait3A_44 = tpu.memref_slice %arg7[%dma_wait3A, %dma_wait3A_43] : memref<10x128xi32, #tpu.memory_space<vmem>> -> memref<1x128xi32, #tpu.memory_space<vmem>>
        %dma_wait3A_45 = tpu.memref_squeeze %dma_wait3A_44 : memref<1x128xi32, #tpu.memory_space<vmem>> -> memref<128xi32, #tpu.memory_space<vmem>>
        %dma_wait3A_46 = arith.constant 0 : i32
        %dma_wait3A_47 = arith.constant 0 : i32
        %dma_wait3A_48 = tpu.memref_slice %arg2[%dma_wait3A_46, %dma_wait3A_47] : memref<10000x128xf32, #tpu.memory_space<hbm>> -> memref<10000x128xf32, #tpu.memory_space<hbm>>
        tpu.wait_indirect_dma semaphore(%arg12 : memref<!tpu.dma_semaphore, #tpu.memory_space<semaphore_mem>>) src(%dma_wait3A_48 : memref<10000x128xf32, #tpu.memory_space<hbm>>) dst(%arg9 : memref<128x128xf32, #tpu.memory_space<vmem>>)
        "tpu.region"() ({
          %run_scoped3A = tpu.sem_alloc : memref<!tpu.dma_semaphore, #tpu.memory_space<semaphore_mem>>
          %dma_start3A_62 = arith.constant 0 : i32
          %dma_start3A_63 = tpu.memref_slice %arg8[%mul3A_34, %dma_start3A_62] : memref<10x128xi32, #tpu.memory_space<vmem>> -> memref<1x128xi32, #tpu.memory_space<vmem>>
          %dma_start3A_64 = tpu.memref_squeeze %dma_start3A_63 : memref<1x128xi32, #tpu.memory_space<vmem>> -> memref<128xi32, #tpu.memory_space<vmem>>
          %dma_start3A_65 = arith.constant 0 : i32
          %dma_start3A_66 = arith.constant 0 : i32
          %dma_start3A_67 = tpu.memref_slice %arg11[%dma_start3A_65, %dma_start3A_66] : memref<10240x128xf32, #tpu.memory_space<vmem_shared>> -> memref<10240x128xf32, #tpu.memory_space<vmem_shared>>
          tpu.enqueue_indirect_dma source(%arg9 : memref<128x128xf32, #tpu.memory_space<vmem>>) target(%dma_start3A_67 : memref<10240x128xf32, #tpu.memory_space<vmem_shared>>) offsets(%dma_start3A_64 : memref<128xi32, #tpu.memory_space<vmem>>) semaphore(%run_scoped3A : memref<!tpu.dma_semaphore, #tpu.memory_space<semaphore_mem>>) {add = true}
          %dma_wait3A_68 = arith.constant 0 : i32
          %dma_wait3A_69 = tpu.memref_slice %arg8[%mul3A_34, %dma_wait3A_68] : memref<10x128xi32, #tpu.memory_space<vmem>> -> memref<1x128xi32, #tpu.memory_space<vmem>>
          %dma_wait3A_70 = tpu.memref_squeeze %dma_wait3A_69 : memref<1x128xi32, #tpu.memory_space<vmem>> -> memref<128xi32, #tpu.memory_space<vmem>>
          %dma_wait3A_71 = arith.constant 0 : i32
          %dma_wait3A_72 = arith.constant 0 : i32
          %dma_wait3A_73 = tpu.memref_slice %arg11[%dma_wait3A_71, %dma_wait3A_72] : memref<10240x128xf32, #tpu.memory_space<vmem_shared>> -> memref<10240x128xf32, #tpu.memory_space<vmem_shared>>
          tpu.wait_indirect_dma semaphore(%run_scoped3A : memref<!tpu.dma_semaphore, #tpu.memory_space<semaphore_mem>>) src(%arg9 : memref<128x128xf32, #tpu.memory_space<vmem>>) dst(%dma_wait3A_73 : memref<10240x128xf32, #tpu.memory_space<vmem_shared>>)
          tpu.yield
        }) : () -> ()
        %add3A_49 = arith.constant 2 : i32
        %add3A_50 = arith.addi %mul3A_34, %add3A_49 : i32
        %lt3A = arith.constant 10 : i32
        %lt3A_51 = arith.cmpi slt, %add3A_50, %lt3A : i32
        %convert_element_type3A = arith.extui %lt3A_51 : i1 to i32
        %cond3A = arith.constant 0 : i32
        %cond3A_52 = arith.cmpi ne, %convert_element_type3A, %cond3A : i32
        scf.if %cond3A_52 {
          %add3A_62 = arith.constant 2 : i32
          %add3A_63 = arith.addi %mul3A_34, %add3A_62 : i32
          %dma_start3A_64 = arith.constant 0 : i32
          %dma_start3A_65 = tpu.memref_slice %arg7[%add3A_63, %dma_start3A_64] : memref<10x128xi32, #tpu.memory_space<vmem>> -> memref<1x128xi32, #tpu.memory_space<vmem>>
          %dma_start3A_66 = tpu.memref_squeeze %dma_start3A_65 : memref<1x128xi32, #tpu.memory_space<vmem>> -> memref<128xi32, #tpu.memory_space<vmem>>
          %dma_start3A_67 = arith.constant 0 : i32
          %dma_start3A_68 = arith.constant 0 : i32
          %dma_start3A_69 = tpu.memref_slice %arg2[%dma_start3A_67, %dma_start3A_68] : memref<10000x128xf32, #tpu.memory_space<hbm>> -> memref<10000x128xf32, #tpu.memory_space<hbm>>
          tpu.enqueue_indirect_dma source(%dma_start3A_69 : memref<10000x128xf32, #tpu.memory_space<hbm>>) target(%arg9 : memref<128x128xf32, #tpu.memory_space<vmem>>) offsets(%dma_start3A_66 : memref<128xi32, #tpu.memory_space<vmem>>) semaphore(%arg12 : memref<!tpu.dma_semaphore, #tpu.memory_space<semaphore_mem>>)
        } else {
        }
        %dma_wait3A_53 = arith.constant 0 : i32
        %dma_wait3A_54 = arith.constant 0 : i32
        %dma_wait3A_55 = tpu.memref_slice %arg7[%dma_wait3A_53, %dma_wait3A_54] : memref<10x128xi32, #tpu.memory_space<vmem>> -> memref<1x128xi32, #tpu.memory_space<vmem>>
        %dma_wait3A_56 = tpu.memref_squeeze %dma_wait3A_55 : memref<1x128xi32, #tpu.memory_space<vmem>> -> memref<128xi32, #tpu.memory_space<vmem>>
        %dma_wait3A_57 = arith.constant 0 : i32
        %dma_wait3A_58 = arith.constant 0 : i32
        %dma_wait3A_59 = tpu.memref_slice %arg2[%dma_wait3A_57, %dma_wait3A_58] : memref<10000x128xf32, #tpu.memory_space<hbm>> -> memref<10000x128xf32, #tpu.memory_space<hbm>>
        tpu.wait_indirect_dma semaphore(%arg13 : memref<!tpu.dma_semaphore, #tpu.memory_space<semaphore_mem>>) src(%dma_wait3A_59 : memref<10000x128xf32, #tpu.memory_space<hbm>>) dst(%arg10 : memref<128x128xf32, #tpu.memory_space<vmem>>)
        %add3A_60 = arith.constant 1 : i32
        %add3A_61 = arith.addi %mul3A_34, %add3A_60 : i32
        "tpu.region"() ({
          %run_scoped3A = tpu.sem_alloc : memref<!tpu.dma_semaphore, #tpu.memory_space<semaphore_mem>>
          %dma_start3A_62 = arith.constant 0 : i32
          %dma_start3A_63 = tpu.memref_slice %arg8[%add3A_61, %dma_start3A_62] : memref<10x128xi32, #tpu.memory_space<vmem>> -> memref<1x128xi32, #tpu.memory_space<vmem>>
          %dma_start3A_64 = tpu.memref_squeeze %dma_start3A_63 : memref<1x128xi32, #tpu.memory_space<vmem>> -> memref<128xi32, #tpu.memory_space<vmem>>
          %dma_start3A_65 = arith.constant 0 : i32
          %dma_start3A_66 = arith.constant 0 : i32
          %dma_start3A_67 = tpu.memref_slice %arg11[%dma_start3A_65, %dma_start3A_66] : memref<10240x128xf32, #tpu.memory_space<vmem_shared>> -> memref<10240x128xf32, #tpu.memory_space<vmem_shared>>
          tpu.enqueue_indirect_dma source(%arg10 : memref<128x128xf32, #tpu.memory_space<vmem>>) target(%dma_start3A_67 : memref<10240x128xf32, #tpu.memory_space<vmem_shared>>) offsets(%dma_start3A_64 : memref<128xi32, #tpu.memory_space<vmem>>) semaphore(%run_scoped3A : memref<!tpu.dma_semaphore, #tpu.memory_space<semaphore_mem>>) {add = true}
          %dma_wait3A_68 = arith.constant 0 : i32
          %dma_wait3A_69 = tpu.memref_slice %arg8[%add3A_61, %dma_wait3A_68] : memref<10x128xi32, #tpu.memory_space<vmem>> -> memref<1x128xi32, #tpu.memory_space<vmem>>
          %dma_wait3A_70 = tpu.memref_squeeze %dma_wait3A_69 : memref<1x128xi32, #tpu.memory_space<vmem>> -> memref<128xi32, #tpu.memory_space<vmem>>
          %dma_wait3A_71 = arith.constant 0 : i32
          %dma_wait3A_72 = arith.constant 0 : i32
          %dma_wait3A_73 = tpu.memref_slice %arg11[%dma_wait3A_71, %dma_wait3A_72] : memref<10240x128xf32, #tpu.memory_space<vmem_shared>> -> memref<10240x128xf32, #tpu.memory_space<vmem_shared>>
          tpu.wait_indirect_dma semaphore(%run_scoped3A : memref<!tpu.dma_semaphore, #tpu.memory_space<semaphore_mem>>) src(%arg10 : memref<128x128xf32, #tpu.memory_space<vmem>>) dst(%dma_wait3A_73 : memref<10240x128xf32, #tpu.memory_space<vmem_shared>>)
          tpu.yield
        }) : () -> ()
      }
      %scan3A_27 = arith.constant 5 : i32
    }
    %scan3A_6 = arith.constant 8 : i32
    %barrier3A_7 = arith.constant 0 : index
    tpu.barrier barrier_id(%barrier3A_7)
    %mul3A_8 = arith.constant 640 : i32
    %mul3A_9 = arith.muli %arg1, %mul3A_8 : i32
    %mul3A_10 = arith.constant 640 : i32
    %mul3A_11 = arith.muli %arg1, %mul3A_10 : i32
    "tpu.region"() ({
      %run_scoped3A = tpu.sem_alloc : memref<!tpu.dma_semaphore, #tpu.memory_space<semaphore_mem>>
      %dma_start3A = arith.constant 0 : i32
      %dma_start3A_12 = tpu.memref_slice %arg6[%arg0, %mul3A_11, %dma_start3A] : memref<2x10240x128xf32, #tpu.memory_space<hbm>> -> memref<1x640x128xf32, #tpu.memory_space<hbm>>
      %dma_start3A_13 = tpu.memref_squeeze %dma_start3A_12 : memref<1x640x128xf32, #tpu.memory_space<hbm>> -> memref<640x128xf32, #tpu.memory_space<hbm>>
      %dma_start3A_14 = arith.constant 0 : i32
      %dma_start3A_15 = tpu.memref_slice %arg11[%mul3A_9, %dma_start3A_14] : memref<10240x128xf32, #tpu.memory_space<vmem_shared>> -> memref<640x128xf32, #tpu.memory_space<vmem_shared>>
      tpu.enqueue_dma source(%dma_start3A_15 : memref<640x128xf32, #tpu.memory_space<vmem_shared>>) target(%dma_start3A_13 : memref<640x128xf32, #tpu.memory_space<hbm>>) target_semaphore(%run_scoped3A : memref<!tpu.dma_semaphore, #tpu.memory_space<semaphore_mem>>)
      %dma_wait3A = arith.constant 0 : i32
      %dma_wait3A_16 = tpu.memref_slice %arg6[%arg0, %mul3A_11, %dma_wait3A] : memref<2x10240x128xf32, #tpu.memory_space<hbm>> -> memref<1x640x128xf32, #tpu.memory_space<hbm>>
      %dma_wait3A_17 = tpu.memref_squeeze %dma_wait3A_16 : memref<1x640x128xf32, #tpu.memory_space<hbm>> -> memref<640x128xf32, #tpu.memory_space<hbm>>
      %dma_wait3A_18 = arith.constant 0 : i32
      %dma_wait3A_19 = tpu.memref_slice %arg11[%mul3A_9, %dma_wait3A_18] : memref<10240x128xf32, #tpu.memory_space<vmem_shared>> -> memref<640x128xf32, #tpu.memory_space<vmem_shared>>
      tpu.wait_dma2 semaphore(%run_scoped3A : memref<!tpu.dma_semaphore, #tpu.memory_space<semaphore_mem>>) src(%dma_wait3A_19 : memref<640x128xf32, #tpu.memory_space<vmem_shared>>) dst(%dma_wait3A_17 : memref<640x128xf32, #tpu.memory_space<hbm>>)
      tpu.yield
    }) : () -> ()
    return
  }
}

module attributes {stable_mosaic.version = 14 : i64} {
  func.func @body(%arg0: memref<10000x128xf32, #tpu.memory_space<vmem>>, %arg1: memref<1x128xf32, #tpu.memory_space<vmem>>, %arg2: memref<1x128xf32, #tpu.memory_space<vmem>>, %arg3: memref<10000x128xf32, #tpu.memory_space<vmem>>) attributes {dimension_semantics = [], scalar_prefetch = 0 : i64, scratch_operands = 0 : i64, tpu.core_type = #tpu.core_type<tc>} {
    %get3A = arith.constant 0 : index
    %get3A_0 = arith.constant 0 : index
    %get3A_1 = vector.load %arg0[%get3A, %get3A_0] : memref<10000x128xf32, #tpu.memory_space<vmem>>, vector<10000x128xf32>
    %reduce_sum3A = arith.constant dense<0.000000e+00> : vector<128xf32>
    %reduce_sum3A_2 = vector.multi_reduction <add>, %get3A_1, %reduce_sum3A [0] : vector<10000x128xf32> to vector<128xf32>
    %broadcast_in_dim3A = vector.shape_cast %reduce_sum3A_2 : vector<128xf32> to vector<1x128xf32>
    %div3A = arith.constant 1.000000e+04 : f32
    %div3A_3 = vector.broadcast %div3A : f32 to vector<1x128xf32>
    %div3A_4 = arith.divf %broadcast_in_dim3A, %div3A_3 : vector<1x128xf32>
    %mul3A = arith.mulf %get3A_1, %get3A_1 : vector<10000x128xf32>
    %reduce_sum3A_5 = arith.constant dense<0.000000e+00> : vector<128xf32>
    %reduce_sum3A_6 = vector.multi_reduction <add>, %mul3A, %reduce_sum3A_5 [0] : vector<10000x128xf32> to vector<128xf32>
    %broadcast_in_dim3A_7 = vector.shape_cast %reduce_sum3A_6 : vector<128xf32> to vector<1x128xf32>
    %div3A_8 = arith.constant 1.000000e+04 : f32
    %div3A_9 = vector.broadcast %div3A_8 : f32 to vector<1x128xf32>
    %div3A_10 = arith.divf %broadcast_in_dim3A_7, %div3A_9 : vector<1x128xf32>
    %mul3A_11 = arith.mulf %div3A_4, %div3A_4 : vector<1x128xf32>
    %sub3A = arith.subf %div3A_10, %mul3A_11 : vector<1x128xf32>
    %sub3A_12 = vector.broadcast %div3A_4 : vector<1x128xf32> to vector<10000x128xf32>
    %sub3A_13 = arith.subf %get3A_1, %sub3A_12 : vector<10000x128xf32>
    %add3A = arith.constant 9.99999974E-6 : f32
    %add3A_14 = vector.broadcast %add3A : f32 to vector<1x128xf32>
    %add3A_15 = arith.addf %sub3A, %add3A_14 : vector<1x128xf32>
    %rsqrt3A = math.rsqrt %add3A_15 : vector<1x128xf32>
    %mul3A_16 = vector.broadcast %rsqrt3A : vector<1x128xf32> to vector<10000x128xf32>
    %mul3A_17 = arith.mulf %sub3A_13, %mul3A_16 : vector<10000x128xf32>
    %get3A_18 = arith.constant 0 : index
    %get3A_19 = arith.constant 0 : index
    %get3A_20 = vector.load %arg1[%get3A_18, %get3A_19] : memref<1x128xf32, #tpu.memory_space<vmem>>, vector<1x128xf32>
    %mul3A_21 = vector.broadcast %get3A_20 : vector<1x128xf32> to vector<10000x128xf32>
    %mul3A_22 = arith.mulf %mul3A_17, %mul3A_21 : vector<10000x128xf32>
    %get3A_23 = arith.constant 0 : index
    %get3A_24 = arith.constant 0 : index
    %get3A_25 = vector.load %arg2[%get3A_23, %get3A_24] : memref<1x128xf32, #tpu.memory_space<vmem>>, vector<1x128xf32>
    %add3A_26 = vector.broadcast %get3A_25 : vector<1x128xf32> to vector<10000x128xf32>
    %add3A_27 = arith.addf %mul3A_22, %add3A_26 : vector<10000x128xf32>
    %swap3A = arith.constant 0 : index
    %swap3A_28 = arith.constant 0 : index
    %swap3A_29 = vector.load %arg3[%swap3A, %swap3A_28] : memref<10000x128xf32, #tpu.memory_space<vmem>>, vector<10000x128xf32>
    tpu.vector_store %arg3[%swap3A, %swap3A_28], %add3A_27 {strides = array<i32>} : memref<10000x128xf32, #tpu.memory_space<vmem>>, vector<10000x128xf32>,
    return
  }
}

module attributes {stable_mosaic.version = 14 : i64} {
  func.func @body(%arg0: memref<2x10240x128xf32, #tpu.memory_space<vmem>>, %arg1: memref<10000x128xf32, #tpu.memory_space<vmem>>, %arg2: memref<128x128xf32, #tpu.memory_space<vmem>>, %arg3: memref<128x128xf32, #tpu.memory_space<vmem>>, %arg4: memref<1x128xf32, #tpu.memory_space<vmem>>, %arg5: memref<1x128xf32, #tpu.memory_space<vmem>>, %arg6: memref<1x128xf32, #tpu.memory_space<vmem>>, %arg7: memref<10000x128xf32, #tpu.memory_space<vmem>>) attributes {dimension_semantics = [], scalar_prefetch = 0 : i64, scratch_operands = 0 : i64, tpu.core_type = #tpu.core_type<tc>} {
    %get3A = arith.constant 0 : index
    %get3A_0 = arith.constant 0 : index
    %get3A_1 = arith.constant 0 : index
    %get3A_2 = vector.load %arg0[%get3A, %get3A_0, %get3A_1] : memref<2x10240x128xf32, #tpu.memory_space<vmem>>, vector<1x10000x128xf32>
    %get3A_3 = vector.shape_cast %get3A_2 : vector<1x10000x128xf32> to vector<10000x128xf32>
    %get3A_4 = arith.constant 1 : index
    %get3A_5 = arith.constant 0 : index
    %get3A_6 = arith.constant 0 : index
    %get3A_7 = vector.load %arg0[%get3A_4, %get3A_5, %get3A_6] : memref<2x10240x128xf32, #tpu.memory_space<vmem>>, vector<1x10000x128xf32>
    %get3A_8 = vector.shape_cast %get3A_7 : vector<1x10000x128xf32> to vector<10000x128xf32>
    %add3A = arith.addf %get3A_3, %get3A_8 : vector<10000x128xf32>
    %get3A_9 = arith.constant 0 : index
    %get3A_10 = arith.constant 0 : index
    %get3A_11 = vector.load %arg2[%get3A_9, %get3A_10] : memref<128x128xf32, #tpu.memory_space<vmem>>, vector<128x128xf32>
    %dot_general3A = arith.constant dense<0.000000e+00> : vector<10000x128xf32>
    %dot_general3A_12 = tpu.matmul %add3A, %get3A_11, %dot_general3A {dimension_numbers = #tpu.dot_dimension_numbers<[1], [0], [0], [1], [0, 0, 1, 1], [], []>, transpose_lhs_hint = false} : vector<10000x128xf32>, vector<128x128xf32>, vector<10000x128xf32> -> vector<10000x128xf32>
    %get3A_13 = arith.constant 0 : index
    %get3A_14 = arith.constant 0 : index
    %get3A_15 = vector.load %arg1[%get3A_13, %get3A_14] : memref<10000x128xf32, #tpu.memory_space<vmem>>, vector<10000x128xf32>
    %get3A_16 = arith.constant 0 : index
    %get3A_17 = arith.constant 0 : index
    %get3A_18 = vector.load %arg3[%get3A_16, %get3A_17] : memref<128x128xf32, #tpu.memory_space<vmem>>, vector<128x128xf32>
    %dot_general3A_19 = arith.constant dense<0.000000e+00> : vector<10000x128xf32>
    %dot_general3A_20 = tpu.matmul %get3A_15, %get3A_18, %dot_general3A_19 {dimension_numbers = #tpu.dot_dimension_numbers<[1], [0], [0], [1], [0, 0, 1, 1], [], []>, transpose_lhs_hint = false} : vector<10000x128xf32>, vector<128x128xf32>, vector<10000x128xf32> -> vector<10000x128xf32>
    %add3A_21 = arith.addf %dot_general3A_12, %dot_general3A_20 : vector<10000x128xf32>
    %get3A_22 = arith.constant 0 : index
    %get3A_23 = arith.constant 0 : index
    %get3A_24 = vector.load %arg4[%get3A_22, %get3A_23] : memref<1x128xf32, #tpu.memory_space<vmem>>, vector<1x128xf32>
    %add3A_25 = vector.broadcast %get3A_24 : vector<1x128xf32> to vector<10000x128xf32>
    %add3A_26 = arith.addf %add3A_21, %add3A_25 : vector<10000x128xf32>
    %max3A = arith.constant 0.000000e+00 : f32
    %max3A_27 = vector.broadcast %max3A : f32 to vector<10000x128xf32>
    %max3A_28 = arith.maximumf %add3A_26, %max3A_27 : vector<10000x128xf32>
    %reduce_sum3A = arith.constant dense<0.000000e+00> : vector<128xf32>
    %reduce_sum3A_29 = vector.multi_reduction <add>, %max3A_28, %reduce_sum3A [0] : vector<10000x128xf32> to vector<128xf32>
    %broadcast_in_dim3A = vector.shape_cast %reduce_sum3A_29 : vector<128xf32> to vector<1x128xf32>
    %div3A = arith.constant 1.000000e+04 : f32
    %div3A_30 = vector.broadcast %div3A : f32 to vector<1x128xf32>
    %div3A_31 = arith.divf %broadcast_in_dim3A, %div3A_30 : vector<1x128xf32>
    %mul3A = arith.mulf %max3A_28, %max3A_28 : vector<10000x128xf32>
    %reduce_sum3A_32 = arith.constant dense<0.000000e+00> : vector<128xf32>
    %reduce_sum3A_33 = vector.multi_reduction <add>, %mul3A, %reduce_sum3A_32 [0] : vector<10000x128xf32> to vector<128xf32>
    %broadcast_in_dim3A_34 = vector.shape_cast %reduce_sum3A_33 : vector<128xf32> to vector<1x128xf32>
    %div3A_35 = arith.constant 1.000000e+04 : f32
    %div3A_36 = vector.broadcast %div3A_35 : f32 to vector<1x128xf32>
    %div3A_37 = arith.divf %broadcast_in_dim3A_34, %div3A_36 : vector<1x128xf32>
    %mul3A_38 = arith.mulf %div3A_31, %div3A_31 : vector<1x128xf32>
    %sub3A = arith.subf %div3A_37, %mul3A_38 : vector<1x128xf32>
    %sub3A_39 = vector.broadcast %div3A_31 : vector<1x128xf32> to vector<10000x128xf32>
    %sub3A_40 = arith.subf %max3A_28, %sub3A_39 : vector<10000x128xf32>
    %add3A_41 = arith.constant 9.99999974E-6 : f32
    %add3A_42 = vector.broadcast %add3A_41 : f32 to vector<1x128xf32>
    %add3A_43 = arith.addf %sub3A, %add3A_42 : vector<1x128xf32>
    %rsqrt3A = math.rsqrt %add3A_43 : vector<1x128xf32>
    %mul3A_44 = vector.broadcast %rsqrt3A : vector<1x128xf32> to vector<10000x128xf32>
    %mul3A_45 = arith.mulf %sub3A_40, %mul3A_44 : vector<10000x128xf32>
    %get3A_46 = arith.constant 0 : index
    %get3A_47 = arith.constant 0 : index
    %get3A_48 = vector.load %arg5[%get3A_46, %get3A_47] : memref<1x128xf32, #tpu.memory_space<vmem>>, vector<1x128xf32>
    %mul3A_49 = vector.broadcast %get3A_48 : vector<1x128xf32> to vector<10000x128xf32>
    %mul3A_50 = arith.mulf %mul3A_45, %mul3A_49 : vector<10000x128xf32>
    %get3A_51 = arith.constant 0 : index
    %get3A_52 = arith.constant 0 : index
    %get3A_53 = vector.load %arg6[%get3A_51, %get3A_52] : memref<1x128xf32, #tpu.memory_space<vmem>>, vector<1x128xf32>
    %add3A_54 = vector.broadcast %get3A_53 : vector<1x128xf32> to vector<10000x128xf32>
    %add3A_55 = arith.addf %mul3A_50, %add3A_54 : vector<10000x128xf32>
    %swap3A = arith.constant 0 : index
    %swap3A_56 = arith.constant 0 : index
    %swap3A_57 = vector.load %arg7[%swap3A, %swap3A_56] : memref<10000x128xf32, #tpu.memory_space<vmem>>, vector<10000x128xf32>
    tpu.vector_store %arg7[%swap3A, %swap3A_56], %add3A_55 {strides = array<i32>} : memref<10000x128xf32, #tpu.memory_space<vmem>>, vector<10000x128xf32>,
    return
  }
}

module attributes {stable_mosaic.version = 14 : i64} {
  func.func @body(%arg0: memref<2x10240x128xf32, #tpu.memory_space<vmem>>, %arg1: memref<10000x128xf32, #tpu.memory_space<vmem>>, %arg2: memref<128x128xf32, #tpu.memory_space<vmem>>, %arg3: memref<128x128xf32, #tpu.memory_space<vmem>>, %arg4: memref<1x128xf32, #tpu.memory_space<vmem>>, %arg5: memref<1x10000xi32, #tpu.memory_space<vmem>>, %arg6: memref<128x10xf32, #tpu.memory_space<vmem>>, %arg7: memref<1x10xf32, #tpu.memory_space<vmem>>, %arg8: memref<64x10xf32, #tpu.memory_space<vmem>>) attributes {dimension_semantics = [], scalar_prefetch = 0 : i64, scratch_operands = 0 : i64, tpu.core_type = #tpu.core_type<tc>} {
    %get3A = arith.constant 0 : index
    %get3A_0 = arith.constant 0 : index
    %get3A_1 = arith.constant 0 : index
    %get3A_2 = vector.load %arg0[%get3A, %get3A_0, %get3A_1] : memref<2x10240x128xf32, #tpu.memory_space<vmem>>, vector<1x10000x128xf32>
    %get3A_3 = vector.shape_cast %get3A_2 : vector<1x10000x128xf32> to vector<10000x128xf32>
    %get3A_4 = arith.constant 1 : index
    %get3A_5 = arith.constant 0 : index
    %get3A_6 = arith.constant 0 : index
    %get3A_7 = vector.load %arg0[%get3A_4, %get3A_5, %get3A_6] : memref<2x10240x128xf32, #tpu.memory_space<vmem>>, vector<1x10000x128xf32>
    %get3A_8 = vector.shape_cast %get3A_7 : vector<1x10000x128xf32> to vector<10000x128xf32>
    %add3A = arith.addf %get3A_3, %get3A_8 : vector<10000x128xf32>
    %get3A_9 = arith.constant 0 : index
    %get3A_10 = arith.constant 0 : index
    %get3A_11 = vector.load %arg2[%get3A_9, %get3A_10] : memref<128x128xf32, #tpu.memory_space<vmem>>, vector<128x128xf32>
    %dot_general3A = arith.constant dense<0.000000e+00> : vector<10000x128xf32>
    %dot_general3A_12 = tpu.matmul %add3A, %get3A_11, %dot_general3A {dimension_numbers = #tpu.dot_dimension_numbers<[1], [0], [0], [1], [0, 0, 1, 1], [], []>, transpose_lhs_hint = false} : vector<10000x128xf32>, vector<128x128xf32>, vector<10000x128xf32> -> vector<10000x128xf32>
    %get3A_13 = arith.constant 0 : index
    %get3A_14 = arith.constant 0 : index
    %get3A_15 = vector.load %arg1[%get3A_13, %get3A_14] : memref<10000x128xf32, #tpu.memory_space<vmem>>, vector<10000x128xf32>
    %get3A_16 = arith.constant 0 : index
    %get3A_17 = arith.constant 0 : index
    %get3A_18 = vector.load %arg3[%get3A_16, %get3A_17] : memref<128x128xf32, #tpu.memory_space<vmem>>, vector<128x128xf32>
    %dot_general3A_19 = arith.constant dense<0.000000e+00> : vector<10000x128xf32>
    %dot_general3A_20 = tpu.matmul %get3A_15, %get3A_18, %dot_general3A_19 {dimension_numbers = #tpu.dot_dimension_numbers<[1], [0], [0], [1], [0, 0, 1, 1], [], []>, transpose_lhs_hint = false} : vector<10000x128xf32>, vector<128x128xf32>, vector<10000x128xf32> -> vector<10000x128xf32>
    %add3A_21 = arith.addf %dot_general3A_12, %dot_general3A_20 : vector<10000x128xf32>
    %get3A_22 = arith.constant 0 : index
    %get3A_23 = arith.constant 0 : index
    %get3A_24 = vector.load %arg4[%get3A_22, %get3A_23] : memref<1x128xf32, #tpu.memory_space<vmem>>, vector<1x128xf32>
    %add3A_25 = vector.broadcast %get3A_24 : vector<1x128xf32> to vector<10000x128xf32>
    %add3A_26 = arith.addf %add3A_21, %add3A_25 : vector<10000x128xf32>
    %iota3A = tpu.iota {dimensions = array<i32: 0>} : vector<64x10000xi32>
    %get3A_27 = arith.constant 0 : index
    %get3A_28 = arith.constant 0 : index
    %get3A_29 = vector.load %arg5[%get3A_27, %get3A_28] : memref<1x10000xi32, #tpu.memory_space<vmem>>, vector<1x10000xi32>
    %eq3A = vector.broadcast %get3A_29 : vector<1x10000xi32> to vector<64x10000xi32>
    %eq3A_30 = arith.cmpi eq, %iota3A, %eq3A : vector<64x10000xi32>
    %convert_element_type3A = arith.extui %eq3A_30 : vector<64x10000xi1> to vector<64x10000xi32>
    %convert_element_type3A_31 = arith.sitofp %convert_element_type3A : vector<64x10000xi32> to vector<64x10000xf32>
    %dot_general3A_32 = arith.constant dense<0.000000e+00> : vector<64x128xf32>
    %dot_general3A_33 = tpu.matmul %convert_element_type3A_31, %add3A_26, %dot_general3A_32 {dimension_numbers = #tpu.dot_dimension_numbers<[1], [0], [0], [1], [0, 0, 1, 1], [], []>, transpose_lhs_hint = false} : vector<64x10000xf32>, vector<10000x128xf32>, vector<64x128xf32> -> vector<64x128xf32>
    %reduce_sum3A = arith.constant dense<0.000000e+00> : vector<64xf32>
    %reduce_sum3A_34 = vector.multi_reduction <add>, %convert_element_type3A_31, %reduce_sum3A [1] : vector<64x10000xf32> to vector<64xf32>
    %broadcast_in_dim3A = vector.shape_cast %reduce_sum3A_34 : vector<64xf32> to vector<64x1xf32>
    %max3A = arith.constant 1.000000e+00 : f32
    %max3A_35 = vector.broadcast %max3A : f32 to vector<64x1xf32>
    %max3A_36 = arith.maximumf %broadcast_in_dim3A, %max3A_35 : vector<64x1xf32>
    %div3A = vector.broadcast %max3A_36 : vector<64x1xf32> to vector<64x128xf32>
    %div3A_37 = arith.divf %dot_general3A_33, %div3A : vector<64x128xf32>
    %get3A_38 = arith.constant 0 : index
    %get3A_39 = arith.constant 0 : index
    %get3A_40 = vector.load %arg6[%get3A_38, %get3A_39] : memref<128x10xf32, #tpu.memory_space<vmem>>, vector<128x10xf32>
    %dot_general3A_41 = arith.constant dense<0.000000e+00> : vector<64x10xf32>
    %dot_general3A_42 = tpu.matmul %div3A_37, %get3A_40, %dot_general3A_41 {dimension_numbers = #tpu.dot_dimension_numbers<[1], [0], [0], [1], [0, 0, 1, 1], [], []>, transpose_lhs_hint = false} : vector<64x128xf32>, vector<128x10xf32>, vector<64x10xf32> -> vector<64x10xf32>
    %get3A_43 = arith.constant 0 : index
    %get3A_44 = arith.constant 0 : index
    %get3A_45 = vector.load %arg7[%get3A_43, %get3A_44] : memref<1x10xf32, #tpu.memory_space<vmem>>, vector<1x10xf32>
    %add3A_46 = vector.broadcast %get3A_45 : vector<1x10xf32> to vector<64x10xf32>
    %add3A_47 = arith.addf %dot_general3A_42, %add3A_46 : vector<64x10xf32>
    %swap3A = arith.constant 0 : index
    %swap3A_48 = arith.constant 0 : index
    %swap3A_49 = vector.load %arg8[%swap3A, %swap3A_48] : memref<64x10xf32, #tpu.memory_space<vmem>>, vector<64x10xf32>
    tpu.vector_store %arg8[%swap3A, %swap3A_48], %add3A_47 {strides = array<i32>} : memref<64x10xf32, #tpu.memory_space<vmem>>, vector<64x10xf32>,
    return
  }
}

</mosaic_0001>

<sc_bundles>
// kernel: kernel.11.cloned.1.call-start
scs
__scs_entry_jumppad:
0x0: {  	(pc) =	sbr.rel $0x88, $3  }
0x1: {  	(tag) =	ssettag $0x0;
	lr =	simm.s32 $0x1  }
0x2: {  	[smem:$0x3F88] =	sst lr;
	_ =	strace $0xD0000000  }
0x3: {  	_ = 	snop  }
0x4: {  	_ = 	snop  }
0x5: {  	_ = 	snop  }
0x6: {  	_ = 	snop  }
0x7: {  	_ = 	snop  }
__scs_overlays_trampoline_lowered:
0x8: {  	[smem:$0x3F97] =	sst s0  }
0x9: {  	[smem:$0x3F98] =	sst s1  }
0xa: {  	[smem:$0x3F99] =	sst s2  }
0xb: {  	[smem:$0x3F9A] =	sst s3  }
0xc: {  	[smem:$0x3F9B] =	sst s4  }
0xd: {  	[smem:$0x3F9C] =	sst s5  }
0xe: {  	[smem:$0x3F9D] =	sst s6  }
0xf: {  	[smem:$0x3F9E] =	sst s7  }
0x10: {  	[smem:$0x3F9F] =	sst s8  }
0x11: {  	[smem:$0x3FA0] =	sst s9;
	s0 =	simm.s32 @!p0 $0x0  }
0x12: {  	s1 =	sld [smem:$0x3F86];
	s0 =	simm.s32 @p0 $0x1  }
0x13: {  	[smem:$0x3FA1] =	sst s0;
	s0 =	simm.s32 @!p1 $0x0  }
0x14: {  	s2 =	sld [smem:$0x3F85];
	s0 =	simm.s32 @p1 $0x1  }
0x15: {  	[smem:$0x3FA2] =	sst s0;
	s0 =	simm.s32 @!p2 $0x0  }
0x16: {  	s3 =	sld [smem:$0x3FDB];
	s0 =	simm.s32 @p2 $0x1  }
0x17: {  	s4 =	simm.s32 $0x1BF5;
	[smem:$0x3FA4] =	sst s0  }
0x18: {  	s0 =	sld [smem:$0x3F87];
	_ =	swait.ge [sflag:s4], $0x0  }
0x19: {  	s7 =	sld [smem:$0x3F88]  }
0x1a: {  	s8 =	sadd.s32 $0xFFFFE003, lr  }
0x1b: {  	s9 =	sadd.s32 $0xFFFFFEF7, lr;
	s5 =	simm.s32 $0xFFFFFFFF;
	p2 =	slt.u32 s8, $0xFFFFF086  }
0x1c: {  	p1 =	slt.u32 s9, $0xF7A;
	s5 =	simm.s32 @!p2 $0x0  }
0x1d: {  	s5 =	simm.s32 @p1 $0x1;
	p0 =	seq.s32 s7, s2  }
0x1e: {  	s7 =	smul.u32 @!p0 $0xF7A, s2;
	p2 =	seq.s32 @!p0 s5, $0x0  }
0x1f: {  	s9 =	smul.u32 $0xF7A, s1;
	s8 =	simm.s32 @!p0 $0x1BF5;
	p2 =	por !p2, p0  }
0x20: {  	[sflag:s8] =	ssyncset.s32 @!p0 $0xFFFFF086;
	s6 =	sadd.s32 @!p0 s3, s7;
	s7 =	simm.s32 @!p0 $0x108  }
0x21: {  	s3 =	sadd.s32 s3, s9;
	s6 =	sadd.s32 @!p0 $0x88, s6;
	s7 =	simm.s32 @p2 $0x1082  }
0x22: {  	[simem:s7], [sflag:s8] =	dma.local @!p0 [hbm:s6], $0xF7A  }
0x23: {  	s9 =	sor.u32 $0xD0000000, s2;
	s6 =	simm.s32 $0x108;
	_ =	swait.ge @!p0 [sflag:s8], $0x0  }
0x24: {  	s3 =	sadd.s32 $0x88, s3;
	s6 =	simm.s32 @!p1 $0x1082;
	[sflag:s4] =	ssyncset.s32 $0xFFFFF086  }
0x25: {  	[simem:s6], [sflag:s4] =	dma.local [hbm:s3], $0xF7A  }
0x26: {  	[smem:$0x3F88] =	sst s1;
	(tag) =	ssettag s2;
	_ =	strace s9  }
0x27: {  	s1 =	sld [smem:$0x3F98]  }
0x28: {  	s2 =	sld [smem:$0x3F99]  }
0x29: {  	s4 =	sld [smem:$0x3F9B]  }
0x2a: {  	p0 =	seq.s32 s5, $0x0;
	s5 =	sld [smem:$0x3F9C]  }
0x2b: {  	s6 =	sld [smem:$0x3F9D]  }
0x2c: {  	s7 =	sld [smem:$0x3F9E]  }
0x2d: {  	s3 =	simm.s32 $0x108;
	s8 =	sld [smem:$0x3F9F]  }
0x2e: {  	s3 =	simm.s32 @!p0 $0x1082;
	s9 =	sld [smem:$0x3FA0]  }
0x2f: {  	lr =	sadd.s32 s0, s3;
	s0 =	sld [smem:$0x3F97]  }
0x30: {  	s3 =	sld [smem:$0x3F9A]  }
0x31: {  	[smem:$0x3FA3] =	sst s10  }
0x32: {  	s10 =	sld [smem:$0x3FA1];
	_ =	sdelay $0x3  }
0x33: {  	p0 =	seq.s32 s10, $0x1;
	s10 =	sld [smem:$0x3FA3];
	_ =	sdelay $0x3  }
0x34: {  	[smem:$0x3FA3] =	sst s10  }
0x35: {  	s10 =	sld [smem:$0x3FA2];
	_ =	sdelay $0x3  }
0x36: {  	p1 =	seq.s32 s10, $0x1;
	s10 =	sld [smem:$0x3FA3];
	_ =	sdelay $0x3  }
0x37: {  	[smem:$0x3FA3] =	sst s10  }
0x38: {  	s10 =	sld [smem:$0x3FA4]  }
0x39: {  	_ = 	snop;
	(pc) =	sbr.ind lr, $3  }
0x3a: {  	_ = 	snop  }
0x3b: {  	_ = 	snop  }
0x3c: {  	p2 =	seq.s32 s10, $0x1;
	s10 =	sld [smem:$0x3FA3]  }
0x3d: {  	_ =	shalt  }
0x3e: {  	_ =	shalt  }
0x3f: {  	_ =	shalt  }
0x40: {  	_ =	shalt  }
0x41: {  	_ =	shalt  }
0x42: {  	_ =	shalt  }
0x43: {  	_ =	shalt  }
0x44: {  	_ =	shalt  }
0x45: {  	_ =	shalt  }
0x46: {  	_ =	shalt  }
0x47: {  	_ =	shalt  }
0x48: {  	_ =	shalt  }
0x49: {  	_ =	shalt  }
0x4a: {  	_ =	shalt  }
0x4b: {  	_ =	shalt  }
0x4c: {  	_ =	shalt  }
0x4d: {  	_ =	shalt  }
0x4e: {  	_ =	shalt  }
0x4f: {  	_ =	shalt  }
0x50: {  	_ =	shalt  }
0x51: {  	_ =	shalt  }
0x52: {  	_ =	shalt  }
0x53: {  	_ =	shalt  }
0x54: {  	_ =	shalt  }
0x55: {  	_ =	shalt  }
0x56: {  	_ =	shalt  }
0x57: {  	_ =	shalt  }
0x58: {  	_ =	shalt  }
0x59: {  	_ =	shalt  }
0x5a: {  	_ =	shalt  }
0x5b: {  	_ =	shalt  }
0x5c: {  	_ =	shalt  }
0x5d: {  	_ =	shalt  }
0x5e: {  	_ =	shalt  }
0x5f: {  	_ =	shalt  }
0x60: {  	_ =	shalt  }
0x61: {  	_ =	shalt  }
0x62: {  	_ =	shalt  }
0x63: {  	_ =	shalt  }
0x64: {  	_ =	shalt  }
0x65: {  	_ =	shalt  }
0x66: {  	_ =	shalt  }
0x67: {  	_ =	shalt  }
0x68: {  	_ =	shalt  }
0x69: {  	_ =	shalt  }
0x6a: {  	_ =	shalt  }
0x6b: {  	_ =	shalt  }
0x6c: {  	_ =	shalt  }
0x6d: {  	_ =	shalt  }
0x6e: {  	_ =	shalt  }
0x6f: {  	_ =	shalt  }
0x70: {  	_ =	shalt  }
0x71: {  	_ =	shalt  }
0x72: {  	_ =	shalt  }
0x73: {  	_ =	shalt  }
0x74: {  	_ =	shalt  }
0x75: {  	_ =	shalt  }
0x76: {  	_ =	shalt  }
0x77: {  	_ =	shalt  }
0x78: {  	_ =	shalt  }
0x79: {  	_ =	shalt  }
0x7a: {  	_ =	shalt  }
0x7b: {  	_ =	shalt  }
0x7c: {  	_ =	shalt  }
0x7d: {  	_ =	shalt  }
0x7e: {  	_ =	shalt  }
0x7f: {  	_ =	shalt  }
0x80: {  	_ =	shalt  }
0x81: {  	_ =	shalt  }
0x82: {  	_ =	shalt  }
0x83: {  	_ =	shalt  }
0x84: {  	_ =	shalt  }
0x85: {  	_ =	shalt  }
0x86: {  	_ =	shalt  }
0x87: {  	_ =	shalt  }
.Lfunc_end0:
.L_simem_size_0:
called_computation_lowered:
.L_overlay_start_0:
0x88: {  	s2 =	sld [smem:$0x3FD9]  }
0x89: {  	s3 =	sld [smem:$0x3FFE];
	_ =	sdelay $0x1  }
0x8a: {  	s1 =	srdreg.scid  }
0x8b: {  	s0 =	sand.u32 $0x1, s1  }
0x8c: {  	s16 =	sshll.u32 s0, $0xA;
	s2 =	sadd.s32 s3, s2  }
0x8d: {  	s2 =	sadd.s32 s2, s16  }
0x8e: {  	[smem:$0x3FAF] =	sst s2  }
0x8f: {  	_ = 	snop  }
0x90: {  	(tm) =	ssettm $0x1  }
0x91: {  	s17 =	sld [smem:$0x3FFB];
	_ =	sdelay $0x3  }
0x92: {  	_ =	strace s17  }
0x93: {  	s2 =	sld [smem:$0x3FFC];
	_ =	sdelay $0x3  }
0x94: {  	_ =	strace s2  }
0x95: {  	s2 =	sld [smem:$0x3FFD];
	_ =	sdelay $0x3  }
0x96: {  	_ =	strace s2  }
0x97: {  	_ =	strace $0x8FFFFFFF  }
0x98: {  	s18 =	sld [smem:$0x3FDB];
	_ =	sdelay $0x1  }
0x99: {  	s19 =	simm.s32 $_scs_section_size  }
0x9a: {  	s4 =	simm.s32 $_size__tile_overlayer_lowered;
	s5 =	simm.s32 $_tile_overlayer_lowered  }
0x9b: {  	s22 =	simm.s32 $0x1BFF;
	s21 =	sshll.u32 s5, $0x1;
	s2 =	sadd.s32 s19, s18  }
0x9c: {  	s6 =	simm.s32 $0x0;
	s20 =	sshll.u32 s4, $0x1;
	s4 =	sadd.s32 s21, s2  }
0x9d: {  	[timem:s6], [sflag:s22] =	dma.local [hbm:s4], s20  }
0x9e: {  	_ =	swait.ge [sflag:s22], s20  }
0x9f: {  	s3 =	ssub.s32 $0x0, s20;
	[sflag:s22] =	ssyncset.done $0x0  }
0xa0: {  	[sflag:s22] =	ssyncadd.s32 s3;
	_ =	sdelay $0x1  }
0xa1: {  	s23 =	simm.s32 $0x1B8B  }
0xa2: {  	_ =	swait.ge [sflag:s23], $0x1  }
0xa3: {  	[sflag:s23] =	ssyncset.done $0x0  }
0xa4: {  	s25 =	simm.s32 $0x1B8E;
	s24 =	sld [smem:$0x3FFE];
	[sflag:s23] =	ssyncadd.s32 $0xFFFFFFFF  }
0xa5: {  	s26 =	simm.s32 $execute0_lowered;
	[smem:$0x3FD2] =	sst s25  }
0xa6: {  	s4 =	sshll.u32 s26, $0x1;
	_ =	strace $0x80000046;
	[dreg:$0x1] =	wrdreg $0xFFFFFFFF  }
0xa7: {  	s28 =	simm.s32 $_size_execute0_lowered;
	s2 =	sadd.s32 s2, s4;
	[dreg:$0x0] =	wrdreg $0x0  }
0xa8: {  	s4 =	sshll.u32 s28, $0x1;
	[dreg:$0x2] =	wrdreg s2  }
0xa9: {  	[dreg:$0x3] =	wrdreg s4  }
0xaa: {  	[dreg:$0x4] =	wrdreg $0xC0  }
0xab: {  	_ =	task [dreg:s6], $0x5FFFF  }
0xac: {  	[dreg:$0x1] =	wrdreg $0xFFFFFFFF  }
0xad: {  	[dreg:$0x0] =	wrdreg $0x60  }
0xae: {  	[dreg:$0x2] =	wrdreg s24  }
0xaf: {  	[dreg:$0x3] =	wrdreg $0x90000  }
0xb0: {  	[dreg:$0x4] =	wrdreg $0x9  }
0xb1: {  	_ =	task.clear_ibuf [dreg:s6], $0x5FFFF;
	_ =	strace $0x90000046  }
0xb2: {  	s29 =	simm.s32 $0x9;
	_ =	strace $0x80000048  }
0xb3: {  	_ =	swait.ge [sflag:s29], $0x1  }
0xb4: {  	[sflag:s29] =	ssyncadd.s32 $0xFFFFFFFF  }
0xb5: {  	_ =	strace $0x90000048  }
0xb6: {  	_ =	sfence  }
0xb7: {  	s30 =	sld [smem:$0x0];
	_ =	sdelay $0x2  }
0xb8: {  	s31 =	sshll.u32 s1, $0xD;
	s1 =	sshrl.u32 s1, $0x2  }
0xb9: {  	s3 =	sand.u32 $0x4000, s31;
	s1 =	sadd.s32 s1, s30  }
0xba: {  	s0 =	sor.u32 s3, s0;
	s1 =	sshll.u32 s1, $0x11  }
0xbb: {  	s0 =	sor.u32 s1, s0  }
0xbc: {  	s0 =	sadd.s32 $0x8F2B, s0  }
0xbd: {  	[sflag:s0] =	ssyncadd.remote.s32 $0x1  }
0xbe: {  	_ =	sfence.sel $0xFFFF  }
0xbf: {  	[dreg:$0x0] =	wrdreg $0xFFFFFFFF;
	(pc) =	sbr.abs _section_cstart, $3  }
0xc0: {  	[dreg:$0x1] =	wrdreg $0xFFFFFFFF  }
0xc1: {  	_ =	task.clear_ibuf [dreg:s6], $0x2FFFF;
	_ =	strace $0x9FFFFFFF  }
0xc2: {  	(tm) =	ssettm $0x7FFFFFFF  }
0xc3: {  	_ =	shalt  }
tec
execute0_lowered:
.L_overlay_start_1:
0x0: {  	(tag) =	ssettag $0x1  }
0x1: {  	s0 =	rddreg [dreg:$0x0]  }
0x2: {  	s1 =	rddreg [dreg:$0x1];
	s2 =	srdreg.scid;
	s3 =	simm.s32 $0x0  }
0x3: {  	s9 =	stileid.u32;
	s11 =	simm.s32 $0x800;
	s12 =	simm.s32 $0x80  }
0x4: {  	s13 =	simm.s32 $0x1000;
	s14 =	simm.s32 $0x5000;
	s15 =	simm.s32 $0x1  }
0x5: {  	s16 =	simm.s32 $0x100;
	s17 =	simm.s32 $0x2;
	s18 =	simm.s32 $0x880  }
0x6: {  	s19 =	simm.s32 $0x180;
	s20 =	simm.s32 $0x900;
	s28 =	simm.s32 $0x380  }
0x7: {  	s29 =	simm.s32 $0xB00;
	s30 =	simm.s32 $0x400;
	s31 =	simm.s32 $0xB80  }
0x8: {  	s2 =	sand.u32 $0x1, s2;
	[smem:$0x7FF] =	sst s3;
	s6 =	smul.u32 $0x14000, s9  }
0x9: {  	s7 =	sshll.u32 s9, $0xC;
	s4 =	sadd.s32 $0x25E00, s0;
	s8 =	smul.u32 $0x50000, s9  }
0xa: {  	s10 =	sadd.s32 $0x4D000, s0;
	s24 =	sshll.u32 s9, $0x6;
	s5 =	smul.u32 $0x140000, s2  }
0xb: {  	_ =	strace $0x80000047;
	s7 =	sadd.s32 s7, s0;
	s21 =	ssub.s32 $0x2, s2  }
0xc: {  	[dreg:$0x5] =	wrdreg s10;
	s2 =	sshll.u32 s2, $0xB;
	s9 =	sor.u32 $0x1C03, s24  }
0xd: {  	s10 =	simm.s32 $0x3;
	s24 =	simm.s32 $0xA00;
	s22 =	sshrl.u32 s21, $0x1  }
0xe: {  	s23 =	sshrl.u32 s8, $0x2;
	s2 =	sadd.s32 s2, s7;
	s7 =	simm.s32 $0x0  }
0xf: {  	[dreg:$0x6] =	wrdreg s9;
	s5 =	sadd.s32 s6, s5;
	s8 =	sadd.s32 s23, s1  }
0x10: {  	s25 =	sadd.s32 $0x15E00, s2;
	s26 =	sadd.s32 $0x5E00, s2;
	s23 =	simm.s32 $0x280  }
0x11: {  	s2 =	simm.s32 $0xC00;
	s5 =	sshrl.u32 s5, $0x3;
	[dreg:$0x3] =	wrdreg s25  }
0x12: {  	[dreg:$0x4] =	wrdreg s26;
	s8 =	sshrl.u32 s8, $0x3;
	s25 =	simm.s32 $0x300  }
0x13: {  	s26 =	simm.s32 $0xA80;
	s0 =	sadd.s32 s5, s0;
	s5 =	ssub.s32 s21, s22  }
0x14: {  	s21 =	simm.s32 $0x200;
	[dreg:$0x9] =	wrdreg s8;
	s0 =	sadd.s32 $0x4F800, s0  }
0x15: {  	s22 =	simm.s32 $0x980;
	s5 =	smax.u32 s5, $0x1;
	[dreg:$0x7] =	wrdreg s0  }
0x16: {  	[dreg:$0x8] =	wrdreg s5;
	s0 =	simm.s32 $0x480;
	s5 =	simm.s32 $0xC80  }
.LBB2_1:
0x17: {  	s6 =	rddreg [dreg:$0x5]  }
0x18: {  	[spmem:s8], [sflag:s9] =	dma.local [hbm:s6], $0x2800  }
0x19: {  	_ =	swait.ge [sflag:s10], $0x2800  }
0x1a: {  	[sflag:s10] =	ssyncset.done $0x0  }
0x1b: {  	[sflag:s10] =	ssyncadd.s32 $0xFFFFD800  }
0x1c: {  	[bflag:$0x0] =	sbarrier.arrive $0xFFFF  }
0x1d: {  	s6 =	rddreg [dreg:$0x4]  }
0x1e: {  	s8 =	sadd.s32 $0x0, s6  }
0x1f: {  	[tilespmem:s3], [sflag:$0x3] =	stream.linear.gather [hbm4b:s8+s3], $0x500, $0x38;
	[tilespmem:$0x1D000] =	vst v63  }
0x20: {  	_ =	swait.ge [sflag:s10], $0x500  }
0x21: {  	s9 =	rddreg [dreg:$0x3];
	[sflag:s10] =	ssyncset.done $0x0  }
0x22: {  	[sflag:s10] =	ssyncadd.s32 $0xFFFFFB00;
	s8 =	sadd.s32 $0x0, s9  }
0x23: {  	[tilespmem:s11], [sflag:$0x3] =	stream.linear.gather [hbm4b:s8+s3], $0x500, $0x38;
	[tilespmem:$0x1D000] =	vst v63  }
0x24: {  	_ =	swait.ge [sflag:s10], $0x500  }
0x25: {  	[sflag:s10] =	ssyncset.done $0x0  }
0x26: {  	[sflag:s10] =	ssyncadd.s32 $0xFFFFFB00  }
0x27: {  	[tilespmem:s13], [sflag:$0x1] =	stream.indirect.gather [hbm4b:s4+s12], $0x80, s3, s12, $0xb8;
	[tilespmem:$0x1D000] =	vst v63  }
0x28: {  	_ = 	snop  }
0x29: {  	[tilespmem:s14], [sflag:$0x2] =	stream.indirect.gather [hbm4b:s4+s12], $0x80, s12, s12, $0xb8;
	[tilespmem:$0x1D000] =	vst v63  }
0x2a: {  	_ =	swait.ge [sflag:s15], $0x4000  }
0x2b: {  	[sflag:s15] =	ssyncset.done $0x0  }
0x2c: {  	[sflag:s15] =	ssyncadd.s32 $0xFFFFC000  }
0x2d: {  	[spmem:s1] =	stream.indirect.scatter.add.f32 [tilespmem:s13], [sflag:$0x3], $0x80, s11, s12, $0xb8;
	[tilespmem:$0x1D000] =	vst v63  }
0x2e: {  	_ =	swait.ge [sflag:s10], $0x4000  }
0x2f: {  	[sflag:s10] =	ssyncset.done $0x0  }
0x30: {  	[sflag:s10] =	ssyncadd.s32 $0xFFFFC000  }
0x31: {  	[tilespmem:s13], [sflag:$0x1] =	stream.indirect.gather [hbm4b:s4+s12], $0x80, s16, s12, $0xb8;
	[tilespmem:$0x1D000] =	vst v63  }
0x32: {  	_ =	swait.ge [sflag:s17], $0x4000  }
0x33: {  	[sflag:s17] =	ssyncset.done $0x0  }
0x34: {  	[sflag:s17] =	ssyncadd.s32 $0xFFFFC000  }
0x35: {  	[spmem:s1] =	stream.indirect.scatter.add.f32 [tilespmem:s14], [sflag:$0x3], $0x80, s18, s12, $0xb8;
	[tilespmem:$0x1D000] =	vst v63  }
0x36: {  	_ =	swait.ge [sflag:s10], $0x4000  }
0x37: {  	[sflag:s10] =	ssyncset.done $0x0  }
0x38: {  	[sflag:s10] =	ssyncadd.s32 $0xFFFFC000  }
0x39: {  	[tilespmem:s14], [sflag:$0x2] =	stream.indirect.gather [hbm4b:s4+s12], $0x80, s19, s12, $0xb8;
	[tilespmem:$0x1D000] =	vst v63  }
0x3a: {  	_ =	swait.ge [sflag:s15], $0x4000  }
0x3b: {  	[sflag:s15] =	ssyncset.done $0x0  }
0x3c: {  	[sflag:s15] =	ssyncadd.s32 $0xFFFFC000  }
0x3d: {  	[spmem:s1] =	stream.indirect.scatter.add.f32 [tilespmem:s13], [sflag:$0x3], $0x80, s20, s12, $0xb8;
	[tilespmem:$0x1D000] =	vst v63  }
0x3e: {  	_ =	swait.ge [sflag:s10], $0x4000  }
0x3f: {  	[sflag:s10] =	ssyncset.done $0x0  }
0x40: {  	[sflag:s10] =	ssyncadd.s32 $0xFFFFC000  }
0x41: {  	[tilespmem:s13], [sflag:$0x1] =	stream.indirect.gather [hbm4b:s4+s12], $0x80, s21, s12, $0xb8;
	[tilespmem:$0x1D000] =	vst v63  }
0x42: {  	_ =	swait.ge [sflag:s17], $0x4000  }
0x43: {  	[sflag:s17] =	ssyncset.done $0x0  }
0x44: {  	[sflag:s17] =	ssyncadd.s32 $0xFFFFC000  }
0x45: {  	[spmem:s1] =	stream.indirect.scatter.add.f32 [tilespmem:s14], [sflag:$0x3], $0x80, s22, s12, $0xb8;
	[tilespmem:$0x1D000] =	vst v63  }
0x46: {  	_ =	swait.ge [sflag:s10], $0x4000  }
0x47: {  	[sflag:s10] =	ssyncset.done $0x0  }
0x48: {  	[sflag:s10] =	ssyncadd.s32 $0xFFFFC000  }
0x49: {  	[tilespmem:s14], [sflag:$0x2] =	stream.indirect.gather [hbm4b:s4+s12], $0x80, s23, s12, $0xb8;
	[tilespmem:$0x1D000] =	vst v63  }
0x4a: {  	_ =	swait.ge [sflag:s15], $0x4000  }
0x4b: {  	[sflag:s15] =	ssyncset.done $0x0  }
0x4c: {  	[sflag:s15] =	ssyncadd.s32 $0xFFFFC000  }
0x4d: {  	[spmem:s1] =	stream.indirect.scatter.add.f32 [tilespmem:s13], [sflag:$0x3], $0x80, s24, s12, $0xb8;
	[tilespmem:$0x1D000] =	vst v63  }
0x4e: {  	_ =	swait.ge [sflag:s10], $0x4000  }
0x4f: {  	[sflag:s10] =	ssyncset.done $0x0  }
0x50: {  	[sflag:s10] =	ssyncadd.s32 $0xFFFFC000  }
0x51: {  	[tilespmem:s13], [sflag:$0x1] =	stream.indirect.gather [hbm4b:s4+s12], $0x80, s25, s12, $0xb8;
	[tilespmem:$0x1D000] =	vst v63  }
0x52: {  	_ =	swait.ge [sflag:s17], $0x4000  }
0x53: {  	[sflag:s17] =	ssyncset.done $0x0  }
0x54: {  	[sflag:s17] =	ssyncadd.s32 $0xFFFFC000  }
0x55: {  	[spmem:s1] =	stream.indirect.scatter.add.f32 [tilespmem:s14], [sflag:$0x3], $0x80, s26, s12, $0xb8;
	[tilespmem:$0x1D000] =	vst v63  }
0x56: {  	_ =	swait.ge [sflag:s10], $0x4000  }
0x57: {  	[sflag:s10] =	ssyncset.done $0x0  }
0x58: {  	[sflag:s10] =	ssyncadd.s32 $0xFFFFC000  }
0x59: {  	[tilespmem:s14], [sflag:$0x2] =	stream.indirect.gather [hbm4b:s4+s12], $0x80, s28, s12, $0xb8;
	[tilespmem:$0x1D000] =	vst v63  }
0x5a: {  	_ =	swait.ge [sflag:s15], $0x4000  }
0x5b: {  	[sflag:s15] =	ssyncset.done $0x0  }
0x5c: {  	[sflag:s15] =	ssyncadd.s32 $0xFFFFC000  }
0x5d: {  	[spmem:s1] =	stream.indirect.scatter.add.f32 [tilespmem:s13], [sflag:$0x3], $0x80, s29, s12, $0xb8;
	[tilespmem:$0x1D000] =	vst v63  }
0x5e: {  	_ =	swait.ge [sflag:s10], $0x4000  }
0x5f: {  	[sflag:s10] =	ssyncset.done $0x0  }
0x60: {  	[sflag:s10] =	ssyncadd.s32 $0xFFFFC000  }
0x61: {  	[tilespmem:s13], [sflag:$0x1] =	stream.indirect.gather [hbm4b:s4+s12], $0x80, s30, s12, $0xb8;
	[tilespmem:$0x1D000] =	vst v63  }
0x62: {  	_ =	swait.ge [sflag:s17], $0x4000  }
0x63: {  	[sflag:s17] =	ssyncset.done $0x0  }
0x64: {  	[sflag:s17] =	ssyncadd.s32 $0xFFFFC000  }
0x65: {  	[spmem:s1] =	stream.indirect.scatter.add.f32 [tilespmem:s14], [sflag:$0x3], $0x80, s31, s12, $0xb8;
	[tilespmem:$0x1D000] =	vst v63  }
0x66: {  	_ =	swait.ge [sflag:s10], $0x4000  }
0x67: {  	[sflag:s10] =	ssyncset.done $0x0  }
0x68: {  	[sflag:s10] =	ssyncadd.s32 $0xFFFFC000  }
0x69: {  	[tilespmem:s14], [sflag:$0x2] =	stream.indirect.gather [hbm4b:s4+s12], $0x80, s0, s12, $0xb8;
	[tilespmem:$0x1D000] =	vst v63  }
0x6a: {  	_ =	swait.ge [sflag:s15], $0x4000  }
0x6b: {  	[sflag:s15] =	ssyncset.done $0x0  }
0x6c: {  	[sflag:s15] =	ssyncadd.s32 $0xFFFFC000  }
0x6d: {  	[spmem:s1] =	stream.indirect.scatter.add.f32 [tilespmem:s13], [sflag:$0x3], $0x80, s2, s12, $0xb8;
	[tilespmem:$0x1D000] =	vst v63  }
0x6e: {  	_ =	swait.ge [sflag:s10], $0x4000  }
0x6f: {  	[sflag:s10] =	ssyncset.done $0x0  }
0x70: {  	[sflag:s10] =	ssyncadd.s32 $0xFFFFC000  }
0x71: {  	_ =	swait.ge [sflag:s17], $0x4000  }
0x72: {  	[sflag:s17] =	ssyncset.done $0x0  }
0x73: {  	[sflag:s17] =	ssyncadd.s32 $0xFFFFC000  }
0x74: {  	[spmem:s1] =	stream.indirect.scatter.add.f32 [tilespmem:s14], [sflag:$0x3], $0x80, s5, s12, $0xb8;
	[tilespmem:$0x1D000] =	vst v63  }
0x75: {  	s8 =	simm.s32 $0x100;
	_ =	swait.ge [sflag:s10], $0x4000  }
.LBB2_2:
0x76: {  	s6 =	rddreg [dreg:$0x4];
	s9 =	smov.u32 s8;
	[sflag:s10] =	ssyncset.done $0x0  }
0x77: {  	s6 =	sadd.s32 s9, s6;
	[sflag:s10] =	ssyncadd.s32 $0xFFFFC000  }
0x78: {  	[tilespmem:s3], [sflag:$0x3] =	stream.linear.gather [hbm4b:s6+s3], $0x500, $0x38;
	[tilespmem:$0x1D000] =	vst v63  }
0x79: {  	_ =	swait.ge [sflag:s10], $0x500  }
0x7a: {  	s6 =	rddreg [dreg:$0x3];
	[sflag:s10] =	ssyncset.done $0x0  }
0x7b: {  	[sflag:s10] =	ssyncadd.s32 $0xFFFFFB00;
	s6 =	sadd.s32 s9, s6  }
0x7c: {  	[tilespmem:s11], [sflag:$0x3] =	stream.linear.gather [hbm4b:s6+s3], $0x500, $0x38;
	[tilespmem:$0x1D000] =	vst v63  }
0x7d: {  	_ =	swait.ge [sflag:s10], $0x500  }
0x7e: {  	[sflag:s10] =	ssyncset.done $0x0  }
0x7f: {  	[sflag:s10] =	ssyncadd.s32 $0xFFFFFB00  }
0x80: {  	[tilespmem:s13], [sflag:$0x1] =	stream.indirect.gather [hbm4b:s4+s12], $0x80, s3, s12, $0xb8;
	[tilespmem:$0x1D000] =	vst v63  }
0x81: {  	_ = 	snop  }
0x82: {  	[tilespmem:s14], [sflag:$0x2] =	stream.indirect.gather [hbm4b:s4+s12], $0x80, s12, s12, $0xb8;
	[tilespmem:$0x1D000] =	vst v63  }
0x83: {  	_ =	swait.ge [sflag:s15], $0x4000  }
0x84: {  	[sflag:s15] =	ssyncset.done $0x0  }
0x85: {  	[sflag:s15] =	ssyncadd.s32 $0xFFFFC000  }
0x86: {  	[spmem:s1] =	stream.indirect.scatter.add.f32 [tilespmem:s13], [sflag:$0x3], $0x80, s11, s12, $0xb8;
	[tilespmem:$0x1D000] =	vst v63  }
0x87: {  	_ =	swait.ge [sflag:s10], $0x4000  }
0x88: {  	[sflag:s10] =	ssyncset.done $0x0  }
0x89: {  	[sflag:s10] =	ssyncadd.s32 $0xFFFFC000  }
0x8a: {  	[tilespmem:s13], [sflag:$0x1] =	stream.indirect.gather [hbm4b:s4+s12], $0x80, s16, s12, $0xb8;
	[tilespmem:$0x1D000] =	vst v63  }
0x8b: {  	_ =	swait.ge [sflag:s17], $0x4000  }
0x8c: {  	[sflag:s17] =	ssyncset.done $0x0  }
0x8d: {  	[sflag:s17] =	ssyncadd.s32 $0xFFFFC000  }
0x8e: {  	[spmem:s1] =	stream.indirect.scatter.add.f32 [tilespmem:s14], [sflag:$0x3], $0x80, s18, s12, $0xb8;
	[tilespmem:$0x1D000] =	vst v63  }
0x8f: {  	_ =	swait.ge [sflag:s10], $0x4000  }
0x90: {  	[sflag:s10] =	ssyncset.done $0x0  }
0x91: {  	[sflag:s10] =	ssyncadd.s32 $0xFFFFC000  }
0x92: {  	[tilespmem:s14], [sflag:$0x2] =	stream.indirect.gather [hbm4b:s4+s12], $0x80, s19, s12, $0xb8;
	[tilespmem:$0x1D000] =	vst v63  }
0x93: {  	_ =	swait.ge [sflag:s15], $0x4000  }
0x94: {  	[sflag:s15] =	ssyncset.done $0x0  }
0x95: {  	[sflag:s15] =	ssyncadd.s32 $0xFFFFC000  }
0x96: {  	[spmem:s1] =	stream.indirect.scatter.add.f32 [tilespmem:s13], [sflag:$0x3], $0x80, s20, s12, $0xb8;
	[tilespmem:$0x1D000] =	vst v63  }
0x97: {  	_ =	swait.ge [sflag:s10], $0x4000  }
0x98: {  	[sflag:s10] =	ssyncset.done $0x0  }
0x99: {  	[sflag:s10] =	ssyncadd.s32 $0xFFFFC000  }
0x9a: {  	[tilespmem:s13], [sflag:$0x1] =	stream.indirect.gather [hbm4b:s4+s12], $0x80, s21, s12, $0xb8;
	[tilespmem:$0x1D000] =	vst v63  }
0x9b: {  	_ =	swait.ge [sflag:s17], $0x4000  }
0x9c: {  	[sflag:s17] =	ssyncset.done $0x0  }
0x9d: {  	[sflag:s17] =	ssyncadd.s32 $0xFFFFC000  }
0x9e: {  	[spmem:s1] =	stream.indirect.scatter.add.f32 [tilespmem:s14], [sflag:$0x3], $0x80, s22, s12, $0xb8;
	[tilespmem:$0x1D000] =	vst v63  }
0x9f: {  	_ =	swait.ge [sflag:s10], $0x4000  }
0xa0: {  	[sflag:s10] =	ssyncset.done $0x0  }
0xa1: {  	[sflag:s10] =	ssyncadd.s32 $0xFFFFC000  }
0xa2: {  	[tilespmem:s14], [sflag:$0x2] =	stream.indirect.gather [hbm4b:s4+s12], $0x80, s23, s12, $0xb8;
	[tilespmem:$0x1D000] =	vst v63  }
0xa3: {  	_ =	swait.ge [sflag:s15], $0x4000  }
0xa4: {  	[sflag:s15] =	ssyncset.done $0x0  }
0xa5: {  	[sflag:s15] =	ssyncadd.s32 $0xFFFFC000  }
0xa6: {  	[spmem:s1] =	stream.indirect.scatter.add.f32 [tilespmem:s13], [sflag:$0x3], $0x80, s24, s12, $0xb8;
	[tilespmem:$0x1D000] =	vst v63  }
0xa7: {  	_ =	swait.ge [sflag:s10], $0x4000  }
0xa8: {  	[sflag:s10] =	ssyncset.done $0x0  }
0xa9: {  	[sflag:s10] =	ssyncadd.s32 $0xFFFFC000  }
0xaa: {  	[tilespmem:s13], [sflag:$0x1] =	stream.indirect.gather [hbm4b:s4+s12], $0x80, s25, s12, $0xb8;
	[tilespmem:$0x1D000] =	vst v63  }
0xab: {  	_ =	swait.ge [sflag:s17], $0x4000  }
0xac: {  	[sflag:s17] =	ssyncset.done $0x0  }
0xad: {  	[sflag:s17] =	ssyncadd.s32 $0xFFFFC000  }
0xae: {  	[spmem:s1] =	stream.indirect.scatter.add.f32 [tilespmem:s14], [sflag:$0x3], $0x80, s26, s12, $0xb8;
	[tilespmem:$0x1D000] =	vst v63  }
0xaf: {  	_ =	swait.ge [sflag:s10], $0x4000  }
0xb0: {  	[sflag:s10] =	ssyncset.done $0x0  }
0xb1: {  	[sflag:s10] =	ssyncadd.s32 $0xFFFFC000  }
0xb2: {  	[tilespmem:s14], [sflag:$0x2] =	stream.indirect.gather [hbm4b:s4+s12], $0x80, s28, s12, $0xb8;
	[tilespmem:$0x1D000] =	vst v63  }
0xb3: {  	_ =	swait.ge [sflag:s15], $0x4000  }
0xb4: {  	[sflag:s15] =	ssyncset.done $0x0  }
0xb5: {  	[sflag:s15] =	ssyncadd.s32 $0xFFFFC000  }
0xb6: {  	[spmem:s1] =	stream.indirect.scatter.add.f32 [tilespmem:s13], [sflag:$0x3], $0x80, s29, s12, $0xb8;
	[tilespmem:$0x1D000] =	vst v63  }
0xb7: {  	_ =	swait.ge [sflag:s10], $0x4000  }
0xb8: {  	[sflag:s10] =	ssyncset.done $0x0  }
0xb9: {  	[sflag:s10] =	ssyncadd.s32 $0xFFFFC000  }
0xba: {  	[tilespmem:s13], [sflag:$0x1] =	stream.indirect.gather [hbm4b:s4+s12], $0x80, s30, s12, $0xb8;
	[tilespmem:$0x1D000] =	vst v63  }
0xbb: {  	_ =	swait.ge [sflag:s17], $0x4000  }
0xbc: {  	[sflag:s17] =	ssyncset.done $0x0  }
0xbd: {  	[sflag:s17] =	ssyncadd.s32 $0xFFFFC000  }
0xbe: {  	[spmem:s1] =	stream.indirect.scatter.add.f32 [tilespmem:s14], [sflag:$0x3], $0x80, s31, s12, $0xb8;
	[tilespmem:$0x1D000] =	vst v63  }
0xbf: {  	_ =	swait.ge [sflag:s10], $0x4000  }
0xc0: {  	[sflag:s10] =	ssyncset.done $0x0  }
0xc1: {  	[sflag:s10] =	ssyncadd.s32 $0xFFFFC000  }
0xc2: {  	[tilespmem:s14], [sflag:$0x2] =	stream.indirect.gather [hbm4b:s4+s12], $0x80, s0, s12, $0xb8;
	[tilespmem:$0x1D000] =	vst v63  }
0xc3: {  	_ =	swait.ge [sflag:s15], $0x4000  }
0xc4: {  	[sflag:s15] =	ssyncset.done $0x0  }
0xc5: {  	[sflag:s15] =	ssyncadd.s32 $0xFFFFC000  }
0xc6: {  	[spmem:s1] =	stream.indirect.scatter.add.f32 [tilespmem:s13], [sflag:$0x3], $0x80, s2, s12, $0xb8;
	[tilespmem:$0x1D000] =	vst v63  }
0xc7: {  	_ =	swait.ge [sflag:s10], $0x4000  }
0xc8: {  	[sflag:s10] =	ssyncset.done $0x0  }
0xc9: {  	p0 =	sne.s32 s8, $0x700;
	[sflag:s10] =	ssyncadd.s32 $0xFFFFC000  }
.Ltmp0:
0xca: {  	_ =	swait.ge [sflag:s17], $0x4000;
	(pc) =	sbr.rel @p0 .LBB2_2-.Ltmp0, $4  }
0xcb: {  	[sflag:s17] =	ssyncset.done $0x0  }
0xcc: {  	[sflag:s17] =	ssyncadd.s32 $0xFFFFC000  }
0xcd: {  	[spmem:s1] =	stream.indirect.scatter.add.f32 [tilespmem:s14], [sflag:$0x3], $0x80, s5, s12, $0xb8;
	[tilespmem:$0x1D000] =	vst v63  }
0xce: {  	s8 =	sadd.s32 $0x100, s8;
	_ =	swait.ge [sflag:s10], $0x4000  }
0xcf: {  	[sflag:s10] =	ssyncset.done $0x0  }
0xd0: {  	[sflag:s10] =	ssyncadd.s32 $0xFFFFC000  }
0xd1: {  	[bflag:$0x0] =	sbarrier.arrive $0xFFFF  }
0xd2: {  	s9 =	rddreg [dreg:$0x6]  }
0xd3: {  	s6 =	rddreg [dreg:$0x7]  }
0xd4: {  	s8 =	rddreg [dreg:$0x9]  }
0xd5: {  	[hbm:s6], [sflag:s9] =	dma.local [spmem:s8], $0x2800  }
0xd6: {  	_ =	swait.ge [sflag:s10], $0x2800  }
0xd7: {  	s7 =	sadd.s32 $0x1, s7;
	s6 =	rddreg [dreg:$0x8]  }
0xd8: {  	p0 =	sne.s32 s7, s6  }
.Ltmp1:
0xd9: {  	_ = 	snop;
	(pc) =	sbr.rel @p0 .LBB2_1-.Ltmp1, $3  }
0xda: {  	_ =	sdelay $0x1  }
0xdb: {  	[sflag:s10] =	ssyncset.done $0x0  }
0xdc: {  	[sflag:s10] =	ssyncadd.s32 $0xFFFFD800  }
0xdd: {  	_ =	sfence.sel $0x180000  }
0xde: {  	[bflag:$0x0] =	sbarrier.arrive $0xFFFF  }
0xdf: {  	_ =	strace $0x90000047  }
0xe0: {  	s0 =	stileid.u32;
	[bflag:$0x2] =	sbarrier.arrive $0xFFFF  }
0xe1: {  	p0 =	sne.s32 s0, $0x0;
	s0 =	rddreg [dreg:$0x2]  }
0xe2: {  	s0 =	sadd.s32 @!p0 $0x100000, s0  }
0xe3: {  	[sflag:s0] =	ssyncadd.tile.s32 @!p0 $0x1;
	_ =	shalt  }
.Lfunc_end2:
_tile_overlayer_lowered:
.L_overlay_start_2:
0xe4: {  	(tag) =	ssettag $0x2  }
0xe5: {  	s0 =	rddreg [dreg:$0x0];
	s2 =	stileid.u32  }
0xe6: {  	s1 =	rddreg [dreg:$0x1];
	p0 =	sne.s32 s2, $0x0  }
0xe7: {  	s3 =	rddreg [dreg:$0x2];
	[bflag:$0x3] =	sbarrier.arrive $0xFFFF;
	s2 =	simm.s32 @!p0 $0x1C03  }
0xe8: {  	[timem:s3], [sflag:s2] =	dma.local @!p0 [hbm:s0], s1  }
0xe9: {  	s0 =	simm.s32 @!p0 $0x3  }
0xea: {  	_ =	swait.ge @!p0 [sflag:s0], s1  }
0xeb: {  	s1 =	ssub.s32 @!p0 $0x0, s1;
	[sflag:s0] =	ssyncset.done @!p0 $0x0  }
0xec: {  	[sflag:s0] =	ssyncadd.s32 @!p0 s1  }
0xed: {  	[bflag:$0x3] =	sbarrier.arrive $0xFFFF  }
0xee: {  	_ =	shalt  }

// kernel: kernel.14.cloned.1.call-start
scs
__scs_entry_jumppad:
0x0: {  	(pc) =	sbr.rel $0x88, $3  }
0x1: {  	(tag) =	ssettag $0x0;
	lr =	simm.s32 $0x1  }
0x2: {  	[smem:$0x3F88] =	sst lr;
	_ =	strace $0xD0000000  }
0x3: {  	_ = 	snop  }
0x4: {  	_ = 	snop  }
0x5: {  	_ = 	snop  }
0x6: {  	_ = 	snop  }
0x7: {  	_ = 	snop  }
__scs_overlays_trampoline_lowered:
0x8: {  	[smem:$0x3F97] =	sst s0  }
0x9: {  	[smem:$0x3F98] =	sst s1  }
0xa: {  	[smem:$0x3F99] =	sst s2  }
0xb: {  	[smem:$0x3F9A] =	sst s3  }
0xc: {  	[smem:$0x3F9B] =	sst s4  }
0xd: {  	[smem:$0x3F9C] =	sst s5  }
0xe: {  	[smem:$0x3F9D] =	sst s6  }
0xf: {  	[smem:$0x3F9E] =	sst s7  }
0x10: {  	[smem:$0x3F9F] =	sst s8  }
0x11: {  	[smem:$0x3FA0] =	sst s9;
	s0 =	simm.s32 @!p0 $0x0  }
0x12: {  	s1 =	sld [smem:$0x3F86];
	s0 =	simm.s32 @p0 $0x1  }
0x13: {  	[smem:$0x3FA1] =	sst s0;
	s0 =	simm.s32 @!p1 $0x0  }
0x14: {  	s2 =	sld [smem:$0x3F85];
	s0 =	simm.s32 @p1 $0x1  }
0x15: {  	[smem:$0x3FA2] =	sst s0;
	s0 =	simm.s32 @!p2 $0x0  }
0x16: {  	s3 =	sld [smem:$0x3FDB];
	s0 =	simm.s32 @p2 $0x1  }
0x17: {  	s4 =	simm.s32 $0x1BF5;
	[smem:$0x3FA4] =	sst s0  }
0x18: {  	s0 =	sld [smem:$0x3F87];
	_ =	swait.ge [sflag:s4], $0x0  }
0x19: {  	s7 =	sld [smem:$0x3F88]  }
0x1a: {  	s8 =	sadd.s32 $0xFFFFE003, lr  }
0x1b: {  	s9 =	sadd.s32 $0xFFFFFEF7, lr;
	s5 =	simm.s32 $0xFFFFFFFF;
	p2 =	slt.u32 s8, $0xFFFFF086  }
0x1c: {  	p1 =	slt.u32 s9, $0xF7A;
	s5 =	simm.s32 @!p2 $0x0  }
0x1d: {  	s5 =	simm.s32 @p1 $0x1;
	p0 =	seq.s32 s7, s2  }
0x1e: {  	s7 =	smul.u32 @!p0 $0xF7A, s2;
	p2 =	seq.s32 @!p0 s5, $0x0  }
0x1f: {  	s9 =	smul.u32 $0xF7A, s1;
	s8 =	simm.s32 @!p0 $0x1BF5;
	p2 =	por !p2, p0  }
0x20: {  	[sflag:s8] =	ssyncset.s32 @!p0 $0xFFFFF086;
	s6 =	sadd.s32 @!p0 s3, s7;
	s7 =	simm.s32 @!p0 $0x108  }
0x21: {  	s3 =	sadd.s32 s3, s9;
	s6 =	sadd.s32 @!p0 $0x88, s6;
	s7 =	simm.s32 @p2 $0x1082  }
0x22: {  	[simem:s7], [sflag:s8] =	dma.local @!p0 [hbm:s6], $0xF7A  }
0x23: {  	s9 =	sor.u32 $0xD0000000, s2;
	s6 =	simm.s32 $0x108;
	_ =	swait.ge @!p0 [sflag:s8], $0x0  }
0x24: {  	s3 =	sadd.s32 $0x88, s3;
	s6 =	simm.s32 @!p1 $0x1082;
	[sflag:s4] =	ssyncset.s32 $0xFFFFF086  }
0x25: {  	[simem:s6], [sflag:s4] =	dma.local [hbm:s3], $0xF7A  }
0x26: {  	[smem:$0x3F88] =	sst s1;
	(tag) =	ssettag s2;
	_ =	strace s9  }
0x27: {  	s1 =	sld [smem:$0x3F98]  }
0x28: {  	s2 =	sld [smem:$0x3F99]  }
0x29: {  	s4 =	sld [smem:$0x3F9B]  }
0x2a: {  	p0 =	seq.s32 s5, $0x0;
	s5 =	sld [smem:$0x3F9C]  }
0x2b: {  	s6 =	sld [smem:$0x3F9D]  }
0x2c: {  	s7 =	sld [smem:$0x3F9E]  }
0x2d: {  	s3 =	simm.s32 $0x108;
	s8 =	sld [smem:$0x3F9F]  }
0x2e: {  	s3 =	simm.s32 @!p0 $0x1082;
	s9 =	sld [smem:$0x3FA0]  }
0x2f: {  	lr =	sadd.s32 s0, s3;
	s0 =	sld [smem:$0x3F97]  }
0x30: {  	s3 =	sld [smem:$0x3F9A]  }
0x31: {  	[smem:$0x3FA3] =	sst s10  }
0x32: {  	s10 =	sld [smem:$0x3FA1];
	_ =	sdelay $0x3  }
0x33: {  	p0 =	seq.s32 s10, $0x1;
	s10 =	sld [smem:$0x3FA3];
	_ =	sdelay $0x3  }
0x34: {  	[smem:$0x3FA3] =	sst s10  }
0x35: {  	s10 =	sld [smem:$0x3FA2];
	_ =	sdelay $0x3  }
0x36: {  	p1 =	seq.s32 s10, $0x1;
	s10 =	sld [smem:$0x3FA3];
	_ =	sdelay $0x3  }
0x37: {  	[smem:$0x3FA3] =	sst s10  }
0x38: {  	s10 =	sld [smem:$0x3FA4]  }
0x39: {  	_ = 	snop;
	(pc) =	sbr.ind lr, $3  }
0x3a: {  	_ = 	snop  }
0x3b: {  	_ = 	snop  }
0x3c: {  	p2 =	seq.s32 s10, $0x1;
	s10 =	sld [smem:$0x3FA3]  }
0x3d: {  	_ =	shalt  }
0x3e: {  	_ =	shalt  }
0x3f: {  	_ =	shalt  }
0x40: {  	_ =	shalt  }
0x41: {  	_ =	shalt  }
0x42: {  	_ =	shalt  }
0x43: {  	_ =	shalt  }
0x44: {  	_ =	shalt  }
0x45: {  	_ =	shalt  }
0x46: {  	_ =	shalt  }
0x47: {  	_ =	shalt  }
0x48: {  	_ =	shalt  }
0x49: {  	_ =	shalt  }
0x4a: {  	_ =	shalt  }
0x4b: {  	_ =	shalt  }
0x4c: {  	_ =	shalt  }
0x4d: {  	_ =	shalt  }
0x4e: {  	_ =	shalt  }
0x4f: {  	_ =	shalt  }
0x50: {  	_ =	shalt  }
0x51: {  	_ =	shalt  }
0x52: {  	_ =	shalt  }
0x53: {  	_ =	shalt  }
0x54: {  	_ =	shalt  }
0x55: {  	_ =	shalt  }
0x56: {  	_ =	shalt  }
0x57: {  	_ =	shalt  }
0x58: {  	_ =	shalt  }
0x59: {  	_ =	shalt  }
0x5a: {  	_ =	shalt  }
0x5b: {  	_ =	shalt  }
0x5c: {  	_ =	shalt  }
0x5d: {  	_ =	shalt  }
0x5e: {  	_ =	shalt  }
0x5f: {  	_ =	shalt  }
0x60: {  	_ =	shalt  }
0x61: {  	_ =	shalt  }
0x62: {  	_ =	shalt  }
0x63: {  	_ =	shalt  }
0x64: {  	_ =	shalt  }
0x65: {  	_ =	shalt  }
0x66: {  	_ =	shalt  }
0x67: {  	_ =	shalt  }
0x68: {  	_ =	shalt  }
0x69: {  	_ =	shalt  }
0x6a: {  	_ =	shalt  }
0x6b: {  	_ =	shalt  }
0x6c: {  	_ =	shalt  }
0x6d: {  	_ =	shalt  }
0x6e: {  	_ =	shalt  }
0x6f: {  	_ =	shalt  }
0x70: {  	_ =	shalt  }
0x71: {  	_ =	shalt  }
0x72: {  	_ =	shalt  }
0x73: {  	_ =	shalt  }
0x74: {  	_ =	shalt  }
0x75: {  	_ =	shalt  }
0x76: {  	_ =	shalt  }
0x77: {  	_ =	shalt  }
0x78: {  	_ =	shalt  }
0x79: {  	_ =	shalt  }
0x7a: {  	_ =	shalt  }
0x7b: {  	_ =	shalt  }
0x7c: {  	_ =	shalt  }
0x7d: {  	_ =	shalt  }
0x7e: {  	_ =	shalt  }
0x7f: {  	_ =	shalt  }
0x80: {  	_ =	shalt  }
0x81: {  	_ =	shalt  }
0x82: {  	_ =	shalt  }
0x83: {  	_ =	shalt  }
0x84: {  	_ =	shalt  }
0x85: {  	_ =	shalt  }
0x86: {  	_ =	shalt  }
0x87: {  	_ =	shalt  }
.Lfunc_end0:
.L_simem_size_0:
called_computation.1_lowered:
.L_overlay_start_0:
0x88: {  	s2 =	sld [smem:$0x3FD9]  }
0x89: {  	s3 =	sld [smem:$0x3FFE];
	_ =	sdelay $0x1  }
0x8a: {  	s1 =	srdreg.scid  }
0x8b: {  	s0 =	sand.u32 $0x1, s1  }
0x8c: {  	s16 =	sshll.u32 s0, $0xA;
	s2 =	sadd.s32 s3, s2  }
0x8d: {  	s2 =	sadd.s32 s2, s16  }
0x8e: {  	[smem:$0x3FAF] =	sst s2  }
0x8f: {  	_ = 	snop  }
0x90: {  	(tm) =	ssettm $0x1  }
0x91: {  	s17 =	sld [smem:$0x3FFB];
	_ =	sdelay $0x3  }
0x92: {  	_ =	strace s17  }
0x93: {  	s2 =	sld [smem:$0x3FFC];
	_ =	sdelay $0x3  }
0x94: {  	_ =	strace s2  }
0x95: {  	s2 =	sld [smem:$0x3FFD];
	_ =	sdelay $0x3  }
0x96: {  	_ =	strace s2  }
0x97: {  	_ =	strace $0x8FFFFFFF  }
0x98: {  	s18 =	sld [smem:$0x3FDB];
	_ =	sdelay $0x1  }
0x99: {  	s19 =	simm.s32 $_scs_section_size  }
0x9a: {  	s4 =	simm.s32 $_size__tile_overlayer_lowered;
	s5 =	simm.s32 $_tile_overlayer_lowered  }
0x9b: {  	s22 =	simm.s32 $0x1BFF;
	s21 =	sshll.u32 s5, $0x1;
	s2 =	sadd.s32 s19, s18  }
0x9c: {  	s6 =	simm.s32 $0x0;
	s20 =	sshll.u32 s4, $0x1;
	s4 =	sadd.s32 s21, s2  }
0x9d: {  	[timem:s6], [sflag:s22] =	dma.local [hbm:s4], s20  }
0x9e: {  	_ =	swait.ge [sflag:s22], s20  }
0x9f: {  	s3 =	ssub.s32 $0x0, s20;
	[sflag:s22] =	ssyncset.done $0x0  }
0xa0: {  	[sflag:s22] =	ssyncadd.s32 s3;
	_ =	sdelay $0x1  }
0xa1: {  	s23 =	simm.s32 $0x1B8B  }
0xa2: {  	_ =	swait.ge [sflag:s23], $0x1  }
0xa3: {  	[sflag:s23] =	ssyncset.done $0x0  }
0xa4: {  	s25 =	simm.s32 $0x1B8E;
	s24 =	sld [smem:$0x3FFE];
	[sflag:s23] =	ssyncadd.s32 $0xFFFFFFFF  }
0xa5: {  	s26 =	simm.s32 $execute0_lowered;
	[smem:$0x3FD2] =	sst s25  }
0xa6: {  	s4 =	sshll.u32 s26, $0x1;
	_ =	strace $0x80000049;
	[dreg:$0x1] =	wrdreg $0xFFFFFFFF  }
0xa7: {  	s28 =	simm.s32 $_size_execute0_lowered;
	s2 =	sadd.s32 s2, s4;
	[dreg:$0x0] =	wrdreg $0x0  }
0xa8: {  	s4 =	sshll.u32 s28, $0x1;
	[dreg:$0x2] =	wrdreg s2  }
0xa9: {  	[dreg:$0x3] =	wrdreg s4  }
0xaa: {  	[dreg:$0x4] =	wrdreg $0xC0  }
0xab: {  	_ =	task [dreg:s6], $0x5FFFF  }
0xac: {  	[dreg:$0x1] =	wrdreg $0xFFFFFFFF  }
0xad: {  	[dreg:$0x0] =	wrdreg $0x60  }
0xae: {  	[dreg:$0x2] =	wrdreg s24  }
0xaf: {  	[dreg:$0x3] =	wrdreg $0x90000  }
0xb0: {  	[dreg:$0x4] =	wrdreg $0x9  }
0xb1: {  	_ =	task.clear_ibuf [dreg:s6], $0x5FFFF;
	_ =	strace $0x90000049  }
0xb2: {  	s29 =	simm.s32 $0x9;
	_ =	strace $0x8000004B  }
0xb3: {  	_ =	swait.ge [sflag:s29], $0x1  }
0xb4: {  	[sflag:s29] =	ssyncadd.s32 $0xFFFFFFFF  }
0xb5: {  	_ =	strace $0x9000004B  }
0xb6: {  	_ =	sfence  }
0xb7: {  	s30 =	sld [smem:$0x0];
	_ =	sdelay $0x2  }
0xb8: {  	s31 =	sshll.u32 s1, $0xD;
	s1 =	sshrl.u32 s1, $0x2  }
0xb9: {  	s3 =	sand.u32 $0x4000, s31;
	s1 =	sadd.s32 s1, s30  }
0xba: {  	s0 =	sor.u32 s3, s0;
	s1 =	sshll.u32 s1, $0x11  }
0xbb: {  	s0 =	sor.u32 s1, s0  }
0xbc: {  	s0 =	sadd.s32 $0x8F2B, s0  }
0xbd: {  	[sflag:s0] =	ssyncadd.remote.s32 $0x1  }
0xbe: {  	_ =	sfence.sel $0xFFFF  }
0xbf: {  	[dreg:$0x0] =	wrdreg $0xFFFFFFFF;
	(pc) =	sbr.abs _section_cstart, $3  }
0xc0: {  	[dreg:$0x1] =	wrdreg $0xFFFFFFFF  }
0xc1: {  	_ =	task.clear_ibuf [dreg:s6], $0x2FFFF;
	_ =	strace $0x9FFFFFFF  }
0xc2: {  	(tm) =	ssettm $0x7FFFFFFF  }
0xc3: {  	_ =	shalt  }
tec
execute0_lowered:
.L_overlay_start_1:
0x0: {  	(tag) =	ssettag $0x1  }
0x1: {  	s0 =	rddreg [dreg:$0x0]  }
0x2: {  	s1 =	rddreg [dreg:$0x1];
	s2 =	srdreg.scid;
	s3 =	simm.s32 $0x0  }
0x3: {  	s9 =	stileid.u32;
	s11 =	simm.s32 $0x800;
	s12 =	simm.s32 $0x80  }
0x4: {  	s13 =	simm.s32 $0x1000;
	s14 =	simm.s32 $0x5000;
	s15 =	simm.s32 $0x1  }
0x5: {  	s16 =	simm.s32 $0x100;
	s17 =	simm.s32 $0x2;
	s18 =	simm.s32 $0x880  }
0x6: {  	s19 =	simm.s32 $0x180;
	s20 =	simm.s32 $0x900;
	s28 =	simm.s32 $0x380  }
0x7: {  	s29 =	simm.s32 $0xB00;
	s30 =	simm.s32 $0x400;
	s31 =	simm.s32 $0xB80  }
0x8: {  	s2 =	sand.u32 $0x1, s2;
	[smem:$0x7FF] =	sst s3;
	s6 =	smul.u32 $0x14000, s9  }
0x9: {  	s7 =	sshll.u32 s9, $0xC;
	s4 =	sadd.s32 $0x25E00, s0;
	s8 =	smul.u32 $0x50000, s9  }
0xa: {  	s10 =	sadd.s32 $0x4D000, s0;
	s24 =	sshll.u32 s9, $0x6;
	s5 =	smul.u32 $0x140000, s2  }
0xb: {  	_ =	strace $0x8000004A;
	s7 =	sadd.s32 s7, s0;
	s21 =	ssub.s32 $0x2, s2  }
0xc: {  	[dreg:$0x5] =	wrdreg s10;
	s2 =	sshll.u32 s2, $0xB;
	s9 =	sor.u32 $0x1C03, s24  }
0xd: {  	s10 =	simm.s32 $0x3;
	s24 =	simm.s32 $0xA00;
	s22 =	sshrl.u32 s21, $0x1  }
0xe: {  	s23 =	sshrl.u32 s8, $0x2;
	s2 =	sadd.s32 s2, s7;
	s7 =	simm.s32 $0x0  }
0xf: {  	[dreg:$0x6] =	wrdreg s9;
	s5 =	sadd.s32 s6, s5;
	s8 =	sadd.s32 s23, s1  }
0x10: {  	s25 =	sadd.s32 $0x15E00, s2;
	s26 =	sadd.s32 $0x5E00, s2;
	s23 =	simm.s32 $0x280  }
0x11: {  	s2 =	simm.s32 $0xC00;
	s5 =	sshrl.u32 s5, $0x3;
	[dreg:$0x3] =	wrdreg s25  }
0x12: {  	[dreg:$0x4] =	wrdreg s26;
	s8 =	sshrl.u32 s8, $0x3;
	s25 =	simm.s32 $0x300  }
0x13: {  	s26 =	simm.s32 $0xA80;
	s0 =	sadd.s32 s5, s0;
	s5 =	ssub.s32 s21, s22  }
0x14: {  	s21 =	simm.s32 $0x200;
	[dreg:$0x9] =	wrdreg s8;
	s0 =	sadd.s32 $0x4F800, s0  }
0x15: {  	s22 =	simm.s32 $0x980;
	s5 =	smax.u32 s5, $0x1;
	[dreg:$0x7] =	wrdreg s0  }
0x16: {  	[dreg:$0x8] =	wrdreg s5;
	s0 =	simm.s32 $0x480;
	s5 =	simm.s32 $0xC80  }
.LBB2_1:
0x17: {  	s6 =	rddreg [dreg:$0x5]  }
0x18: {  	[spmem:s8], [sflag:s9] =	dma.local [hbm:s6], $0x2800  }
0x19: {  	_ =	swait.ge [sflag:s10], $0x2800  }
0x1a: {  	[sflag:s10] =	ssyncset.done $0x0  }
0x1b: {  	[sflag:s10] =	ssyncadd.s32 $0xFFFFD800  }
0x1c: {  	[bflag:$0x0] =	sbarrier.arrive $0xFFFF  }
0x1d: {  	s6 =	rddreg [dreg:$0x4]  }
0x1e: {  	s8 =	sadd.s32 $0x0, s6  }
0x1f: {  	[tilespmem:s3], [sflag:$0x3] =	stream.linear.gather [hbm4b:s8+s3], $0x500, $0x38;
	[tilespmem:$0x1D000] =	vst v63  }
0x20: {  	_ =	swait.ge [sflag:s10], $0x500  }
0x21: {  	s9 =	rddreg [dreg:$0x3];
	[sflag:s10] =	ssyncset.done $0x0  }
0x22: {  	[sflag:s10] =	ssyncadd.s32 $0xFFFFFB00;
	s8 =	sadd.s32 $0x0, s9  }
0x23: {  	[tilespmem:s11], [sflag:$0x3] =	stream.linear.gather [hbm4b:s8+s3], $0x500, $0x38;
	[tilespmem:$0x1D000] =	vst v63  }
0x24: {  	_ =	swait.ge [sflag:s10], $0x500  }
0x25: {  	[sflag:s10] =	ssyncset.done $0x0  }
0x26: {  	[sflag:s10] =	ssyncadd.s32 $0xFFFFFB00  }
0x27: {  	[tilespmem:s13], [sflag:$0x1] =	stream.indirect.gather [hbm4b:s4+s12], $0x80, s3, s12, $0xb8;
	[tilespmem:$0x1D000] =	vst v63  }
0x28: {  	_ = 	snop  }
0x29: {  	[tilespmem:s14], [sflag:$0x2] =	stream.indirect.gather [hbm4b:s4+s12], $0x80, s12, s12, $0xb8;
	[tilespmem:$0x1D000] =	vst v63  }
0x2a: {  	_ =	swait.ge [sflag:s15], $0x4000  }
0x2b: {  	[sflag:s15] =	ssyncset.done $0x0  }
0x2c: {  	[sflag:s15] =	ssyncadd.s32 $0xFFFFC000  }
0x2d: {  	[spmem:s1] =	stream.indirect.scatter.add.f32 [tilespmem:s13], [sflag:$0x3], $0x80, s11, s12, $0xb8;
	[tilespmem:$0x1D000] =	vst v63  }
0x2e: {  	_ =	swait.ge [sflag:s10], $0x4000  }
0x2f: {  	[sflag:s10] =	ssyncset.done $0x0  }
0x30: {  	[sflag:s10] =	ssyncadd.s32 $0xFFFFC000  }
0x31: {  	[tilespmem:s13], [sflag:$0x1] =	stream.indirect.gather [hbm4b:s4+s12], $0x80, s16, s12, $0xb8;
	[tilespmem:$0x1D000] =	vst v63  }
0x32: {  	_ =	swait.ge [sflag:s17], $0x4000  }
0x33: {  	[sflag:s17] =	ssyncset.done $0x0  }
0x34: {  	[sflag:s17] =	ssyncadd.s32 $0xFFFFC000  }
0x35: {  	[spmem:s1] =	stream.indirect.scatter.add.f32 [tilespmem:s14], [sflag:$0x3], $0x80, s18, s12, $0xb8;
	[tilespmem:$0x1D000] =	vst v63  }
0x36: {  	_ =	swait.ge [sflag:s10], $0x4000  }
0x37: {  	[sflag:s10] =	ssyncset.done $0x0  }
0x38: {  	[sflag:s10] =	ssyncadd.s32 $0xFFFFC000  }
0x39: {  	[tilespmem:s14], [sflag:$0x2] =	stream.indirect.gather [hbm4b:s4+s12], $0x80, s19, s12, $0xb8;
	[tilespmem:$0x1D000] =	vst v63  }
0x3a: {  	_ =	swait.ge [sflag:s15], $0x4000  }
0x3b: {  	[sflag:s15] =	ssyncset.done $0x0  }
0x3c: {  	[sflag:s15] =	ssyncadd.s32 $0xFFFFC000  }
0x3d: {  	[spmem:s1] =	stream.indirect.scatter.add.f32 [tilespmem:s13], [sflag:$0x3], $0x80, s20, s12, $0xb8;
	[tilespmem:$0x1D000] =	vst v63  }
0x3e: {  	_ =	swait.ge [sflag:s10], $0x4000  }
0x3f: {  	[sflag:s10] =	ssyncset.done $0x0  }
0x40: {  	[sflag:s10] =	ssyncadd.s32 $0xFFFFC000  }
0x41: {  	[tilespmem:s13], [sflag:$0x1] =	stream.indirect.gather [hbm4b:s4+s12], $0x80, s21, s12, $0xb8;
	[tilespmem:$0x1D000] =	vst v63  }
0x42: {  	_ =	swait.ge [sflag:s17], $0x4000  }
0x43: {  	[sflag:s17] =	ssyncset.done $0x0  }
0x44: {  	[sflag:s17] =	ssyncadd.s32 $0xFFFFC000  }
0x45: {  	[spmem:s1] =	stream.indirect.scatter.add.f32 [tilespmem:s14], [sflag:$0x3], $0x80, s22, s12, $0xb8;
	[tilespmem:$0x1D000] =	vst v63  }
0x46: {  	_ =	swait.ge [sflag:s10], $0x4000  }
0x47: {  	[sflag:s10] =	ssyncset.done $0x0  }
0x48: {  	[sflag:s10] =	ssyncadd.s32 $0xFFFFC000  }
0x49: {  	[tilespmem:s14], [sflag:$0x2] =	stream.indirect.gather [hbm4b:s4+s12], $0x80, s23, s12, $0xb8;
	[tilespmem:$0x1D000] =	vst v63  }
0x4a: {  	_ =	swait.ge [sflag:s15], $0x4000  }
0x4b: {  	[sflag:s15] =	ssyncset.done $0x0  }
0x4c: {  	[sflag:s15] =	ssyncadd.s32 $0xFFFFC000  }
0x4d: {  	[spmem:s1] =	stream.indirect.scatter.add.f32 [tilespmem:s13], [sflag:$0x3], $0x80, s24, s12, $0xb8;
	[tilespmem:$0x1D000] =	vst v63  }
0x4e: {  	_ =	swait.ge [sflag:s10], $0x4000  }
0x4f: {  	[sflag:s10] =	ssyncset.done $0x0  }
0x50: {  	[sflag:s10] =	ssyncadd.s32 $0xFFFFC000  }
0x51: {  	[tilespmem:s13], [sflag:$0x1] =	stream.indirect.gather [hbm4b:s4+s12], $0x80, s25, s12, $0xb8;
	[tilespmem:$0x1D000] =	vst v63  }
0x52: {  	_ =	swait.ge [sflag:s17], $0x4000  }
0x53: {  	[sflag:s17] =	ssyncset.done $0x0  }
0x54: {  	[sflag:s17] =	ssyncadd.s32 $0xFFFFC000  }
0x55: {  	[spmem:s1] =	stream.indirect.scatter.add.f32 [tilespmem:s14], [sflag:$0x3], $0x80, s26, s12, $0xb8;
	[tilespmem:$0x1D000] =	vst v63  }
0x56: {  	_ =	swait.ge [sflag:s10], $0x4000  }
0x57: {  	[sflag:s10] =	ssyncset.done $0x0  }
0x58: {  	[sflag:s10] =	ssyncadd.s32 $0xFFFFC000  }
0x59: {  	[tilespmem:s14], [sflag:$0x2] =	stream.indirect.gather [hbm4b:s4+s12], $0x80, s28, s12, $0xb8;
	[tilespmem:$0x1D000] =	vst v63  }
0x5a: {  	_ =	swait.ge [sflag:s15], $0x4000  }
0x5b: {  	[sflag:s15] =	ssyncset.done $0x0  }
0x5c: {  	[sflag:s15] =	ssyncadd.s32 $0xFFFFC000  }
0x5d: {  	[spmem:s1] =	stream.indirect.scatter.add.f32 [tilespmem:s13], [sflag:$0x3], $0x80, s29, s12, $0xb8;
	[tilespmem:$0x1D000] =	vst v63  }
0x5e: {  	_ =	swait.ge [sflag:s10], $0x4000  }
0x5f: {  	[sflag:s10] =	ssyncset.done $0x0  }
0x60: {  	[sflag:s10] =	ssyncadd.s32 $0xFFFFC000  }
0x61: {  	[tilespmem:s13], [sflag:$0x1] =	stream.indirect.gather [hbm4b:s4+s12], $0x80, s30, s12, $0xb8;
	[tilespmem:$0x1D000] =	vst v63  }
0x62: {  	_ =	swait.ge [sflag:s17], $0x4000  }
0x63: {  	[sflag:s17] =	ssyncset.done $0x0  }
0x64: {  	[sflag:s17] =	ssyncadd.s32 $0xFFFFC000  }
0x65: {  	[spmem:s1] =	stream.indirect.scatter.add.f32 [tilespmem:s14], [sflag:$0x3], $0x80, s31, s12, $0xb8;
	[tilespmem:$0x1D000] =	vst v63  }
0x66: {  	_ =	swait.ge [sflag:s10], $0x4000  }
0x67: {  	[sflag:s10] =	ssyncset.done $0x0  }
0x68: {  	[sflag:s10] =	ssyncadd.s32 $0xFFFFC000  }
0x69: {  	[tilespmem:s14], [sflag:$0x2] =	stream.indirect.gather [hbm4b:s4+s12], $0x80, s0, s12, $0xb8;
	[tilespmem:$0x1D000] =	vst v63  }
0x6a: {  	_ =	swait.ge [sflag:s15], $0x4000  }
0x6b: {  	[sflag:s15] =	ssyncset.done $0x0  }
0x6c: {  	[sflag:s15] =	ssyncadd.s32 $0xFFFFC000  }
0x6d: {  	[spmem:s1] =	stream.indirect.scatter.add.f32 [tilespmem:s13], [sflag:$0x3], $0x80, s2, s12, $0xb8;
	[tilespmem:$0x1D000] =	vst v63  }
0x6e: {  	_ =	swait.ge [sflag:s10], $0x4000  }
0x6f: {  	[sflag:s10] =	ssyncset.done $0x0  }
0x70: {  	[sflag:s10] =	ssyncadd.s32 $0xFFFFC000  }
0x71: {  	_ =	swait.ge [sflag:s17], $0x4000  }
0x72: {  	[sflag:s17] =	ssyncset.done $0x0  }
0x73: {  	[sflag:s17] =	ssyncadd.s32 $0xFFFFC000  }
0x74: {  	[spmem:s1] =	stream.indirect.scatter.add.f32 [tilespmem:s14], [sflag:$0x3], $0x80, s5, s12, $0xb8;
	[tilespmem:$0x1D000] =	vst v63  }
0x75: {  	s8 =	simm.s32 $0x100;
	_ =	swait.ge [sflag:s10], $0x4000  }
.LBB2_2:
0x76: {  	s6 =	rddreg [dreg:$0x4];
	s9 =	smov.u32 s8;
	[sflag:s10] =	ssyncset.done $0x0  }
0x77: {  	s6 =	sadd.s32 s9, s6;
	[sflag:s10] =	ssyncadd.s32 $0xFFFFC000  }
0x78: {  	[tilespmem:s3], [sflag:$0x3] =	stream.linear.gather [hbm4b:s6+s3], $0x500, $0x38;
	[tilespmem:$0x1D000] =	vst v63  }
0x79: {  	_ =	swait.ge [sflag:s10], $0x500  }
0x7a: {  	s6 =	rddreg [dreg:$0x3];
	[sflag:s10] =	ssyncset.done $0x0  }
0x7b: {  	[sflag:s10] =	ssyncadd.s32 $0xFFFFFB00;
	s6 =	sadd.s32 s9, s6  }
0x7c: {  	[tilespmem:s11], [sflag:$0x3] =	stream.linear.gather [hbm4b:s6+s3], $0x500, $0x38;
	[tilespmem:$0x1D000] =	vst v63  }
0x7d: {  	_ =	swait.ge [sflag:s10], $0x500  }
0x7e: {  	[sflag:s10] =	ssyncset.done $0x0  }
0x7f: {  	[sflag:s10] =	ssyncadd.s32 $0xFFFFFB00  }
0x80: {  	[tilespmem:s13], [sflag:$0x1] =	stream.indirect.gather [hbm4b:s4+s12], $0x80, s3, s12, $0xb8;
	[tilespmem:$0x1D000] =	vst v63  }
0x81: {  	_ = 	snop  }
0x82: {  	[tilespmem:s14], [sflag:$0x2] =	stream.indirect.gather [hbm4b:s4+s12], $0x80, s12, s12, $0xb8;
	[tilespmem:$0x1D000] =	vst v63  }
0x83: {  	_ =	swait.ge [sflag:s15], $0x4000  }
0x84: {  	[sflag:s15] =	ssyncset.done $0x0  }
0x85: {  	[sflag:s15] =	ssyncadd.s32 $0xFFFFC000  }
0x86: {  	[spmem:s1] =	stream.indirect.scatter.add.f32 [tilespmem:s13], [sflag:$0x3], $0x80, s11, s12, $0xb8;
	[tilespmem:$0x1D000] =	vst v63  }
0x87: {  	_ =	swait.ge [sflag:s10], $0x4000  }
0x88: {  	[sflag:s10] =	ssyncset.done $0x0  }
0x89: {  	[sflag:s10] =	ssyncadd.s32 $0xFFFFC000  }
0x8a: {  	[tilespmem:s13], [sflag:$0x1] =	stream.indirect.gather [hbm4b:s4+s12], $0x80, s16, s12, $0xb8;
	[tilespmem:$0x1D000] =	vst v63  }
0x8b: {  	_ =	swait.ge [sflag:s17], $0x4000  }
0x8c: {  	[sflag:s17] =	ssyncset.done $0x0  }
0x8d: {  	[sflag:s17] =	ssyncadd.s32 $0xFFFFC000  }
0x8e: {  	[spmem:s1] =	stream.indirect.scatter.add.f32 [tilespmem:s14], [sflag:$0x3], $0x80, s18, s12, $0xb8;
	[tilespmem:$0x1D000] =	vst v63  }
0x8f: {  	_ =	swait.ge [sflag:s10], $0x4000  }
0x90: {  	[sflag:s10] =	ssyncset.done $0x0  }
0x91: {  	[sflag:s10] =	ssyncadd.s32 $0xFFFFC000  }
0x92: {  	[tilespmem:s14], [sflag:$0x2] =	stream.indirect.gather [hbm4b:s4+s12], $0x80, s19, s12, $0xb8;
	[tilespmem:$0x1D000] =	vst v63  }
0x93: {  	_ =	swait.ge [sflag:s15], $0x4000  }
0x94: {  	[sflag:s15] =	ssyncset.done $0x0  }
0x95: {  	[sflag:s15] =	ssyncadd.s32 $0xFFFFC000  }
0x96: {  	[spmem:s1] =	stream.indirect.scatter.add.f32 [tilespmem:s13], [sflag:$0x3], $0x80, s20, s12, $0xb8;
	[tilespmem:$0x1D000] =	vst v63  }
0x97: {  	_ =	swait.ge [sflag:s10], $0x4000  }
0x98: {  	[sflag:s10] =	ssyncset.done $0x0  }
0x99: {  	[sflag:s10] =	ssyncadd.s32 $0xFFFFC000  }
0x9a: {  	[tilespmem:s13], [sflag:$0x1] =	stream.indirect.gather [hbm4b:s4+s12], $0x80, s21, s12, $0xb8;
	[tilespmem:$0x1D000] =	vst v63  }
0x9b: {  	_ =	swait.ge [sflag:s17], $0x4000  }
0x9c: {  	[sflag:s17] =	ssyncset.done $0x0  }
0x9d: {  	[sflag:s17] =	ssyncadd.s32 $0xFFFFC000  }
0x9e: {  	[spmem:s1] =	stream.indirect.scatter.add.f32 [tilespmem:s14], [sflag:$0x3], $0x80, s22, s12, $0xb8;
	[tilespmem:$0x1D000] =	vst v63  }
0x9f: {  	_ =	swait.ge [sflag:s10], $0x4000  }
0xa0: {  	[sflag:s10] =	ssyncset.done $0x0  }
0xa1: {  	[sflag:s10] =	ssyncadd.s32 $0xFFFFC000  }
0xa2: {  	[tilespmem:s14], [sflag:$0x2] =	stream.indirect.gather [hbm4b:s4+s12], $0x80, s23, s12, $0xb8;
	[tilespmem:$0x1D000] =	vst v63  }
0xa3: {  	_ =	swait.ge [sflag:s15], $0x4000  }
0xa4: {  	[sflag:s15] =	ssyncset.done $0x0  }
0xa5: {  	[sflag:s15] =	ssyncadd.s32 $0xFFFFC000  }
0xa6: {  	[spmem:s1] =	stream.indirect.scatter.add.f32 [tilespmem:s13], [sflag:$0x3], $0x80, s24, s12, $0xb8;
	[tilespmem:$0x1D000] =	vst v63  }
0xa7: {  	_ =	swait.ge [sflag:s10], $0x4000  }
0xa8: {  	[sflag:s10] =	ssyncset.done $0x0  }
0xa9: {  	[sflag:s10] =	ssyncadd.s32 $0xFFFFC000  }
0xaa: {  	[tilespmem:s13], [sflag:$0x1] =	stream.indirect.gather [hbm4b:s4+s12], $0x80, s25, s12, $0xb8;
	[tilespmem:$0x1D000] =	vst v63  }
0xab: {  	_ =	swait.ge [sflag:s17], $0x4000  }
0xac: {  	[sflag:s17] =	ssyncset.done $0x0  }
0xad: {  	[sflag:s17] =	ssyncadd.s32 $0xFFFFC000  }
0xae: {  	[spmem:s1] =	stream.indirect.scatter.add.f32 [tilespmem:s14], [sflag:$0x3], $0x80, s26, s12, $0xb8;
	[tilespmem:$0x1D000] =	vst v63  }
0xaf: {  	_ =	swait.ge [sflag:s10], $0x4000  }
0xb0: {  	[sflag:s10] =	ssyncset.done $0x0  }
0xb1: {  	[sflag:s10] =	ssyncadd.s32 $0xFFFFC000  }
0xb2: {  	[tilespmem:s14], [sflag:$0x2] =	stream.indirect.gather [hbm4b:s4+s12], $0x80, s28, s12, $0xb8;
	[tilespmem:$0x1D000] =	vst v63  }
0xb3: {  	_ =	swait.ge [sflag:s15], $0x4000  }
0xb4: {  	[sflag:s15] =	ssyncset.done $0x0  }
0xb5: {  	[sflag:s15] =	ssyncadd.s32 $0xFFFFC000  }
0xb6: {  	[spmem:s1] =	stream.indirect.scatter.add.f32 [tilespmem:s13], [sflag:$0x3], $0x80, s29, s12, $0xb8;
	[tilespmem:$0x1D000] =	vst v63  }
0xb7: {  	_ =	swait.ge [sflag:s10], $0x4000  }
0xb8: {  	[sflag:s10] =	ssyncset.done $0x0  }
0xb9: {  	[sflag:s10] =	ssyncadd.s32 $0xFFFFC000  }
0xba: {  	[tilespmem:s13], [sflag:$0x1] =	stream.indirect.gather [hbm4b:s4+s12], $0x80, s30, s12, $0xb8;
	[tilespmem:$0x1D000] =	vst v63  }
0xbb: {  	_ =	swait.ge [sflag:s17], $0x4000  }
0xbc: {  	[sflag:s17] =	ssyncset.done $0x0  }
0xbd: {  	[sflag:s17] =	ssyncadd.s32 $0xFFFFC000  }
0xbe: {  	[spmem:s1] =	stream.indirect.scatter.add.f32 [tilespmem:s14], [sflag:$0x3], $0x80, s31, s12, $0xb8;
	[tilespmem:$0x1D000] =	vst v63  }
0xbf: {  	_ =	swait.ge [sflag:s10], $0x4000  }
0xc0: {  	[sflag:s10] =	ssyncset.done $0x0  }
0xc1: {  	[sflag:s10] =	ssyncadd.s32 $0xFFFFC000  }
0xc2: {  	[tilespmem:s14], [sflag:$0x2] =	stream.indirect.gather [hbm4b:s4+s12], $0x80, s0, s12, $0xb8;
	[tilespmem:$0x1D000] =	vst v63  }
0xc3: {  	_ =	swait.ge [sflag:s15], $0x4000  }
0xc4: {  	[sflag:s15] =	ssyncset.done $0x0  }
0xc5: {  	[sflag:s15] =	ssyncadd.s32 $0xFFFFC000  }
0xc6: {  	[spmem:s1] =	stream.indirect.scatter.add.f32 [tilespmem:s13], [sflag:$0x3], $0x80, s2, s12, $0xb8;
	[tilespmem:$0x1D000] =	vst v63  }
0xc7: {  	_ =	swait.ge [sflag:s10], $0x4000  }
0xc8: {  	[sflag:s10] =	ssyncset.done $0x0  }
0xc9: {  	p0 =	sne.s32 s8, $0x700;
	[sflag:s10] =	ssyncadd.s32 $0xFFFFC000  }
.Ltmp0:
0xca: {  	_ =	swait.ge [sflag:s17], $0x4000;
	(pc) =	sbr.rel @p0 .LBB2_2-.Ltmp0, $4  }
0xcb: {  	[sflag:s17] =	ssyncset.done $0x0  }
0xcc: {  	[sflag:s17] =	ssyncadd.s32 $0xFFFFC000  }
0xcd: {  	[spmem:s1] =	stream.indirect.scatter.add.f32 [tilespmem:s14], [sflag:$0x3], $0x80, s5, s12, $0xb8;
	[tilespmem:$0x1D000] =	vst v63  }
0xce: {  	s8 =	sadd.s32 $0x100, s8;
	_ =	swait.ge [sflag:s10], $0x4000  }
0xcf: {  	[sflag:s10] =	ssyncset.done $0x0  }
0xd0: {  	[sflag:s10] =	ssyncadd.s32 $0xFFFFC000  }
0xd1: {  	[bflag:$0x0] =	sbarrier.arrive $0xFFFF  }
0xd2: {  	s9 =	rddreg [dreg:$0x6]  }
0xd3: {  	s6 =	rddreg [dreg:$0x7]  }
0xd4: {  	s8 =	rddreg [dreg:$0x9]  }
0xd5: {  	[hbm:s6], [sflag:s9] =	dma.local [spmem:s8], $0x2800  }
0xd6: {  	_ =	swait.ge [sflag:s10], $0x2800  }
0xd7: {  	s7 =	sadd.s32 $0x1, s7;
	s6 =	rddreg [dreg:$0x8]  }
0xd8: {  	p0 =	sne.s32 s7, s6  }
.Ltmp1:
0xd9: {  	_ = 	snop;
	(pc) =	sbr.rel @p0 .LBB2_1-.Ltmp1, $3  }
0xda: {  	_ =	sdelay $0x1  }
0xdb: {  	[sflag:s10] =	ssyncset.done $0x0  }
0xdc: {  	[sflag:s10] =	ssyncadd.s32 $0xFFFFD800  }
0xdd: {  	_ =	sfence.sel $0x180000  }
0xde: {  	[bflag:$0x0] =	sbarrier.arrive $0xFFFF  }
0xdf: {  	_ =	strace $0x9000004A  }
0xe0: {  	s0 =	stileid.u32;
	[bflag:$0x2] =	sbarrier.arrive $0xFFFF  }
0xe1: {  	p0 =	sne.s32 s0, $0x0;
	s0 =	rddreg [dreg:$0x2]  }
0xe2: {  	s0 =	sadd.s32 @!p0 $0x100000, s0  }
0xe3: {  	[sflag:s0] =	ssyncadd.tile.s32 @!p0 $0x1;
	_ =	shalt  }
.Lfunc_end2:
_tile_overlayer_lowered:
.L_overlay_start_2:
0xe4: {  	(tag) =	ssettag $0x2  }
0xe5: {  	s0 =	rddreg [dreg:$0x0];
	s2 =	stileid.u32  }
0xe6: {  	s1 =	rddreg [dreg:$0x1];
	p0 =	sne.s32 s2, $0x0  }
0xe7: {  	s3 =	rddreg [dreg:$0x2];
	[bflag:$0x3] =	sbarrier.arrive $0xFFFF;
	s2 =	simm.s32 @!p0 $0x1C03  }
0xe8: {  	[timem:s3], [sflag:s2] =	dma.local @!p0 [hbm:s0], s1  }
0xe9: {  	s0 =	simm.s32 @!p0 $0x3  }
0xea: {  	_ =	swait.ge @!p0 [sflag:s0], s1  }
0xeb: {  	s1 =	ssub.s32 @!p0 $0x0, s1;
	[sflag:s0] =	ssyncset.done @!p0 $0x0  }
0xec: {  	[sflag:s0] =	ssyncadd.s32 @!p0 s1  }
0xed: {  	[bflag:$0x3] =	sbarrier.arrive $0xFFFF  }
0xee: {  	_ =	shalt  }

// kernel: kernel.17.cloned.1.call-start
scs
__scs_entry_jumppad:
0x0: {  	(pc) =	sbr.rel $0x88, $3  }
0x1: {  	(tag) =	ssettag $0x0;
	lr =	simm.s32 $0x1  }
0x2: {  	[smem:$0x3F88] =	sst lr;
	_ =	strace $0xD0000000  }
0x3: {  	_ = 	snop  }
0x4: {  	_ = 	snop  }
0x5: {  	_ = 	snop  }
0x6: {  	_ = 	snop  }
0x7: {  	_ = 	snop  }
__scs_overlays_trampoline_lowered:
0x8: {  	[smem:$0x3F97] =	sst s0  }
0x9: {  	[smem:$0x3F98] =	sst s1  }
0xa: {  	[smem:$0x3F99] =	sst s2  }
0xb: {  	[smem:$0x3F9A] =	sst s3  }
0xc: {  	[smem:$0x3F9B] =	sst s4  }
0xd: {  	[smem:$0x3F9C] =	sst s5  }
0xe: {  	[smem:$0x3F9D] =	sst s6  }
0xf: {  	[smem:$0x3F9E] =	sst s7  }
0x10: {  	[smem:$0x3F9F] =	sst s8  }
0x11: {  	[smem:$0x3FA0] =	sst s9;
	s0 =	simm.s32 @!p0 $0x0  }
0x12: {  	s1 =	sld [smem:$0x3F86];
	s0 =	simm.s32 @p0 $0x1  }
0x13: {  	[smem:$0x3FA1] =	sst s0;
	s0 =	simm.s32 @!p1 $0x0  }
0x14: {  	s2 =	sld [smem:$0x3F85];
	s0 =	simm.s32 @p1 $0x1  }
0x15: {  	[smem:$0x3FA2] =	sst s0;
	s0 =	simm.s32 @!p2 $0x0  }
0x16: {  	s3 =	sld [smem:$0x3FDB];
	s0 =	simm.s32 @p2 $0x1  }
0x17: {  	s4 =	simm.s32 $0x1BF5;
	[smem:$0x3FA4] =	sst s0  }
0x18: {  	s0 =	sld [smem:$0x3F87];
	_ =	swait.ge [sflag:s4], $0x0  }
0x19: {  	s7 =	sld [smem:$0x3F88]  }
0x1a: {  	s8 =	sadd.s32 $0xFFFFE003, lr  }
0x1b: {  	s9 =	sadd.s32 $0xFFFFFEF7, lr;
	s5 =	simm.s32 $0xFFFFFFFF;
	p2 =	slt.u32 s8, $0xFFFFF086  }
0x1c: {  	p1 =	slt.u32 s9, $0xF7A;
	s5 =	simm.s32 @!p2 $0x0  }
0x1d: {  	s5 =	simm.s32 @p1 $0x1;
	p0 =	seq.s32 s7, s2  }
0x1e: {  	s7 =	smul.u32 @!p0 $0xF7A, s2;
	p2 =	seq.s32 @!p0 s5, $0x0  }
0x1f: {  	s9 =	smul.u32 $0xF7A, s1;
	s8 =	simm.s32 @!p0 $0x1BF5;
	p2 =	por !p2, p0  }
0x20: {  	[sflag:s8] =	ssyncset.s32 @!p0 $0xFFFFF086;
	s6 =	sadd.s32 @!p0 s3, s7;
	s7 =	simm.s32 @!p0 $0x108  }
0x21: {  	s3 =	sadd.s32 s3, s9;
	s6 =	sadd.s32 @!p0 $0x88, s6;
	s7 =	simm.s32 @p2 $0x1082  }
0x22: {  	[simem:s7], [sflag:s8] =	dma.local @!p0 [hbm:s6], $0xF7A  }
0x23: {  	s9 =	sor.u32 $0xD0000000, s2;
	s6 =	simm.s32 $0x108;
	_ =	swait.ge @!p0 [sflag:s8], $0x0  }
0x24: {  	s3 =	sadd.s32 $0x88, s3;
	s6 =	simm.s32 @!p1 $0x1082;
	[sflag:s4] =	ssyncset.s32 $0xFFFFF086  }
0x25: {  	[simem:s6], [sflag:s4] =	dma.local [hbm:s3], $0xF7A  }
0x26: {  	[smem:$0x3F88] =	sst s1;
	(tag) =	ssettag s2;
	_ =	strace s9  }
0x27: {  	s1 =	sld [smem:$0x3F98]  }
0x28: {  	s2 =	sld [smem:$0x3F99]  }
0x29: {  	s4 =	sld [smem:$0x3F9B]  }
0x2a: {  	p0 =	seq.s32 s5, $0x0;
	s5 =	sld [smem:$0x3F9C]  }
0x2b: {  	s6 =	sld [smem:$0x3F9D]  }
0x2c: {  	s7 =	sld [smem:$0x3F9E]  }
0x2d: {  	s3 =	simm.s32 $0x108;
	s8 =	sld [smem:$0x3F9F]  }
0x2e: {  	s3 =	simm.s32 @!p0 $0x1082;
	s9 =	sld [smem:$0x3FA0]  }
0x2f: {  	lr =	sadd.s32 s0, s3;
	s0 =	sld [smem:$0x3F97]  }
0x30: {  	s3 =	sld [smem:$0x3F9A]  }
0x31: {  	[smem:$0x3FA3] =	sst s10  }
0x32: {  	s10 =	sld [smem:$0x3FA1];
	_ =	sdelay $0x3  }
0x33: {  	p0 =	seq.s32 s10, $0x1;
	s10 =	sld [smem:$0x3FA3];
	_ =	sdelay $0x3  }
0x34: {  	[smem:$0x3FA3] =	sst s10  }
0x35: {  	s10 =	sld [smem:$0x3FA2];
	_ =	sdelay $0x3  }
0x36: {  	p1 =	seq.s32 s10, $0x1;
	s10 =	sld [smem:$0x3FA3];
	_ =	sdelay $0x3  }
0x37: {  	[smem:$0x3FA3] =	sst s10  }
0x38: {  	s10 =	sld [smem:$0x3FA4]  }
0x39: {  	_ = 	snop;
	(pc) =	sbr.ind lr, $3  }
0x3a: {  	_ = 	snop  }
0x3b: {  	_ = 	snop  }
0x3c: {  	p2 =	seq.s32 s10, $0x1;
	s10 =	sld [smem:$0x3FA3]  }
0x3d: {  	_ =	shalt  }
0x3e: {  	_ =	shalt  }
0x3f: {  	_ =	shalt  }
0x40: {  	_ =	shalt  }
0x41: {  	_ =	shalt  }
0x42: {  	_ =	shalt  }
0x43: {  	_ =	shalt  }
0x44: {  	_ =	shalt  }
0x45: {  	_ =	shalt  }
0x46: {  	_ =	shalt  }
0x47: {  	_ =	shalt  }
0x48: {  	_ =	shalt  }
0x49: {  	_ =	shalt  }
0x4a: {  	_ =	shalt  }
0x4b: {  	_ =	shalt  }
0x4c: {  	_ =	shalt  }
0x4d: {  	_ =	shalt  }
0x4e: {  	_ =	shalt  }
0x4f: {  	_ =	shalt  }
0x50: {  	_ =	shalt  }
0x51: {  	_ =	shalt  }
0x52: {  	_ =	shalt  }
0x53: {  	_ =	shalt  }
0x54: {  	_ =	shalt  }
0x55: {  	_ =	shalt  }
0x56: {  	_ =	shalt  }
0x57: {  	_ =	shalt  }
0x58: {  	_ =	shalt  }
0x59: {  	_ =	shalt  }
0x5a: {  	_ =	shalt  }
0x5b: {  	_ =	shalt  }
0x5c: {  	_ =	shalt  }
0x5d: {  	_ =	shalt  }
0x5e: {  	_ =	shalt  }
0x5f: {  	_ =	shalt  }
0x60: {  	_ =	shalt  }
0x61: {  	_ =	shalt  }
0x62: {  	_ =	shalt  }
0x63: {  	_ =	shalt  }
0x64: {  	_ =	shalt  }
0x65: {  	_ =	shalt  }
0x66: {  	_ =	shalt  }
0x67: {  	_ =	shalt  }
0x68: {  	_ =	shalt  }
0x69: {  	_ =	shalt  }
0x6a: {  	_ =	shalt  }
0x6b: {  	_ =	shalt  }
0x6c: {  	_ =	shalt  }
0x6d: {  	_ =	shalt  }
0x6e: {  	_ =	shalt  }
0x6f: {  	_ =	shalt  }
0x70: {  	_ =	shalt  }
0x71: {  	_ =	shalt  }
0x72: {  	_ =	shalt  }
0x73: {  	_ =	shalt  }
0x74: {  	_ =	shalt  }
0x75: {  	_ =	shalt  }
0x76: {  	_ =	shalt  }
0x77: {  	_ =	shalt  }
0x78: {  	_ =	shalt  }
0x79: {  	_ =	shalt  }
0x7a: {  	_ =	shalt  }
0x7b: {  	_ =	shalt  }
0x7c: {  	_ =	shalt  }
0x7d: {  	_ =	shalt  }
0x7e: {  	_ =	shalt  }
0x7f: {  	_ =	shalt  }
0x80: {  	_ =	shalt  }
0x81: {  	_ =	shalt  }
0x82: {  	_ =	shalt  }
0x83: {  	_ =	shalt  }
0x84: {  	_ =	shalt  }
0x85: {  	_ =	shalt  }
0x86: {  	_ =	shalt  }
0x87: {  	_ =	shalt  }
.Lfunc_end0:
.L_simem_size_0:
called_computation.2_lowered:
.L_overlay_start_0:
0x88: {  	s2 =	sld [smem:$0x3FD9]  }
0x89: {  	s3 =	sld [smem:$0x3FFE];
	_ =	sdelay $0x1  }
0x8a: {  	s1 =	srdreg.scid  }
0x8b: {  	s0 =	sand.u32 $0x1, s1  }
0x8c: {  	s16 =	sshll.u32 s0, $0xA;
	s2 =	sadd.s32 s3, s2  }
0x8d: {  	s2 =	sadd.s32 s2, s16  }
0x8e: {  	[smem:$0x3FAF] =	sst s2  }
0x8f: {  	_ = 	snop  }
0x90: {  	(tm) =	ssettm $0x1  }
0x91: {  	s17 =	sld [smem:$0x3FFB];
	_ =	sdelay $0x3  }
0x92: {  	_ =	strace s17  }
0x93: {  	s2 =	sld [smem:$0x3FFC];
	_ =	sdelay $0x3  }
0x94: {  	_ =	strace s2  }
0x95: {  	s2 =	sld [smem:$0x3FFD];
	_ =	sdelay $0x3  }
0x96: {  	_ =	strace s2  }
0x97: {  	_ =	strace $0x8FFFFFFF  }
0x98: {  	s18 =	sld [smem:$0x3FDB];
	_ =	sdelay $0x1  }
0x99: {  	s19 =	simm.s32 $_scs_section_size  }
0x9a: {  	s4 =	simm.s32 $_size__tile_overlayer_lowered;
	s5 =	simm.s32 $_tile_overlayer_lowered  }
0x9b: {  	s22 =	simm.s32 $0x1BFF;
	s21 =	sshll.u32 s5, $0x1;
	s2 =	sadd.s32 s19, s18  }
0x9c: {  	s6 =	simm.s32 $0x0;
	s20 =	sshll.u32 s4, $0x1;
	s4 =	sadd.s32 s21, s2  }
0x9d: {  	[timem:s6], [sflag:s22] =	dma.local [hbm:s4], s20  }
0x9e: {  	_ =	swait.ge [sflag:s22], s20  }
0x9f: {  	s3 =	ssub.s32 $0x0, s20;
	[sflag:s22] =	ssyncset.done $0x0  }
0xa0: {  	[sflag:s22] =	ssyncadd.s32 s3;
	_ =	sdelay $0x1  }
0xa1: {  	s23 =	simm.s32 $0x1B8B  }
0xa2: {  	_ =	swait.ge [sflag:s23], $0x1  }
0xa3: {  	[sflag:s23] =	ssyncset.done $0x0  }
0xa4: {  	s25 =	simm.s32 $0x1B8E;
	s24 =	sld [smem:$0x3FFE];
	[sflag:s23] =	ssyncadd.s32 $0xFFFFFFFF  }
0xa5: {  	s26 =	simm.s32 $execute0_lowered;
	[smem:$0x3FD2] =	sst s25  }
0xa6: {  	s4 =	sshll.u32 s26, $0x1;
	_ =	strace $0x8000004C;
	[dreg:$0x1] =	wrdreg $0xFFFFFFFF  }
0xa7: {  	s28 =	simm.s32 $_size_execute0_lowered;
	s2 =	sadd.s32 s2, s4;
	[dreg:$0x0] =	wrdreg $0x0  }
0xa8: {  	s4 =	sshll.u32 s28, $0x1;
	[dreg:$0x2] =	wrdreg s2  }
0xa9: {  	[dreg:$0x3] =	wrdreg s4  }
0xaa: {  	[dreg:$0x4] =	wrdreg $0xC0  }
0xab: {  	_ =	task [dreg:s6], $0x5FFFF  }
0xac: {  	[dreg:$0x1] =	wrdreg $0xFFFFFFFF  }
0xad: {  	[dreg:$0x0] =	wrdreg $0x60  }
0xae: {  	[dreg:$0x2] =	wrdreg s24  }
0xaf: {  	[dreg:$0x3] =	wrdreg $0x90000  }
0xb0: {  	[dreg:$0x4] =	wrdreg $0x9  }
0xb1: {  	_ =	task.clear_ibuf [dreg:s6], $0x5FFFF;
	_ =	strace $0x9000004C  }
0xb2: {  	s29 =	simm.s32 $0x9;
	_ =	strace $0x8000004E  }
0xb3: {  	_ =	swait.ge [sflag:s29], $0x1  }
0xb4: {  	[sflag:s29] =	ssyncadd.s32 $0xFFFFFFFF  }
0xb5: {  	_ =	strace $0x9000004E  }
0xb6: {  	_ =	sfence  }
0xb7: {  	s30 =	sld [smem:$0x0];
	_ =	sdelay $0x2  }
0xb8: {  	s31 =	sshll.u32 s1, $0xD;
	s1 =	sshrl.u32 s1, $0x2  }
0xb9: {  	s3 =	sand.u32 $0x4000, s31;
	s1 =	sadd.s32 s1, s30  }
0xba: {  	s0 =	sor.u32 s3, s0;
	s1 =	sshll.u32 s1, $0x11  }
0xbb: {  	s0 =	sor.u32 s1, s0  }
0xbc: {  	s0 =	sadd.s32 $0x8F2B, s0  }
0xbd: {  	[sflag:s0] =	ssyncadd.remote.s32 $0x1  }
0xbe: {  	_ =	sfence.sel $0xFFFF  }
0xbf: {  	[dreg:$0x0] =	wrdreg $0xFFFFFFFF;
	(pc) =	sbr.abs _section_cstart, $3  }
0xc0: {  	[dreg:$0x1] =	wrdreg $0xFFFFFFFF  }
0xc1: {  	_ =	task.clear_ibuf [dreg:s6], $0x2FFFF;
	_ =	strace $0x9FFFFFFF  }
0xc2: {  	(tm) =	ssettm $0x7FFFFFFF  }
0xc3: {  	_ =	shalt  }
tec
execute0_lowered:
.L_overlay_start_1:
0x0: {  	(tag) =	ssettag $0x1  }
0x1: {  	s0 =	rddreg [dreg:$0x0]  }
0x2: {  	s1 =	rddreg [dreg:$0x1];
	s2 =	srdreg.scid;
	s3 =	simm.s32 $0x0  }
0x3: {  	s9 =	stileid.u32;
	s11 =	simm.s32 $0x800;
	s12 =	simm.s32 $0x80  }
0x4: {  	s13 =	simm.s32 $0x1000;
	s14 =	simm.s32 $0x5000;
	s15 =	simm.s32 $0x1  }
0x5: {  	s16 =	simm.s32 $0x100;
	s17 =	simm.s32 $0x2;
	s18 =	simm.s32 $0x880  }
0x6: {  	s19 =	simm.s32 $0x180;
	s20 =	simm.s32 $0x900;
	s28 =	simm.s32 $0x380  }
0x7: {  	s29 =	simm.s32 $0xB00;
	s30 =	simm.s32 $0x400;
	s31 =	simm.s32 $0xB80  }
0x8: {  	s2 =	sand.u32 $0x1, s2;
	[smem:$0x7FF] =	sst s3;
	s6 =	smul.u32 $0x14000, s9  }
0x9: {  	s7 =	sshll.u32 s9, $0xC;
	s4 =	sadd.s32 $0x25E00, s0;
	s8 =	smul.u32 $0x50000, s9  }
0xa: {  	s10 =	sadd.s32 $0x4D000, s0;
	s24 =	sshll.u32 s9, $0x6;
	s5 =	smul.u32 $0x140000, s2  }
0xb: {  	_ =	strace $0x8000004D;
	s7 =	sadd.s32 s7, s0;
	s21 =	ssub.s32 $0x2, s2  }
0xc: {  	[dreg:$0x5] =	wrdreg s10;
	s2 =	sshll.u32 s2, $0xB;
	s9 =	sor.u32 $0x1C03, s24  }
0xd: {  	s10 =	simm.s32 $0x3;
	s24 =	simm.s32 $0xA00;
	s22 =	sshrl.u32 s21, $0x1  }
0xe: {  	s23 =	sshrl.u32 s8, $0x2;
	s2 =	sadd.s32 s2, s7;
	s7 =	simm.s32 $0x0  }
0xf: {  	[dreg:$0x6] =	wrdreg s9;
	s5 =	sadd.s32 s6, s5;
	s8 =	sadd.s32 s23, s1  }
0x10: {  	s25 =	sadd.s32 $0x15E00, s2;
	s26 =	sadd.s32 $0x5E00, s2;
	s23 =	simm.s32 $0x280  }
0x11: {  	s2 =	simm.s32 $0xC00;
	s5 =	sshrl.u32 s5, $0x3;
	[dreg:$0x3] =	wrdreg s25  }
0x12: {  	[dreg:$0x4] =	wrdreg s26;
	s8 =	sshrl.u32 s8, $0x3;
	s25 =	simm.s32 $0x300  }
0x13: {  	s26 =	simm.s32 $0xA80;
	s0 =	sadd.s32 s5, s0;
	s5 =	ssub.s32 s21, s22  }
0x14: {  	s21 =	simm.s32 $0x200;
	[dreg:$0x9] =	wrdreg s8;
	s0 =	sadd.s32 $0x4F800, s0  }
0x15: {  	s22 =	simm.s32 $0x980;
	s5 =	smax.u32 s5, $0x1;
	[dreg:$0x7] =	wrdreg s0  }
0x16: {  	[dreg:$0x8] =	wrdreg s5;
	s0 =	simm.s32 $0x480;
	s5 =	simm.s32 $0xC80  }
.LBB2_1:
0x17: {  	s6 =	rddreg [dreg:$0x5]  }
0x18: {  	[spmem:s8], [sflag:s9] =	dma.local [hbm:s6], $0x2800  }
0x19: {  	_ =	swait.ge [sflag:s10], $0x2800  }
0x1a: {  	[sflag:s10] =	ssyncset.done $0x0  }
0x1b: {  	[sflag:s10] =	ssyncadd.s32 $0xFFFFD800  }
0x1c: {  	[bflag:$0x0] =	sbarrier.arrive $0xFFFF  }
0x1d: {  	s6 =	rddreg [dreg:$0x4]  }
0x1e: {  	s8 =	sadd.s32 $0x0, s6  }
0x1f: {  	[tilespmem:s3], [sflag:$0x3] =	stream.linear.gather [hbm4b:s8+s3], $0x500, $0x38;
	[tilespmem:$0x1D000] =	vst v63  }
0x20: {  	_ =	swait.ge [sflag:s10], $0x500  }
0x21: {  	s9 =	rddreg [dreg:$0x3];
	[sflag:s10] =	ssyncset.done $0x0  }
0x22: {  	[sflag:s10] =	ssyncadd.s32 $0xFFFFFB00;
	s8 =	sadd.s32 $0x0, s9  }
0x23: {  	[tilespmem:s11], [sflag:$0x3] =	stream.linear.gather [hbm4b:s8+s3], $0x500, $0x38;
	[tilespmem:$0x1D000] =	vst v63  }
0x24: {  	_ =	swait.ge [sflag:s10], $0x500  }
0x25: {  	[sflag:s10] =	ssyncset.done $0x0  }
0x26: {  	[sflag:s10] =	ssyncadd.s32 $0xFFFFFB00  }
0x27: {  	[tilespmem:s13], [sflag:$0x1] =	stream.indirect.gather [hbm4b:s4+s12], $0x80, s3, s12, $0xb8;
	[tilespmem:$0x1D000] =	vst v63  }
0x28: {  	_ = 	snop  }
0x29: {  	[tilespmem:s14], [sflag:$0x2] =	stream.indirect.gather [hbm4b:s4+s12], $0x80, s12, s12, $0xb8;
	[tilespmem:$0x1D000] =	vst v63  }
0x2a: {  	_ =	swait.ge [sflag:s15], $0x4000  }
0x2b: {  	[sflag:s15] =	ssyncset.done $0x0  }
0x2c: {  	[sflag:s15] =	ssyncadd.s32 $0xFFFFC000  }
0x2d: {  	[spmem:s1] =	stream.indirect.scatter.add.f32 [tilespmem:s13], [sflag:$0x3], $0x80, s11, s12, $0xb8;
	[tilespmem:$0x1D000] =	vst v63  }
0x2e: {  	_ =	swait.ge [sflag:s10], $0x4000  }
0x2f: {  	[sflag:s10] =	ssyncset.done $0x0  }
0x30: {  	[sflag:s10] =	ssyncadd.s32 $0xFFFFC000  }
0x31: {  	[tilespmem:s13], [sflag:$0x1] =	stream.indirect.gather [hbm4b:s4+s12], $0x80, s16, s12, $0xb8;
	[tilespmem:$0x1D000] =	vst v63  }
0x32: {  	_ =	swait.ge [sflag:s17], $0x4000  }
0x33: {  	[sflag:s17] =	ssyncset.done $0x0  }
0x34: {  	[sflag:s17] =	ssyncadd.s32 $0xFFFFC000  }
0x35: {  	[spmem:s1] =	stream.indirect.scatter.add.f32 [tilespmem:s14], [sflag:$0x3], $0x80, s18, s12, $0xb8;
	[tilespmem:$0x1D000] =	vst v63  }
0x36: {  	_ =	swait.ge [sflag:s10], $0x4000  }
0x37: {  	[sflag:s10] =	ssyncset.done $0x0  }
0x38: {  	[sflag:s10] =	ssyncadd.s32 $0xFFFFC000  }
0x39: {  	[tilespmem:s14], [sflag:$0x2] =	stream.indirect.gather [hbm4b:s4+s12], $0x80, s19, s12, $0xb8;
	[tilespmem:$0x1D000] =	vst v63  }
0x3a: {  	_ =	swait.ge [sflag:s15], $0x4000  }
0x3b: {  	[sflag:s15] =	ssyncset.done $0x0  }
0x3c: {  	[sflag:s15] =	ssyncadd.s32 $0xFFFFC000  }
0x3d: {  	[spmem:s1] =	stream.indirect.scatter.add.f32 [tilespmem:s13], [sflag:$0x3], $0x80, s20, s12, $0xb8;
	[tilespmem:$0x1D000] =	vst v63  }
0x3e: {  	_ =	swait.ge [sflag:s10], $0x4000  }
0x3f: {  	[sflag:s10] =	ssyncset.done $0x0  }
0x40: {  	[sflag:s10] =	ssyncadd.s32 $0xFFFFC000  }
0x41: {  	[tilespmem:s13], [sflag:$0x1] =	stream.indirect.gather [hbm4b:s4+s12], $0x80, s21, s12, $0xb8;
	[tilespmem:$0x1D000] =	vst v63  }
0x42: {  	_ =	swait.ge [sflag:s17], $0x4000  }
0x43: {  	[sflag:s17] =	ssyncset.done $0x0  }
0x44: {  	[sflag:s17] =	ssyncadd.s32 $0xFFFFC000  }
0x45: {  	[spmem:s1] =	stream.indirect.scatter.add.f32 [tilespmem:s14], [sflag:$0x3], $0x80, s22, s12, $0xb8;
	[tilespmem:$0x1D000] =	vst v63  }
0x46: {  	_ =	swait.ge [sflag:s10], $0x4000  }
0x47: {  	[sflag:s10] =	ssyncset.done $0x0  }
0x48: {  	[sflag:s10] =	ssyncadd.s32 $0xFFFFC000  }
0x49: {  	[tilespmem:s14], [sflag:$0x2] =	stream.indirect.gather [hbm4b:s4+s12], $0x80, s23, s12, $0xb8;
	[tilespmem:$0x1D000] =	vst v63  }
0x4a: {  	_ =	swait.ge [sflag:s15], $0x4000  }
0x4b: {  	[sflag:s15] =	ssyncset.done $0x0  }
0x4c: {  	[sflag:s15] =	ssyncadd.s32 $0xFFFFC000  }
0x4d: {  	[spmem:s1] =	stream.indirect.scatter.add.f32 [tilespmem:s13], [sflag:$0x3], $0x80, s24, s12, $0xb8;
	[tilespmem:$0x1D000] =	vst v63  }
0x4e: {  	_ =	swait.ge [sflag:s10], $0x4000  }
0x4f: {  	[sflag:s10] =	ssyncset.done $0x0  }
0x50: {  	[sflag:s10] =	ssyncadd.s32 $0xFFFFC000  }
0x51: {  	[tilespmem:s13], [sflag:$0x1] =	stream.indirect.gather [hbm4b:s4+s12], $0x80, s25, s12, $0xb8;
	[tilespmem:$0x1D000] =	vst v63  }
0x52: {  	_ =	swait.ge [sflag:s17], $0x4000  }
0x53: {  	[sflag:s17] =	ssyncset.done $0x0  }
0x54: {  	[sflag:s17] =	ssyncadd.s32 $0xFFFFC000  }
0x55: {  	[spmem:s1] =	stream.indirect.scatter.add.f32 [tilespmem:s14], [sflag:$0x3], $0x80, s26, s12, $0xb8;
	[tilespmem:$0x1D000] =	vst v63  }
0x56: {  	_ =	swait.ge [sflag:s10], $0x4000  }
0x57: {  	[sflag:s10] =	ssyncset.done $0x0  }
0x58: {  	[sflag:s10] =	ssyncadd.s32 $0xFFFFC000  }
0x59: {  	[tilespmem:s14], [sflag:$0x2] =	stream.indirect.gather [hbm4b:s4+s12], $0x80, s28, s12, $0xb8;
	[tilespmem:$0x1D000] =	vst v63  }
0x5a: {  	_ =	swait.ge [sflag:s15], $0x4000  }
0x5b: {  	[sflag:s15] =	ssyncset.done $0x0  }
0x5c: {  	[sflag:s15] =	ssyncadd.s32 $0xFFFFC000  }
0x5d: {  	[spmem:s1] =	stream.indirect.scatter.add.f32 [tilespmem:s13], [sflag:$0x3], $0x80, s29, s12, $0xb8;
	[tilespmem:$0x1D000] =	vst v63  }
0x5e: {  	_ =	swait.ge [sflag:s10], $0x4000  }
0x5f: {  	[sflag:s10] =	ssyncset.done $0x0  }
0x60: {  	[sflag:s10] =	ssyncadd.s32 $0xFFFFC000  }
0x61: {  	[tilespmem:s13], [sflag:$0x1] =	stream.indirect.gather [hbm4b:s4+s12], $0x80, s30, s12, $0xb8;
	[tilespmem:$0x1D000] =	vst v63  }
0x62: {  	_ =	swait.ge [sflag:s17], $0x4000  }
0x63: {  	[sflag:s17] =	ssyncset.done $0x0  }
0x64: {  	[sflag:s17] =	ssyncadd.s32 $0xFFFFC000  }
0x65: {  	[spmem:s1] =	stream.indirect.scatter.add.f32 [tilespmem:s14], [sflag:$0x3], $0x80, s31, s12, $0xb8;
	[tilespmem:$0x1D000] =	vst v63  }
0x66: {  	_ =	swait.ge [sflag:s10], $0x4000  }
0x67: {  	[sflag:s10] =	ssyncset.done $0x0  }
0x68: {  	[sflag:s10] =	ssyncadd.s32 $0xFFFFC000  }
0x69: {  	[tilespmem:s14], [sflag:$0x2] =	stream.indirect.gather [hbm4b:s4+s12], $0x80, s0, s12, $0xb8;
	[tilespmem:$0x1D000] =	vst v63  }
0x6a: {  	_ =	swait.ge [sflag:s15], $0x4000  }
0x6b: {  	[sflag:s15] =	ssyncset.done $0x0  }
0x6c: {  	[sflag:s15] =	ssyncadd.s32 $0xFFFFC000  }
0x6d: {  	[spmem:s1] =	stream.indirect.scatter.add.f32 [tilespmem:s13], [sflag:$0x3], $0x80, s2, s12, $0xb8;
	[tilespmem:$0x1D000] =	vst v63  }
0x6e: {  	_ =	swait.ge [sflag:s10], $0x4000  }
0x6f: {  	[sflag:s10] =	ssyncset.done $0x0  }
0x70: {  	[sflag:s10] =	ssyncadd.s32 $0xFFFFC000  }
0x71: {  	_ =	swait.ge [sflag:s17], $0x4000  }
0x72: {  	[sflag:s17] =	ssyncset.done $0x0  }
0x73: {  	[sflag:s17] =	ssyncadd.s32 $0xFFFFC000  }
0x74: {  	[spmem:s1] =	stream.indirect.scatter.add.f32 [tilespmem:s14], [sflag:$0x3], $0x80, s5, s12, $0xb8;
	[tilespmem:$0x1D000] =	vst v63  }
0x75: {  	s8 =	simm.s32 $0x100;
	_ =	swait.ge [sflag:s10], $0x4000  }
.LBB2_2:
0x76: {  	s6 =	rddreg [dreg:$0x4];
	s9 =	smov.u32 s8;
	[sflag:s10] =	ssyncset.done $0x0  }
0x77: {  	s6 =	sadd.s32 s9, s6;
	[sflag:s10] =	ssyncadd.s32 $0xFFFFC000  }
0x78: {  	[tilespmem:s3], [sflag:$0x3] =	stream.linear.gather [hbm4b:s6+s3], $0x500, $0x38;
	[tilespmem:$0x1D000] =	vst v63  }
0x79: {  	_ =	swait.ge [sflag:s10], $0x500  }
0x7a: {  	s6 =	rddreg [dreg:$0x3];
	[sflag:s10] =	ssyncset.done $0x0  }
0x7b: {  	[sflag:s10] =	ssyncadd.s32 $0xFFFFFB00;
	s6 =	sadd.s32 s9, s6  }
0x7c: {  	[tilespmem:s11], [sflag:$0x3] =	stream.linear.gather [hbm4b:s6+s3], $0x500, $0x38;
	[tilespmem:$0x1D000] =	vst v63  }
0x7d: {  	_ =	swait.ge [sflag:s10], $0x500  }
0x7e: {  	[sflag:s10] =	ssyncset.done $0x0  }
0x7f: {  	[sflag:s10] =	ssyncadd.s32 $0xFFFFFB00  }
0x80: {  	[tilespmem:s13], [sflag:$0x1] =	stream.indirect.gather [hbm4b:s4+s12], $0x80, s3, s12, $0xb8;
	[tilespmem:$0x1D000] =	vst v63  }
0x81: {  	_ = 	snop  }
0x82: {  	[tilespmem:s14], [sflag:$0x2] =	stream.indirect.gather [hbm4b:s4+s12], $0x80, s12, s12, $0xb8;
	[tilespmem:$0x1D000] =	vst v63  }
0x83: {  	_ =	swait.ge [sflag:s15], $0x4000  }
0x84: {  	[sflag:s15] =	ssyncset.done $0x0  }
0x85: {  	[sflag:s15] =	ssyncadd.s32 $0xFFFFC000  }
0x86: {  	[spmem:s1] =	stream.indirect.scatter.add.f32 [tilespmem:s13], [sflag:$0x3], $0x80, s11, s12, $0xb8;
	[tilespmem:$0x1D000] =	vst v63  }
0x87: {  	_ =	swait.ge [sflag:s10], $0x4000  }
0x88: {  	[sflag:s10] =	ssyncset.done $0x0  }
0x89: {  	[sflag:s10] =	ssyncadd.s32 $0xFFFFC000  }
0x8a: {  	[tilespmem:s13], [sflag:$0x1] =	stream.indirect.gather [hbm4b:s4+s12], $0x80, s16, s12, $0xb8;
	[tilespmem:$0x1D000] =	vst v63  }
0x8b: {  	_ =	swait.ge [sflag:s17], $0x4000  }
0x8c: {  	[sflag:s17] =	ssyncset.done $0x0  }
0x8d: {  	[sflag:s17] =	ssyncadd.s32 $0xFFFFC000  }
0x8e: {  	[spmem:s1] =	stream.indirect.scatter.add.f32 [tilespmem:s14], [sflag:$0x3], $0x80, s18, s12, $0xb8;
	[tilespmem:$0x1D000] =	vst v63  }
0x8f: {  	_ =	swait.ge [sflag:s10], $0x4000  }
0x90: {  	[sflag:s10] =	ssyncset.done $0x0  }
0x91: {  	[sflag:s10] =	ssyncadd.s32 $0xFFFFC000  }
0x92: {  	[tilespmem:s14], [sflag:$0x2] =	stream.indirect.gather [hbm4b:s4+s12], $0x80, s19, s12, $0xb8;
	[tilespmem:$0x1D000] =	vst v63  }
0x93: {  	_ =	swait.ge [sflag:s15], $0x4000  }
0x94: {  	[sflag:s15] =	ssyncset.done $0x0  }
0x95: {  	[sflag:s15] =	ssyncadd.s32 $0xFFFFC000  }
0x96: {  	[spmem:s1] =	stream.indirect.scatter.add.f32 [tilespmem:s13], [sflag:$0x3], $0x80, s20, s12, $0xb8;
	[tilespmem:$0x1D000] =	vst v63  }
0x97: {  	_ =	swait.ge [sflag:s10], $0x4000  }
0x98: {  	[sflag:s10] =	ssyncset.done $0x0  }
0x99: {  	[sflag:s10] =	ssyncadd.s32 $0xFFFFC000  }
0x9a: {  	[tilespmem:s13], [sflag:$0x1] =	stream.indirect.gather [hbm4b:s4+s12], $0x80, s21, s12, $0xb8;
	[tilespmem:$0x1D000] =	vst v63  }
0x9b: {  	_ =	swait.ge [sflag:s17], $0x4000  }
0x9c: {  	[sflag:s17] =	ssyncset.done $0x0  }
0x9d: {  	[sflag:s17] =	ssyncadd.s32 $0xFFFFC000  }
0x9e: {  	[spmem:s1] =	stream.indirect.scatter.add.f32 [tilespmem:s14], [sflag:$0x3], $0x80, s22, s12, $0xb8;
	[tilespmem:$0x1D000] =	vst v63  }
0x9f: {  	_ =	swait.ge [sflag:s10], $0x4000  }
0xa0: {  	[sflag:s10] =	ssyncset.done $0x0  }
0xa1: {  	[sflag:s10] =	ssyncadd.s32 $0xFFFFC000  }
0xa2: {  	[tilespmem:s14], [sflag:$0x2] =	stream.indirect.gather [hbm4b:s4+s12], $0x80, s23, s12, $0xb8;
	[tilespmem:$0x1D000] =	vst v63  }
0xa3: {  	_ =	swait.ge [sflag:s15], $0x4000  }
0xa4: {  	[sflag:s15] =	ssyncset.done $0x0  }
0xa5: {  	[sflag:s15] =	ssyncadd.s32 $0xFFFFC000  }
0xa6: {  	[spmem:s1] =	stream.indirect.scatter.add.f32 [tilespmem:s13], [sflag:$0x3], $0x80, s24, s12, $0xb8;
	[tilespmem:$0x1D000] =	vst v63  }
0xa7: {  	_ =	swait.ge [sflag:s10], $0x4000  }
0xa8: {  	[sflag:s10] =	ssyncset.done $0x0  }
0xa9: {  	[sflag:s10] =	ssyncadd.s32 $0xFFFFC000  }
0xaa: {  	[tilespmem:s13], [sflag:$0x1] =	stream.indirect.gather [hbm4b:s4+s12], $0x80, s25, s12, $0xb8;
	[tilespmem:$0x1D000] =	vst v63  }
0xab: {  	_ =	swait.ge [sflag:s17], $0x4000  }
0xac: {  	[sflag:s17] =	ssyncset.done $0x0  }
0xad: {  	[sflag:s17] =	ssyncadd.s32 $0xFFFFC000  }
0xae: {  	[spmem:s1] =	stream.indirect.scatter.add.f32 [tilespmem:s14], [sflag:$0x3], $0x80, s26, s12, $0xb8;
	[tilespmem:$0x1D000] =	vst v63  }
0xaf: {  	_ =	swait.ge [sflag:s10], $0x4000  }
0xb0: {  	[sflag:s10] =	ssyncset.done $0x0  }
0xb1: {  	[sflag:s10] =	ssyncadd.s32 $0xFFFFC000  }
0xb2: {  	[tilespmem:s14], [sflag:$0x2] =	stream.indirect.gather [hbm4b:s4+s12], $0x80, s28, s12, $0xb8;
	[tilespmem:$0x1D000] =	vst v63  }
0xb3: {  	_ =	swait.ge [sflag:s15], $0x4000  }
0xb4: {  	[sflag:s15] =	ssyncset.done $0x0  }
0xb5: {  	[sflag:s15] =	ssyncadd.s32 $0xFFFFC000  }
0xb6: {  	[spmem:s1] =	stream.indirect.scatter.add.f32 [tilespmem:s13], [sflag:$0x3], $0x80, s29, s12, $0xb8;
	[tilespmem:$0x1D000] =	vst v63  }
0xb7: {  	_ =	swait.ge [sflag:s10], $0x4000  }
0xb8: {  	[sflag:s10] =	ssyncset.done $0x0  }
0xb9: {  	[sflag:s10] =	ssyncadd.s32 $0xFFFFC000  }
0xba: {  	[tilespmem:s13], [sflag:$0x1] =	stream.indirect.gather [hbm4b:s4+s12], $0x80, s30, s12, $0xb8;
	[tilespmem:$0x1D000] =	vst v63  }
0xbb: {  	_ =	swait.ge [sflag:s17], $0x4000  }
0xbc: {  	[sflag:s17] =	ssyncset.done $0x0  }
0xbd: {  	[sflag:s17] =	ssyncadd.s32 $0xFFFFC000  }
0xbe: {  	[spmem:s1] =	stream.indirect.scatter.add.f32 [tilespmem:s14], [sflag:$0x3], $0x80, s31, s12, $0xb8;
	[tilespmem:$0x1D000] =	vst v63  }
0xbf: {  	_ =	swait.ge [sflag:s10], $0x4000  }
0xc0: {  	[sflag:s10] =	ssyncset.done $0x0  }
0xc1: {  	[sflag:s10] =	ssyncadd.s32 $0xFFFFC000  }
0xc2: {  	[tilespmem:s14], [sflag:$0x2] =	stream.indirect.gather [hbm4b:s4+s12], $0x80, s0, s12, $0xb8;
	[tilespmem:$0x1D000] =	vst v63  }
0xc3: {  	_ =	swait.ge [sflag:s15], $0x4000  }
0xc4: {  	[sflag:s15] =	ssyncset.done $0x0  }
0xc5: {  	[sflag:s15] =	ssyncadd.s32 $0xFFFFC000  }
0xc6: {  	[spmem:s1] =	stream.indirect.scatter.add.f32 [tilespmem:s13], [sflag:$0x3], $0x80, s2, s12, $0xb8;
	[tilespmem:$0x1D000] =	vst v63  }
0xc7: {  	_ =	swait.ge [sflag:s10], $0x4000  }
0xc8: {  	[sflag:s10] =	ssyncset.done $0x0  }
0xc9: {  	p0 =	sne.s32 s8, $0x700;
	[sflag:s10] =	ssyncadd.s32 $0xFFFFC000  }
.Ltmp0:
0xca: {  	_ =	swait.ge [sflag:s17], $0x4000;
	(pc) =	sbr.rel @p0 .LBB2_2-.Ltmp0, $4  }
0xcb: {  	[sflag:s17] =	ssyncset.done $0x0  }
0xcc: {  	[sflag:s17] =	ssyncadd.s32 $0xFFFFC000  }
0xcd: {  	[spmem:s1] =	stream.indirect.scatter.add.f32 [tilespmem:s14], [sflag:$0x3], $0x80, s5, s12, $0xb8;
	[tilespmem:$0x1D000] =	vst v63  }
0xce: {  	s8 =	sadd.s32 $0x100, s8;
	_ =	swait.ge [sflag:s10], $0x4000  }
0xcf: {  	[sflag:s10] =	ssyncset.done $0x0  }
0xd0: {  	[sflag:s10] =	ssyncadd.s32 $0xFFFFC000  }
0xd1: {  	[bflag:$0x0] =	sbarrier.arrive $0xFFFF  }
0xd2: {  	s9 =	rddreg [dreg:$0x6]  }
0xd3: {  	s6 =	rddreg [dreg:$0x7]  }
0xd4: {  	s8 =	rddreg [dreg:$0x9]  }
0xd5: {  	[hbm:s6], [sflag:s9] =	dma.local [spmem:s8], $0x2800  }
0xd6: {  	_ =	swait.ge [sflag:s10], $0x2800  }
0xd7: {  	s7 =	sadd.s32 $0x1, s7;
	s6 =	rddreg [dreg:$0x8]  }
0xd8: {  	p0 =	sne.s32 s7, s6  }
.Ltmp1:
0xd9: {  	_ = 	snop;
	(pc) =	sbr.rel @p0 .LBB2_1-.Ltmp1, $3  }
0xda: {  	_ =	sdelay $0x1  }
0xdb: {  	[sflag:s10] =	ssyncset.done $0x0  }
0xdc: {  	[sflag:s10] =	ssyncadd.s32 $0xFFFFD800  }
0xdd: {  	_ =	sfence.sel $0x180000  }
0xde: {  	[bflag:$0x0] =	sbarrier.arrive $0xFFFF  }
0xdf: {  	_ =	strace $0x9000004D  }
0xe0: {  	s0 =	stileid.u32;
	[bflag:$0x2] =	sbarrier.arrive $0xFFFF  }
0xe1: {  	p0 =	sne.s32 s0, $0x0;
	s0 =	rddreg [dreg:$0x2]  }
0xe2: {  	s0 =	sadd.s32 @!p0 $0x100000, s0  }
0xe3: {  	[sflag:s0] =	ssyncadd.tile.s32 @!p0 $0x1;
	_ =	shalt  }
.Lfunc_end2:
_tile_overlayer_lowered:
.L_overlay_start_2:
0xe4: {  	(tag) =	ssettag $0x2  }
0xe5: {  	s0 =	rddreg [dreg:$0x0];
	s2 =	stileid.u32  }
0xe6: {  	s1 =	rddreg [dreg:$0x1];
	p0 =	sne.s32 s2, $0x0  }
0xe7: {  	s3 =	rddreg [dreg:$0x2];
	[bflag:$0x3] =	sbarrier.arrive $0xFFFF;
	s2 =	simm.s32 @!p0 $0x1C03  }
0xe8: {  	[timem:s3], [sflag:s2] =	dma.local @!p0 [hbm:s0], s1  }
0xe9: {  	s0 =	simm.s32 @!p0 $0x3  }
0xea: {  	_ =	swait.ge @!p0 [sflag:s0], s1  }
0xeb: {  	s1 =	ssub.s32 @!p0 $0x0, s1;
	[sflag:s0] =	ssyncset.done @!p0 $0x0  }
0xec: {  	[sflag:s0] =	ssyncadd.s32 @!p0 s1  }
0xed: {  	[bflag:$0x3] =	sbarrier.arrive $0xFFFF  }
0xee: {  	_ =	shalt  }

// kernel: kernel.20.cloned.1.call-start
scs
__scs_entry_jumppad:
0x0: {  	(pc) =	sbr.rel $0x88, $3  }
0x1: {  	(tag) =	ssettag $0x0;
	lr =	simm.s32 $0x1  }
0x2: {  	[smem:$0x3F88] =	sst lr;
	_ =	strace $0xD0000000  }
0x3: {  	_ = 	snop  }
0x4: {  	_ = 	snop  }
0x5: {  	_ = 	snop  }
0x6: {  	_ = 	snop  }
0x7: {  	_ = 	snop  }
__scs_overlays_trampoline_lowered:
0x8: {  	[smem:$0x3F97] =	sst s0  }
0x9: {  	[smem:$0x3F98] =	sst s1  }
0xa: {  	[smem:$0x3F99] =	sst s2  }
0xb: {  	[smem:$0x3F9A] =	sst s3  }
0xc: {  	[smem:$0x3F9B] =	sst s4  }
0xd: {  	[smem:$0x3F9C] =	sst s5  }
0xe: {  	[smem:$0x3F9D] =	sst s6  }
0xf: {  	[smem:$0x3F9E] =	sst s7  }
0x10: {  	[smem:$0x3F9F] =	sst s8  }
0x11: {  	[smem:$0x3FA0] =	sst s9;
	s0 =	simm.s32 @!p0 $0x0  }
0x12: {  	s1 =	sld [smem:$0x3F86];
	s0 =	simm.s32 @p0 $0x1  }
0x13: {  	[smem:$0x3FA1] =	sst s0;
	s0 =	simm.s32 @!p1 $0x0  }
0x14: {  	s2 =	sld [smem:$0x3F85];
	s0 =	simm.s32 @p1 $0x1  }
0x15: {  	[smem:$0x3FA2] =	sst s0;
	s0 =	simm.s32 @!p2 $0x0  }
0x16: {  	s3 =	sld [smem:$0x3FDB];
	s0 =	simm.s32 @p2 $0x1  }
0x17: {  	s4 =	simm.s32 $0x1BF5;
	[smem:$0x3FA4] =	sst s0  }
0x18: {  	s0 =	sld [smem:$0x3F87];
	_ =	swait.ge [sflag:s4], $0x0  }
0x19: {  	s7 =	sld [smem:$0x3F88]  }
0x1a: {  	s8 =	sadd.s32 $0xFFFFE003, lr  }
0x1b: {  	s9 =	sadd.s32 $0xFFFFFEF7, lr;
	s5 =	simm.s32 $0xFFFFFFFF;
	p2 =	slt.u32 s8, $0xFFFFF086  }
0x1c: {  	p1 =	slt.u32 s9, $0xF7A;
	s5 =	simm.s32 @!p2 $0x0  }
0x1d: {  	s5 =	simm.s32 @p1 $0x1;
	p0 =	seq.s32 s7, s2  }
0x1e: {  	s7 =	smul.u32 @!p0 $0xF7A, s2;
	p2 =	seq.s32 @!p0 s5, $0x0  }
0x1f: {  	s9 =	smul.u32 $0xF7A, s1;
	s8 =	simm.s32 @!p0 $0x1BF5;
	p2 =	por !p2, p0  }
0x20: {  	[sflag:s8] =	ssyncset.s32 @!p0 $0xFFFFF086;
	s6 =	sadd.s32 @!p0 s3, s7;
	s7 =	simm.s32 @!p0 $0x108  }
0x21: {  	s3 =	sadd.s32 s3, s9;
	s6 =	sadd.s32 @!p0 $0x88, s6;
	s7 =	simm.s32 @p2 $0x1082  }
0x22: {  	[simem:s7], [sflag:s8] =	dma.local @!p0 [hbm:s6], $0xF7A  }
0x23: {  	s9 =	sor.u32 $0xD0000000, s2;
	s6 =	simm.s32 $0x108;
	_ =	swait.ge @!p0 [sflag:s8], $0x0  }
0x24: {  	s3 =	sadd.s32 $0x88, s3;
	s6 =	simm.s32 @!p1 $0x1082;
	[sflag:s4] =	ssyncset.s32 $0xFFFFF086  }
0x25: {  	[simem:s6], [sflag:s4] =	dma.local [hbm:s3], $0xF7A  }
0x26: {  	[smem:$0x3F88] =	sst s1;
	(tag) =	ssettag s2;
	_ =	strace s9  }
0x27: {  	s1 =	sld [smem:$0x3F98]  }
0x28: {  	s2 =	sld [smem:$0x3F99]  }
0x29: {  	s4 =	sld [smem:$0x3F9B]  }
0x2a: {  	p0 =	seq.s32 s5, $0x0;
	s5 =	sld [smem:$0x3F9C]  }
0x2b: {  	s6 =	sld [smem:$0x3F9D]  }
0x2c: {  	s7 =	sld [smem:$0x3F9E]  }
0x2d: {  	s3 =	simm.s32 $0x108;
	s8 =	sld [smem:$0x3F9F]  }
0x2e: {  	s3 =	simm.s32 @!p0 $0x1082;
	s9 =	sld [smem:$0x3FA0]  }
0x2f: {  	lr =	sadd.s32 s0, s3;
	s0 =	sld [smem:$0x3F97]  }
0x30: {  	s3 =	sld [smem:$0x3F9A]  }
0x31: {  	[smem:$0x3FA3] =	sst s10  }
0x32: {  	s10 =	sld [smem:$0x3FA1];
	_ =	sdelay $0x3  }
0x33: {  	p0 =	seq.s32 s10, $0x1;
	s10 =	sld [smem:$0x3FA3];
	_ =	sdelay $0x3  }
0x34: {  	[smem:$0x3FA3] =	sst s10  }
0x35: {  	s10 =	sld [smem:$0x3FA2];
	_ =	sdelay $0x3  }
0x36: {  	p1 =	seq.s32 s10, $0x1;
	s10 =	sld [smem:$0x3FA3];
	_ =	sdelay $0x3  }
0x37: {  	[smem:$0x3FA3] =	sst s10  }
0x38: {  	s10 =	sld [smem:$0x3FA4]  }
0x39: {  	_ = 	snop;
	(pc) =	sbr.ind lr, $3  }
0x3a: {  	_ = 	snop  }
0x3b: {  	_ = 	snop  }
0x3c: {  	p2 =	seq.s32 s10, $0x1;
	s10 =	sld [smem:$0x3FA3]  }
0x3d: {  	_ =	shalt  }
0x3e: {  	_ =	shalt  }
0x3f: {  	_ =	shalt  }
0x40: {  	_ =	shalt  }
0x41: {  	_ =	shalt  }
0x42: {  	_ =	shalt  }
0x43: {  	_ =	shalt  }
0x44: {  	_ =	shalt  }
0x45: {  	_ =	shalt  }
0x46: {  	_ =	shalt  }
0x47: {  	_ =	shalt  }
0x48: {  	_ =	shalt  }
0x49: {  	_ =	shalt  }
0x4a: {  	_ =	shalt  }
0x4b: {  	_ =	shalt  }
0x4c: {  	_ =	shalt  }
0x4d: {  	_ =	shalt  }
0x4e: {  	_ =	shalt  }
0x4f: {  	_ =	shalt  }
0x50: {  	_ =	shalt  }
0x51: {  	_ =	shalt  }
0x52: {  	_ =	shalt  }
0x53: {  	_ =	shalt  }
0x54: {  	_ =	shalt  }
0x55: {  	_ =	shalt  }
0x56: {  	_ =	shalt  }
0x57: {  	_ =	shalt  }
0x58: {  	_ =	shalt  }
0x59: {  	_ =	shalt  }
0x5a: {  	_ =	shalt  }
0x5b: {  	_ =	shalt  }
0x5c: {  	_ =	shalt  }
0x5d: {  	_ =	shalt  }
0x5e: {  	_ =	shalt  }
0x5f: {  	_ =	shalt  }
0x60: {  	_ =	shalt  }
0x61: {  	_ =	shalt  }
0x62: {  	_ =	shalt  }
0x63: {  	_ =	shalt  }
0x64: {  	_ =	shalt  }
0x65: {  	_ =	shalt  }
0x66: {  	_ =	shalt  }
0x67: {  	_ =	shalt  }
0x68: {  	_ =	shalt  }
0x69: {  	_ =	shalt  }
0x6a: {  	_ =	shalt  }
0x6b: {  	_ =	shalt  }
0x6c: {  	_ =	shalt  }
0x6d: {  	_ =	shalt  }
0x6e: {  	_ =	shalt  }
0x6f: {  	_ =	shalt  }
0x70: {  	_ =	shalt  }
0x71: {  	_ =	shalt  }
0x72: {  	_ =	shalt  }
0x73: {  	_ =	shalt  }
0x74: {  	_ =	shalt  }
0x75: {  	_ =	shalt  }
0x76: {  	_ =	shalt  }
0x77: {  	_ =	shalt  }
0x78: {  	_ =	shalt  }
0x79: {  	_ =	shalt  }
0x7a: {  	_ =	shalt  }
0x7b: {  	_ =	shalt  }
0x7c: {  	_ =	shalt  }
0x7d: {  	_ =	shalt  }
0x7e: {  	_ =	shalt  }
0x7f: {  	_ =	shalt  }
0x80: {  	_ =	shalt  }
0x81: {  	_ =	shalt  }
0x82: {  	_ =	shalt  }
0x83: {  	_ =	shalt  }
0x84: {  	_ =	shalt  }
0x85: {  	_ =	shalt  }
0x86: {  	_ =	shalt  }
0x87: {  	_ =	shalt  }
.Lfunc_end0:
.L_simem_size_0:
called_computation.3_lowered:
.L_overlay_start_0:
0x88: {  	s2 =	sld [smem:$0x3FD9]  }
0x89: {  	s3 =	sld [smem:$0x3FFE];
	_ =	sdelay $0x1  }
0x8a: {  	s1 =	srdreg.scid  }
0x8b: {  	s0 =	sand.u32 $0x1, s1  }
0x8c: {  	s16 =	sshll.u32 s0, $0xA;
	s2 =	sadd.s32 s3, s2  }
0x8d: {  	s2 =	sadd.s32 s2, s16  }
0x8e: {  	[smem:$0x3FAF] =	sst s2  }
0x8f: {  	_ = 	snop  }
0x90: {  	(tm) =	ssettm $0x1  }
0x91: {  	s17 =	sld [smem:$0x3FFB];
	_ =	sdelay $0x3  }
0x92: {  	_ =	strace s17  }
0x93: {  	s2 =	sld [smem:$0x3FFC];
	_ =	sdelay $0x3  }
0x94: {  	_ =	strace s2  }
0x95: {  	s2 =	sld [smem:$0x3FFD];
	_ =	sdelay $0x3  }
0x96: {  	_ =	strace s2  }
0x97: {  	_ =	strace $0x8FFFFFFF  }
0x98: {  	s18 =	sld [smem:$0x3FDB];
	_ =	sdelay $0x1  }
0x99: {  	s19 =	simm.s32 $_scs_section_size  }
0x9a: {  	s4 =	simm.s32 $_size__tile_overlayer_lowered;
	s5 =	simm.s32 $_tile_overlayer_lowered  }
0x9b: {  	s22 =	simm.s32 $0x1BFF;
	s21 =	sshll.u32 s5, $0x1;
	s2 =	sadd.s32 s19, s18  }
0x9c: {  	s6 =	simm.s32 $0x0;
	s20 =	sshll.u32 s4, $0x1;
	s4 =	sadd.s32 s21, s2  }
0x9d: {  	[timem:s6], [sflag:s22] =	dma.local [hbm:s4], s20  }
0x9e: {  	_ =	swait.ge [sflag:s22], s20  }
0x9f: {  	s3 =	ssub.s32 $0x0, s20;
	[sflag:s22] =	ssyncset.done $0x0  }
0xa0: {  	[sflag:s22] =	ssyncadd.s32 s3;
	_ =	sdelay $0x1  }
0xa1: {  	s23 =	simm.s32 $0x1B8B  }
0xa2: {  	_ =	swait.ge [sflag:s23], $0x1  }
0xa3: {  	[sflag:s23] =	ssyncset.done $0x0  }
0xa4: {  	s25 =	simm.s32 $0x1B8E;
	s24 =	sld [smem:$0x3FFE];
	[sflag:s23] =	ssyncadd.s32 $0xFFFFFFFF  }
0xa5: {  	s26 =	simm.s32 $execute0_lowered;
	[smem:$0x3FD2] =	sst s25  }
0xa6: {  	s4 =	sshll.u32 s26, $0x1;
	_ =	strace $0x8000004F;
	[dreg:$0x1] =	wrdreg $0xFFFFFFFF  }
0xa7: {  	s28 =	simm.s32 $_size_execute0_lowered;
	s2 =	sadd.s32 s2, s4;
	[dreg:$0x0] =	wrdreg $0x0  }
0xa8: {  	s4 =	sshll.u32 s28, $0x1;
	[dreg:$0x2] =	wrdreg s2  }
0xa9: {  	[dreg:$0x3] =	wrdreg s4  }
0xaa: {  	[dreg:$0x4] =	wrdreg $0xC0  }
0xab: {  	_ =	task [dreg:s6], $0x5FFFF  }
0xac: {  	[dreg:$0x1] =	wrdreg $0xFFFFFFFF  }
0xad: {  	[dreg:$0x0] =	wrdreg $0x60  }
0xae: {  	[dreg:$0x2] =	wrdreg s24  }
0xaf: {  	[dreg:$0x3] =	wrdreg $0x90000  }
0xb0: {  	[dreg:$0x4] =	wrdreg $0x9  }
0xb1: {  	_ =	task.clear_ibuf [dreg:s6], $0x5FFFF;
	_ =	strace $0x9000004F  }
0xb2: {  	s29 =	simm.s32 $0x9;
	_ =	strace $0x80000051  }
0xb3: {  	_ =	swait.ge [sflag:s29], $0x1  }
0xb4: {  	[sflag:s29] =	ssyncadd.s32 $0xFFFFFFFF  }
0xb5: {  	_ =	strace $0x90000051  }
0xb6: {  	_ =	sfence  }
0xb7: {  	s30 =	sld [smem:$0x0];
	_ =	sdelay $0x2  }
0xb8: {  	s31 =	sshll.u32 s1, $0xD;
	s1 =	sshrl.u32 s1, $0x2  }
0xb9: {  	s3 =	sand.u32 $0x4000, s31;
	s1 =	sadd.s32 s1, s30  }
0xba: {  	s0 =	sor.u32 s3, s0;
	s1 =	sshll.u32 s1, $0x11  }
0xbb: {  	s0 =	sor.u32 s1, s0  }
0xbc: {  	s0 =	sadd.s32 $0x8F2B, s0  }
0xbd: {  	[sflag:s0] =	ssyncadd.remote.s32 $0x1  }
0xbe: {  	_ =	sfence.sel $0xFFFF  }
0xbf: {  	[dreg:$0x0] =	wrdreg $0xFFFFFFFF;
	(pc) =	sbr.abs _section_cstart, $3  }
0xc0: {  	[dreg:$0x1] =	wrdreg $0xFFFFFFFF  }
0xc1: {  	_ =	task.clear_ibuf [dreg:s6], $0x2FFFF;
	_ =	strace $0x9FFFFFFF  }
0xc2: {  	(tm) =	ssettm $0x7FFFFFFF  }
0xc3: {  	_ =	shalt  }
tec
execute0_lowered:
.L_overlay_start_1:
0x0: {  	(tag) =	ssettag $0x1  }
0x1: {  	s0 =	rddreg [dreg:$0x0]  }
0x2: {  	s1 =	rddreg [dreg:$0x1];
	s2 =	srdreg.scid;
	s3 =	simm.s32 $0x0  }
0x3: {  	s9 =	stileid.u32;
	s11 =	simm.s32 $0x800;
	s12 =	simm.s32 $0x80  }
0x4: {  	s13 =	simm.s32 $0x1000;
	s14 =	simm.s32 $0x5000;
	s15 =	simm.s32 $0x1  }
0x5: {  	s16 =	simm.s32 $0x100;
	s17 =	simm.s32 $0x2;
	s18 =	simm.s32 $0x880  }
0x6: {  	s19 =	simm.s32 $0x180;
	s20 =	simm.s32 $0x900;
	s28 =	simm.s32 $0x380  }
0x7: {  	s29 =	simm.s32 $0xB00;
	s30 =	simm.s32 $0x400;
	s31 =	simm.s32 $0xB80  }
0x8: {  	s2 =	sand.u32 $0x1, s2;
	[smem:$0x7FF] =	sst s3;
	s6 =	smul.u32 $0x14000, s9  }
0x9: {  	s7 =	sshll.u32 s9, $0xC;
	s4 =	sadd.s32 $0x25E00, s0;
	s8 =	smul.u32 $0x50000, s9  }
0xa: {  	s10 =	sadd.s32 $0x4D000, s0;
	s24 =	sshll.u32 s9, $0x6;
	s5 =	smul.u32 $0x140000, s2  }
0xb: {  	_ =	strace $0x80000050;
	s7 =	sadd.s32 s7, s0;
	s21 =	ssub.s32 $0x2, s2  }
0xc: {  	[dreg:$0x5] =	wrdreg s10;
	s2 =	sshll.u32 s2, $0xB;
	s9 =	sor.u32 $0x1C03, s24  }
0xd: {  	s10 =	simm.s32 $0x3;
	s24 =	simm.s32 $0xA00;
	s22 =	sshrl.u32 s21, $0x1  }
0xe: {  	s23 =	sshrl.u32 s8, $0x2;
	s2 =	sadd.s32 s2, s7;
	s7 =	simm.s32 $0x0  }
0xf: {  	[dreg:$0x6] =	wrdreg s9;
	s5 =	sadd.s32 s6, s5;
	s8 =	sadd.s32 s23, s1  }
0x10: {  	s25 =	sadd.s32 $0x15E00, s2;
	s26 =	sadd.s32 $0x5E00, s2;
	s23 =	simm.s32 $0x280  }
0x11: {  	s2 =	simm.s32 $0xC00;
	s5 =	sshrl.u32 s5, $0x3;
	[dreg:$0x3] =	wrdreg s25  }
0x12: {  	[dreg:$0x4] =	wrdreg s26;
	s8 =	sshrl.u32 s8, $0x3;
	s25 =	simm.s32 $0x300  }
0x13: {  	s26 =	simm.s32 $0xA80;
	s0 =	sadd.s32 s5, s0;
	s5 =	ssub.s32 s21, s22  }
0x14: {  	s21 =	simm.s32 $0x200;
	[dreg:$0x9] =	wrdreg s8;
	s0 =	sadd.s32 $0x4F800, s0  }
0x15: {  	s22 =	simm.s32 $0x980;
	s5 =	smax.u32 s5, $0x1;
	[dreg:$0x7] =	wrdreg s0  }
0x16: {  	[dreg:$0x8] =	wrdreg s5;
	s0 =	simm.s32 $0x480;
	s5 =	simm.s32 $0xC80  }
.LBB2_1:
0x17: {  	s6 =	rddreg [dreg:$0x5]  }
0x18: {  	[spmem:s8], [sflag:s9] =	dma.local [hbm:s6], $0x2800  }
0x19: {  	_ =	swait.ge [sflag:s10], $0x2800  }
0x1a: {  	[sflag:s10] =	ssyncset.done $0x0  }
0x1b: {  	[sflag:s10] =	ssyncadd.s32 $0xFFFFD800  }
0x1c: {  	[bflag:$0x0] =	sbarrier.arrive $0xFFFF  }
0x1d: {  	s6 =	rddreg [dreg:$0x4]  }
0x1e: {  	s8 =	sadd.s32 $0x0, s6  }
0x1f: {  	[tilespmem:s3], [sflag:$0x3] =	stream.linear.gather [hbm4b:s8+s3], $0x500, $0x38;
	[tilespmem:$0x1D000] =	vst v63  }
0x20: {  	_ =	swait.ge [sflag:s10], $0x500  }
0x21: {  	s9 =	rddreg [dreg:$0x3];
	[sflag:s10] =	ssyncset.done $0x0  }
0x22: {  	[sflag:s10] =	ssyncadd.s32 $0xFFFFFB00;
	s8 =	sadd.s32 $0x0, s9  }
0x23: {  	[tilespmem:s11], [sflag:$0x3] =	stream.linear.gather [hbm4b:s8+s3], $0x500, $0x38;
	[tilespmem:$0x1D000] =	vst v63  }
0x24: {  	_ =	swait.ge [sflag:s10], $0x500  }
0x25: {  	[sflag:s10] =	ssyncset.done $0x0  }
0x26: {  	[sflag:s10] =	ssyncadd.s32 $0xFFFFFB00  }
0x27: {  	[tilespmem:s13], [sflag:$0x1] =	stream.indirect.gather [hbm4b:s4+s12], $0x80, s3, s12, $0xb8;
	[tilespmem:$0x1D000] =	vst v63  }
0x28: {  	_ = 	snop  }
0x29: {  	[tilespmem:s14], [sflag:$0x2] =	stream.indirect.gather [hbm4b:s4+s12], $0x80, s12, s12, $0xb8;
	[tilespmem:$0x1D000] =	vst v63  }
0x2a: {  	_ =	swait.ge [sflag:s15], $0x4000  }
0x2b: {  	[sflag:s15] =	ssyncset.done $0x0  }
0x2c: {  	[sflag:s15] =	ssyncadd.s32 $0xFFFFC000  }
0x2d: {  	[spmem:s1] =	stream.indirect.scatter.add.f32 [tilespmem:s13], [sflag:$0x3], $0x80, s11, s12, $0xb8;
	[tilespmem:$0x1D000] =	vst v63  }
0x2e: {  	_ =	swait.ge [sflag:s10], $0x4000  }
0x2f: {  	[sflag:s10] =	ssyncset.done $0x0  }
0x30: {  	[sflag:s10] =	ssyncadd.s32 $0xFFFFC000  }
0x31: {  	[tilespmem:s13], [sflag:$0x1] =	stream.indirect.gather [hbm4b:s4+s12], $0x80, s16, s12, $0xb8;
	[tilespmem:$0x1D000] =	vst v63  }
0x32: {  	_ =	swait.ge [sflag:s17], $0x4000  }
0x33: {  	[sflag:s17] =	ssyncset.done $0x0  }
0x34: {  	[sflag:s17] =	ssyncadd.s32 $0xFFFFC000  }
0x35: {  	[spmem:s1] =	stream.indirect.scatter.add.f32 [tilespmem:s14], [sflag:$0x3], $0x80, s18, s12, $0xb8;
	[tilespmem:$0x1D000] =	vst v63  }
0x36: {  	_ =	swait.ge [sflag:s10], $0x4000  }
0x37: {  	[sflag:s10] =	ssyncset.done $0x0  }
0x38: {  	[sflag:s10] =	ssyncadd.s32 $0xFFFFC000  }
0x39: {  	[tilespmem:s14], [sflag:$0x2] =	stream.indirect.gather [hbm4b:s4+s12], $0x80, s19, s12, $0xb8;
	[tilespmem:$0x1D000] =	vst v63  }
0x3a: {  	_ =	swait.ge [sflag:s15], $0x4000  }
0x3b: {  	[sflag:s15] =	ssyncset.done $0x0  }
0x3c: {  	[sflag:s15] =	ssyncadd.s32 $0xFFFFC000  }
0x3d: {  	[spmem:s1] =	stream.indirect.scatter.add.f32 [tilespmem:s13], [sflag:$0x3], $0x80, s20, s12, $0xb8;
	[tilespmem:$0x1D000] =	vst v63  }
0x3e: {  	_ =	swait.ge [sflag:s10], $0x4000  }
0x3f: {  	[sflag:s10] =	ssyncset.done $0x0  }
0x40: {  	[sflag:s10] =	ssyncadd.s32 $0xFFFFC000  }
0x41: {  	[tilespmem:s13], [sflag:$0x1] =	stream.indirect.gather [hbm4b:s4+s12], $0x80, s21, s12, $0xb8;
	[tilespmem:$0x1D000] =	vst v63  }
0x42: {  	_ =	swait.ge [sflag:s17], $0x4000  }
0x43: {  	[sflag:s17] =	ssyncset.done $0x0  }
0x44: {  	[sflag:s17] =	ssyncadd.s32 $0xFFFFC000  }
0x45: {  	[spmem:s1] =	stream.indirect.scatter.add.f32 [tilespmem:s14], [sflag:$0x3], $0x80, s22, s12, $0xb8;
	[tilespmem:$0x1D000] =	vst v63  }
0x46: {  	_ =	swait.ge [sflag:s10], $0x4000  }
0x47: {  	[sflag:s10] =	ssyncset.done $0x0  }
0x48: {  	[sflag:s10] =	ssyncadd.s32 $0xFFFFC000  }
0x49: {  	[tilespmem:s14], [sflag:$0x2] =	stream.indirect.gather [hbm4b:s4+s12], $0x80, s23, s12, $0xb8;
	[tilespmem:$0x1D000] =	vst v63  }
0x4a: {  	_ =	swait.ge [sflag:s15], $0x4000  }
0x4b: {  	[sflag:s15] =	ssyncset.done $0x0  }
0x4c: {  	[sflag:s15] =	ssyncadd.s32 $0xFFFFC000  }
0x4d: {  	[spmem:s1] =	stream.indirect.scatter.add.f32 [tilespmem:s13], [sflag:$0x3], $0x80, s24, s12, $0xb8;
	[tilespmem:$0x1D000] =	vst v63  }
0x4e: {  	_ =	swait.ge [sflag:s10], $0x4000  }
0x4f: {  	[sflag:s10] =	ssyncset.done $0x0  }
0x50: {  	[sflag:s10] =	ssyncadd.s32 $0xFFFFC000  }
0x51: {  	[tilespmem:s13], [sflag:$0x1] =	stream.indirect.gather [hbm4b:s4+s12], $0x80, s25, s12, $0xb8;
	[tilespmem:$0x1D000] =	vst v63  }
0x52: {  	_ =	swait.ge [sflag:s17], $0x4000  }
0x53: {  	[sflag:s17] =	ssyncset.done $0x0  }
0x54: {  	[sflag:s17] =	ssyncadd.s32 $0xFFFFC000  }
0x55: {  	[spmem:s1] =	stream.indirect.scatter.add.f32 [tilespmem:s14], [sflag:$0x3], $0x80, s26, s12, $0xb8;
	[tilespmem:$0x1D000] =	vst v63  }
0x56: {  	_ =	swait.ge [sflag:s10], $0x4000  }
0x57: {  	[sflag:s10] =	ssyncset.done $0x0  }
0x58: {  	[sflag:s10] =	ssyncadd.s32 $0xFFFFC000  }
0x59: {  	[tilespmem:s14], [sflag:$0x2] =	stream.indirect.gather [hbm4b:s4+s12], $0x80, s28, s12, $0xb8;
	[tilespmem:$0x1D000] =	vst v63  }
0x5a: {  	_ =	swait.ge [sflag:s15], $0x4000  }
0x5b: {  	[sflag:s15] =	ssyncset.done $0x0  }
0x5c: {  	[sflag:s15] =	ssyncadd.s32 $0xFFFFC000  }
0x5d: {  	[spmem:s1] =	stream.indirect.scatter.add.f32 [tilespmem:s13], [sflag:$0x3], $0x80, s29, s12, $0xb8;
	[tilespmem:$0x1D000] =	vst v63  }
0x5e: {  	_ =	swait.ge [sflag:s10], $0x4000  }
0x5f: {  	[sflag:s10] =	ssyncset.done $0x0  }
0x60: {  	[sflag:s10] =	ssyncadd.s32 $0xFFFFC000  }
0x61: {  	[tilespmem:s13], [sflag:$0x1] =	stream.indirect.gather [hbm4b:s4+s12], $0x80, s30, s12, $0xb8;
	[tilespmem:$0x1D000] =	vst v63  }
0x62: {  	_ =	swait.ge [sflag:s17], $0x4000  }
0x63: {  	[sflag:s17] =	ssyncset.done $0x0  }
0x64: {  	[sflag:s17] =	ssyncadd.s32 $0xFFFFC000  }
0x65: {  	[spmem:s1] =	stream.indirect.scatter.add.f32 [tilespmem:s14], [sflag:$0x3], $0x80, s31, s12, $0xb8;
	[tilespmem:$0x1D000] =	vst v63  }
0x66: {  	_ =	swait.ge [sflag:s10], $0x4000  }
0x67: {  	[sflag:s10] =	ssyncset.done $0x0  }
0x68: {  	[sflag:s10] =	ssyncadd.s32 $0xFFFFC000  }
0x69: {  	[tilespmem:s14], [sflag:$0x2] =	stream.indirect.gather [hbm4b:s4+s12], $0x80, s0, s12, $0xb8;
	[tilespmem:$0x1D000] =	vst v63  }
0x6a: {  	_ =	swait.ge [sflag:s15], $0x4000  }
0x6b: {  	[sflag:s15] =	ssyncset.done $0x0  }
0x6c: {  	[sflag:s15] =	ssyncadd.s32 $0xFFFFC000  }
0x6d: {  	[spmem:s1] =	stream.indirect.scatter.add.f32 [tilespmem:s13], [sflag:$0x3], $0x80, s2, s12, $0xb8;
	[tilespmem:$0x1D000] =	vst v63  }
0x6e: {  	_ =	swait.ge [sflag:s10], $0x4000  }
0x6f: {  	[sflag:s10] =	ssyncset.done $0x0  }
0x70: {  	[sflag:s10] =	ssyncadd.s32 $0xFFFFC000  }
0x71: {  	_ =	swait.ge [sflag:s17], $0x4000  }
0x72: {  	[sflag:s17] =	ssyncset.done $0x0  }
0x73: {  	[sflag:s17] =	ssyncadd.s32 $0xFFFFC000  }
0x74: {  	[spmem:s1] =	stream.indirect.scatter.add.f32 [tilespmem:s14], [sflag:$0x3], $0x80, s5, s12, $0xb8;
	[tilespmem:$0x1D000] =	vst v63  }
0x75: {  	s8 =	simm.s32 $0x100;
	_ =	swait.ge [sflag:s10], $0x4000  }
.LBB2_2:
0x76: {  	s6 =	rddreg [dreg:$0x4];
	s9 =	smov.u32 s8;
	[sflag:s10] =	ssyncset.done $0x0  }
0x77: {  	s6 =	sadd.s32 s9, s6;
	[sflag:s10] =	ssyncadd.s32 $0xFFFFC000  }
0x78: {  	[tilespmem:s3], [sflag:$0x3] =	stream.linear.gather [hbm4b:s6+s3], $0x500, $0x38;
	[tilespmem:$0x1D000] =	vst v63  }
0x79: {  	_ =	swait.ge [sflag:s10], $0x500  }
0x7a: {  	s6 =	rddreg [dreg:$0x3];
	[sflag:s10] =	ssyncset.done $0x0  }
0x7b: {  	[sflag:s10] =	ssyncadd.s32 $0xFFFFFB00;
	s6 =	sadd.s32 s9, s6  }
0x7c: {  	[tilespmem:s11], [sflag:$0x3] =	stream.linear.gather [hbm4b:s6+s3], $0x500, $0x38;
	[tilespmem:$0x1D000] =	vst v63  }
0x7d: {  	_ =	swait.ge [sflag:s10], $0x500  }
0x7e: {  	[sflag:s10] =	ssyncset.done $0x0  }
0x7f: {  	[sflag:s10] =	ssyncadd.s32 $0xFFFFFB00  }
0x80: {  	[tilespmem:s13], [sflag:$0x1] =	stream.indirect.gather [hbm4b:s4+s12], $0x80, s3, s12, $0xb8;
	[tilespmem:$0x1D000] =	vst v63  }
0x81: {  	_ = 	snop  }
0x82: {  	[tilespmem:s14], [sflag:$0x2] =	stream.indirect.gather [hbm4b:s4+s12], $0x80, s12, s12, $0xb8;
	[tilespmem:$0x1D000] =	vst v63  }
0x83: {  	_ =	swait.ge [sflag:s15], $0x4000  }
0x84: {  	[sflag:s15] =	ssyncset.done $0x0  }
0x85: {  	[sflag:s15] =	ssyncadd.s32 $0xFFFFC000  }
0x86: {  	[spmem:s1] =	stream.indirect.scatter.add.f32 [tilespmem:s13], [sflag:$0x3], $0x80, s11, s12, $0xb8;
	[tilespmem:$0x1D000] =	vst v63  }
0x87: {  	_ =	swait.ge [sflag:s10], $0x4000  }
0x88: {  	[sflag:s10] =	ssyncset.done $0x0  }
0x89: {  	[sflag:s10] =	ssyncadd.s32 $0xFFFFC000  }
0x8a: {  	[tilespmem:s13], [sflag:$0x1] =	stream.indirect.gather [hbm4b:s4+s12], $0x80, s16, s12, $0xb8;
	[tilespmem:$0x1D000] =	vst v63  }
0x8b: {  	_ =	swait.ge [sflag:s17], $0x4000  }
0x8c: {  	[sflag:s17] =	ssyncset.done $0x0  }
0x8d: {  	[sflag:s17] =	ssyncadd.s32 $0xFFFFC000  }
0x8e: {  	[spmem:s1] =	stream.indirect.scatter.add.f32 [tilespmem:s14], [sflag:$0x3], $0x80, s18, s12, $0xb8;
	[tilespmem:$0x1D000] =	vst v63  }
0x8f: {  	_ =	swait.ge [sflag:s10], $0x4000  }
0x90: {  	[sflag:s10] =	ssyncset.done $0x0  }
0x91: {  	[sflag:s10] =	ssyncadd.s32 $0xFFFFC000  }
0x92: {  	[tilespmem:s14], [sflag:$0x2] =	stream.indirect.gather [hbm4b:s4+s12], $0x80, s19, s12, $0xb8;
	[tilespmem:$0x1D000] =	vst v63  }
0x93: {  	_ =	swait.ge [sflag:s15], $0x4000  }
0x94: {  	[sflag:s15] =	ssyncset.done $0x0  }
0x95: {  	[sflag:s15] =	ssyncadd.s32 $0xFFFFC000  }
0x96: {  	[spmem:s1] =	stream.indirect.scatter.add.f32 [tilespmem:s13], [sflag:$0x3], $0x80, s20, s12, $0xb8;
	[tilespmem:$0x1D000] =	vst v63  }
0x97: {  	_ =	swait.ge [sflag:s10], $0x4000  }
0x98: {  	[sflag:s10] =	ssyncset.done $0x0  }
0x99: {  	[sflag:s10] =	ssyncadd.s32 $0xFFFFC000  }
0x9a: {  	[tilespmem:s13], [sflag:$0x1] =	stream.indirect.gather [hbm4b:s4+s12], $0x80, s21, s12, $0xb8;
	[tilespmem:$0x1D000] =	vst v63  }
0x9b: {  	_ =	swait.ge [sflag:s17], $0x4000  }
0x9c: {  	[sflag:s17] =	ssyncset.done $0x0  }
0x9d: {  	[sflag:s17] =	ssyncadd.s32 $0xFFFFC000  }
0x9e: {  	[spmem:s1] =	stream.indirect.scatter.add.f32 [tilespmem:s14], [sflag:$0x3], $0x80, s22, s12, $0xb8;
	[tilespmem:$0x1D000] =	vst v63  }
0x9f: {  	_ =	swait.ge [sflag:s10], $0x4000  }
0xa0: {  	[sflag:s10] =	ssyncset.done $0x0  }
0xa1: {  	[sflag:s10] =	ssyncadd.s32 $0xFFFFC000  }
0xa2: {  	[tilespmem:s14], [sflag:$0x2] =	stream.indirect.gather [hbm4b:s4+s12], $0x80, s23, s12, $0xb8;
	[tilespmem:$0x1D000] =	vst v63  }
0xa3: {  	_ =	swait.ge [sflag:s15], $0x4000  }
0xa4: {  	[sflag:s15] =	ssyncset.done $0x0  }
0xa5: {  	[sflag:s15] =	ssyncadd.s32 $0xFFFFC000  }
0xa6: {  	[spmem:s1] =	stream.indirect.scatter.add.f32 [tilespmem:s13], [sflag:$0x3], $0x80, s24, s12, $0xb8;
	[tilespmem:$0x1D000] =	vst v63  }
0xa7: {  	_ =	swait.ge [sflag:s10], $0x4000  }
0xa8: {  	[sflag:s10] =	ssyncset.done $0x0  }
0xa9: {  	[sflag:s10] =	ssyncadd.s32 $0xFFFFC000  }
0xaa: {  	[tilespmem:s13], [sflag:$0x1] =	stream.indirect.gather [hbm4b:s4+s12], $0x80, s25, s12, $0xb8;
	[tilespmem:$0x1D000] =	vst v63  }
0xab: {  	_ =	swait.ge [sflag:s17], $0x4000  }
0xac: {  	[sflag:s17] =	ssyncset.done $0x0  }
0xad: {  	[sflag:s17] =	ssyncadd.s32 $0xFFFFC000  }
0xae: {  	[spmem:s1] =	stream.indirect.scatter.add.f32 [tilespmem:s14], [sflag:$0x3], $0x80, s26, s12, $0xb8;
	[tilespmem:$0x1D000] =	vst v63  }
0xaf: {  	_ =	swait.ge [sflag:s10], $0x4000  }
0xb0: {  	[sflag:s10] =	ssyncset.done $0x0  }
0xb1: {  	[sflag:s10] =	ssyncadd.s32 $0xFFFFC000  }
0xb2: {  	[tilespmem:s14], [sflag:$0x2] =	stream.indirect.gather [hbm4b:s4+s12], $0x80, s28, s12, $0xb8;
	[tilespmem:$0x1D000] =	vst v63  }
0xb3: {  	_ =	swait.ge [sflag:s15], $0x4000  }
0xb4: {  	[sflag:s15] =	ssyncset.done $0x0  }
0xb5: {  	[sflag:s15] =	ssyncadd.s32 $0xFFFFC000  }
0xb6: {  	[spmem:s1] =	stream.indirect.scatter.add.f32 [tilespmem:s13], [sflag:$0x3], $0x80, s29, s12, $0xb8;
	[tilespmem:$0x1D000] =	vst v63  }
0xb7: {  	_ =	swait.ge [sflag:s10], $0x4000  }
0xb8: {  	[sflag:s10] =	ssyncset.done $0x0  }
0xb9: {  	[sflag:s10] =	ssyncadd.s32 $0xFFFFC000  }
0xba: {  	[tilespmem:s13], [sflag:$0x1] =	stream.indirect.gather [hbm4b:s4+s12], $0x80, s30, s12, $0xb8;
	[tilespmem:$0x1D000] =	vst v63  }
0xbb: {  	_ =	swait.ge [sflag:s17], $0x4000  }
0xbc: {  	[sflag:s17] =	ssyncset.done $0x0  }
0xbd: {  	[sflag:s17] =	ssyncadd.s32 $0xFFFFC000  }
0xbe: {  	[spmem:s1] =	stream.indirect.scatter.add.f32 [tilespmem:s14], [sflag:$0x3], $0x80, s31, s12, $0xb8;
	[tilespmem:$0x1D000] =	vst v63  }
0xbf: {  	_ =	swait.ge [sflag:s10], $0x4000  }
0xc0: {  	[sflag:s10] =	ssyncset.done $0x0  }
0xc1: {  	[sflag:s10] =	ssyncadd.s32 $0xFFFFC000  }
0xc2: {  	[tilespmem:s14], [sflag:$0x2] =	stream.indirect.gather [hbm4b:s4+s12], $0x80, s0, s12, $0xb8;
	[tilespmem:$0x1D000] =	vst v63  }
0xc3: {  	_ =	swait.ge [sflag:s15], $0x4000  }
0xc4: {  	[sflag:s15] =	ssyncset.done $0x0  }
0xc5: {  	[sflag:s15] =	ssyncadd.s32 $0xFFFFC000  }
0xc6: {  	[spmem:s1] =	stream.indirect.scatter.add.f32 [tilespmem:s13], [sflag:$0x3], $0x80, s2, s12, $0xb8;
	[tilespmem:$0x1D000] =	vst v63  }
0xc7: {  	_ =	swait.ge [sflag:s10], $0x4000  }
0xc8: {  	[sflag:s10] =	ssyncset.done $0x0  }
0xc9: {  	p0 =	sne.s32 s8, $0x700;
	[sflag:s10] =	ssyncadd.s32 $0xFFFFC000  }
.Ltmp0:
0xca: {  	_ =	swait.ge [sflag:s17], $0x4000;
	(pc) =	sbr.rel @p0 .LBB2_2-.Ltmp0, $4  }
0xcb: {  	[sflag:s17] =	ssyncset.done $0x0  }
0xcc: {  	[sflag:s17] =	ssyncadd.s32 $0xFFFFC000  }
0xcd: {  	[spmem:s1] =	stream.indirect.scatter.add.f32 [tilespmem:s14], [sflag:$0x3], $0x80, s5, s12, $0xb8;
	[tilespmem:$0x1D000] =	vst v63  }
0xce: {  	s8 =	sadd.s32 $0x100, s8;
	_ =	swait.ge [sflag:s10], $0x4000  }
0xcf: {  	[sflag:s10] =	ssyncset.done $0x0  }
0xd0: {  	[sflag:s10] =	ssyncadd.s32 $0xFFFFC000  }
0xd1: {  	[bflag:$0x0] =	sbarrier.arrive $0xFFFF  }
0xd2: {  	s9 =	rddreg [dreg:$0x6]  }
0xd3: {  	s6 =	rddreg [dreg:$0x7]  }
0xd4: {  	s8 =	rddreg [dreg:$0x9]  }
0xd5: {  	[hbm:s6], [sflag:s9] =	dma.local [spmem:s8], $0x2800  }
0xd6: {  	_ =	swait.ge [sflag:s10], $0x2800  }
0xd7: {  	s7 =	sadd.s32 $0x1, s7;
	s6 =	rddreg [dreg:$0x8]  }
0xd8: {  	p0 =	sne.s32 s7, s6  }
.Ltmp1:
0xd9: {  	_ = 	snop;
	(pc) =	sbr.rel @p0 .LBB2_1-.Ltmp1, $3  }
0xda: {  	_ =	sdelay $0x1  }
0xdb: {  	[sflag:s10] =	ssyncset.done $0x0  }
0xdc: {  	[sflag:s10] =	ssyncadd.s32 $0xFFFFD800  }
0xdd: {  	_ =	sfence.sel $0x180000  }
0xde: {  	[bflag:$0x0] =	sbarrier.arrive $0xFFFF  }
0xdf: {  	_ =	strace $0x90000050  }
0xe0: {  	s0 =	stileid.u32;
	[bflag:$0x2] =	sbarrier.arrive $0xFFFF  }
0xe1: {  	p0 =	sne.s32 s0, $0x0;
	s0 =	rddreg [dreg:$0x2]  }
0xe2: {  	s0 =	sadd.s32 @!p0 $0x100000, s0  }
0xe3: {  	[sflag:s0] =	ssyncadd.tile.s32 @!p0 $0x1;
	_ =	shalt  }
.Lfunc_end2:
_tile_overlayer_lowered:
.L_overlay_start_2:
0xe4: {  	(tag) =	ssettag $0x2  }
0xe5: {  	s0 =	rddreg [dreg:$0x0];
	s2 =	stileid.u32  }
0xe6: {  	s1 =	rddreg [dreg:$0x1];
	p0 =	sne.s32 s2, $0x0  }
0xe7: {  	s3 =	rddreg [dreg:$0x2];
	[bflag:$0x3] =	sbarrier.arrive $0xFFFF;
	s2 =	simm.s32 @!p0 $0x1C03  }
0xe8: {  	[timem:s3], [sflag:s2] =	dma.local @!p0 [hbm:s0], s1  }
0xe9: {  	s0 =	simm.s32 @!p0 $0x3  }
0xea: {  	_ =	swait.ge @!p0 [sflag:s0], s1  }
0xeb: {  	s1 =	ssub.s32 @!p0 $0x0, s1;
	[sflag:s0] =	ssyncset.done @!p0 $0x0  }
0xec: {  	[sflag:s0] =	ssyncadd.s32 @!p0 s1  }
0xed: {  	[bflag:$0x3] =	sbarrier.arrive $0xFFFF  }
0xee: {  	_ =	shalt  }

</sc_bundles>
